<compile_context>
chip_gen: v7x
topology: tpu7x:2x2x1
jax: 0.10.2.dev20260603
libtpu: 0.0.44.dev20260713+nightly
codegen_flags: <defaults>
</compile_context>

<pallas_src>
import functools

import jax
import jax.numpy as jnp
from jax import lax
from jax.experimental import pallas as pl
from jax.experimental.pallas import tpu as pltpu
from jax.experimental.pallas import tpu_sc as plsc

N = 10000
E = 320000
F = 128
NCLASS = 40

NP = 10240
NSUB = 16
NCORE = 2
NW = NCORE * NSUB
C = 128
K = 80
EPAD = NW * K * C
ROWS_PER_SUB = NP // NSUB

_mesh = plsc.VectorSubcoreMesh(core_axis_name="c", subcore_axis_name="s")


@functools.partial(
    pl.kernel,
    mesh=_mesh,
    out_type=jax.ShapeDtypeStruct((NCORE, NP, F), jnp.float32),
    scratch_types=[
        pltpu.VMEM((K, C), jnp.int32),
        pltpu.VMEM((C, F), jnp.float32),
        pltpu.VMEM_SHARED((NP, F), jnp.float32),
    ],
)
def _deg(dst_hbm, ones_hbm, zeros_hbm, out_hbm, dst_v, ones_v, acc):
    cid = lax.axis_index("c")
    sid = lax.axis_index("s")
    w = cid * NSUB + sid
    r0 = sid * ROWS_PER_SUB
    pltpu.sync_copy(zeros_hbm, acc.at[pl.ds(r0, ROWS_PER_SUB)])
    pltpu.sync_copy(ones_hbm, ones_v)
    pltpu.sync_copy(dst_hbm.at[pl.ds(w * K, K)], dst_v)
    plsc.subcore_barrier()

    def body(j, carry):
        pltpu.sync_copy(ones_v, acc.at[dst_v.at[j]], add=True)
        return carry

    lax.fori_loop(0, K, body, 0)
    plsc.subcore_barrier()
    pltpu.sync_copy(acc.at[pl.ds(r0, ROWS_PER_SUB)],
                    out_hbm.at[cid, pl.ds(r0, ROWS_PER_SUB)])


NBUF = 2
K2 = 40
K0 = 120
K1 = 40


@functools.partial(
    pl.kernel,
    mesh=_mesh,
    out_type=jax.ShapeDtypeStruct((NCORE, NP, F), jnp.float32),
    scratch_types=[
        pltpu.VMEM((K2, C), jnp.int32),
        pltpu.VMEM((K2, C), jnp.int32),
        pltpu.VMEM((NBUF, C, F), jnp.float32),
        pltpu.VMEM_SHARED((NP, F), jnp.float32),
        pltpu.SemaphoreType.DMA,
        pltpu.SemaphoreType.DMA,
    ],
)
def _agg(hs_hbm, src_hbm, dst_hbm, zeros_hbm, out_hbm,
         src_v, dst_v, rows_v, acc, s0, s1):
    cid = lax.axis_index("c")
    sid = lax.axis_index("s")
    r0 = sid * ROWS_PER_SUB
    pltpu.sync_copy(zeros_hbm, acc.at[pl.ds(r0, ROWS_PER_SUB)])
    plsc.subcore_barrier()

    sems = (s0, s1)

    def stage(base):
        pltpu.sync_copy(src_hbm.at[pl.ds(base, K2)], src_v)
        pltpu.sync_copy(dst_hbm.at[pl.ds(base, K2)], dst_v)
        for b in range(NBUF):
            pltpu.async_copy(hs_hbm.at[src_v.at[b]], rows_v.at[b], sems[b])

        def outer(i, carry):
            j0 = i * NBUF
            for b in range(NBUF):
                j = j0 + b
                pltpu.make_async_copy(hs_hbm.at[pl.ds(0, C)], rows_v.at[b],
                                      sems[b]).wait()
                pltpu.sync_copy(rows_v.at[b], acc.at[dst_v.at[j]], add=True)

                @pl.when(j + NBUF < K2)
                def _():
                    pltpu.async_copy(hs_hbm.at[src_v.at[j + NBUF]],
                                     rows_v.at[b], sems[b])
            return carry

        lax.fori_loop(0, K2 // NBUF, outer, 0)

    if K0 > 0:
        @pl.when(cid == 0)
        def _():
            for h in range(K0 // K2):
                stage(sid * K0 + h * K2)

    if K1 > 0:
        @pl.when(cid == 1)
        def _():
            for h in range(K1 // K2):
                stage(NSUB * K0 + sid * K1 + h * K2)

    plsc.subcore_barrier()
    pltpu.sync_copy(acc.at[pl.ds(r0, ROWS_PER_SUB)],
                    out_hbm.at[cid, pl.ds(r0, ROWS_PER_SUB)])



_BLK = 512
_GRID = NP // _BLK


def _dis_from(deg_ref):
    deg = deg_ref[0, :, 0:1] + deg_ref[1, :, 0:1] + 1.0
    return lax.rsqrt(deg)


def _tc1_body(deg_ref, x_ref, w_ref, hs_ref):
    dis = _dis_from(deg_ref)
    h = jnp.dot(x_ref[...], w_ref[...], preferred_element_type=jnp.float32)
    hs_ref[...] = h * dis


def _tc2_body(p_ref, hs1_ref, deg_ref, b_ref, w_ref, x1_ref, hs2_ref):
    dis = _dis_from(deg_ref)
    agg = p_ref[0] + p_ref[1] + hs1_ref[...]
    x1 = jnp.maximum(agg * dis + b_ref[...], 0.0)
    x1_ref[...] = x1
    h2 = jnp.dot(x1, w_ref[...], preferred_element_type=jnp.float32)
    hs2_ref[...] = h2 * dis


def _tc3_body(p_ref, hs2_ref, deg_ref, b_ref, x1_ref, wfc_ref, bfc_ref, o_ref):
    dis = _dis_from(deg_ref)
    agg = p_ref[0] + p_ref[1] + hs2_ref[...]
    x2 = jnp.maximum(agg * dis + b_ref[...], 0.0)
    h = jnp.maximum(x1_ref[...], x2)
    o_ref[...] = jnp.dot(h, wfc_ref[...],
                         preferred_element_type=jnp.float32) + bfc_ref[...]


def _row_spec(shape_cols):
    return pl.BlockSpec((_BLK, shape_cols), lambda i: (i, 0))


_deg_spec = pl.BlockSpec((2, _BLK, F), lambda i: (0, i, 0))
_p_spec = pl.BlockSpec((2, _BLK, F), lambda i: (0, i, 0))
_w_spec = pl.BlockSpec((F, F), lambda i: (0, 0))
_b_spec = pl.BlockSpec((1, F), lambda i: (0, 0))

_tc1 = pl.pallas_call(
    _tc1_body,
    grid=(_GRID,),
    in_specs=[_deg_spec, _row_spec(F), _w_spec],
    out_specs=_row_spec(F),
    out_shape=jax.ShapeDtypeStruct((NP, F), jnp.float32),
)

_tc2 = pl.pallas_call(
    _tc2_body,
    grid=(_GRID,),
    in_specs=[_p_spec, _row_spec(F), _deg_spec, _b_spec, _w_spec],
    out_specs=[_row_spec(F), _row_spec(F)],
    out_shape=[jax.ShapeDtypeStruct((NP, F), jnp.float32),
               jax.ShapeDtypeStruct((NP, F), jnp.float32)],
)

_tc3 = pl.pallas_call(
    _tc3_body,
    grid=(_GRID,),
    in_specs=[_p_spec, _row_spec(F), _deg_spec, _b_spec, _row_spec(F),
              _w_spec, _b_spec],
    out_specs=_row_spec(F),
    out_shape=jax.ShapeDtypeStruct((NP, F), jnp.float32),
)


def kernel(x, edge_index, W1, b1, Wx, bx, Wfc, bfc):
    ei = edge_index.astype(jnp.int32)
    pad = EPAD - E
    src = jnp.concatenate([ei[0], jnp.zeros((pad,), jnp.int32)])
    dst = jnp.concatenate([ei[1], jnp.full((pad,), N, jnp.int32)])
    src = src.reshape(NW * K, C)
    dst = dst.reshape(NW * K, C)

    x_p = jnp.pad(x, ((0, NP - N), (0, 0)))
    onesF = jnp.ones((C, F), jnp.float32)
    zF = jnp.zeros((ROWS_PER_SUB, F), jnp.float32)
    b1_r = b1.reshape(1, F)
    bx_r = bx.reshape(1, F)
    Wfc_p = jnp.pad(Wfc, ((0, 0), (0, F - NCLASS)))
    bfc_p = jnp.pad(bfc, ((0, F - NCLASS),)).reshape(1, F)

    degp = _deg(dst, onesF, zF)
    hs1 = _tc1(degp, x_p, W1)
    p1 = _agg(hs1, src, dst, zF)
    x1, hs2 = _tc2(p1, hs1, degp, b1_r, Wx)
    p2 = _agg(hs2, src, dst, zF)
    out = _tc3(p2, hs2, degp, bx_r, x1, Wfc_p, bfc_p)
    return out[:N, :NCLASS]

# --- scband reference (transcript-rebuilt; emitter-appended) ---
"""Pipeline reference for scband-jk-4913442586831 (READ-ONLY COPY).

The authoritative reference and input builder live on the scoring server;
editing this copy changes nothing except your own understanding.
"""

import jax, jax.numpy as jnp
import numpy as np

N_NODES = 10000
N_EDGES = 320000
NFEAT = 128
NHID = 128
NCLASS = 40


def setup_inputs(seed: int = 0) -> dict:
    key = jax.random.key(seed)
    ks = jax.random.split(key, 8)
    x = jax.random.normal(ks[0], (N_NODES, NFEAT), dtype=jnp.float32)
    edge_index = jax.random.randint(ks[1], (2, N_EDGES), 0, N_NODES, dtype=jnp.int64)
    # GCNConv weights (PyG stores lin.weight as [out, in]; we use [in, out] for x @ W)
    W1 = jax.random.normal(ks[2], (NFEAT, NHID), dtype=jnp.float32) * (1.0 / np.sqrt(NFEAT))
    b1 = jnp.zeros((NHID,), dtype=jnp.float32)
    Wx = jax.random.normal(ks[3], (NHID, NHID), dtype=jnp.float32) * (1.0 / np.sqrt(NHID))
    bx = jnp.zeros((NHID,), dtype=jnp.float32)
    Wfc = jax.random.normal(ks[4], (NHID, NCLASS), dtype=jnp.float32) * (1.0 / np.sqrt(NHID))
    bfc = jnp.zeros((NCLASS,), dtype=jnp.float32)
    return {"x": x, "edge_index": edge_index, "W1": W1, "b1": b1, "Wx": Wx, "bx": bx, "Wfc": Wfc, "bfc": bfc}


def _gcn_conv(x, edge_index, W, b):
    # PyG GCNConv: add self-loops, symmetric normalization, linear, scatter-add aggregate
    N = x.shape[0]
    loop = jnp.arange(N, dtype=edge_index.dtype)
    src = jnp.concatenate([edge_index[0], loop])
    dst = jnp.concatenate([edge_index[1], loop])
    h = x @ W
    deg = jnp.zeros((N,), dtype=h.dtype).at[dst].add(1.0)
    dis = jnp.where(deg > 0, jax.lax.rsqrt(jnp.maximum(deg, 1e-12)), 0.0)
    norm = dis[src] * dis[dst]
    msg = h[src] * norm[:, None]
    out = jnp.zeros_like(h).at[dst].add(msg)
    return out + b


def reference(x, edge_index, W1, b1, Wx, bx, Wfc, bfc):
    # JK_Body: conv1 -> ReLU -> convx -> ReLU; JumpingKnowledge(mode='max'); fc
    x1 = jax.nn.relu(_gcn_conv(x, edge_index, W1, b1))
    x2 = jax.nn.relu(_gcn_conv(x1, edge_index, Wx, bx))
    h = jnp.maximum(x1, x2)  # JK max over stacked layer outputs
    return h @ Wfc + bfc

if __name__ == "__main__":
    import jax
    _d = setup_inputs()
    print(jax.jit(kernel)(*tuple(_d.values())))

</pallas_src>

<mosaic_0001>
#map = affine_map<(d0, d1) -> (0, 0)>
#map1 = affine_map<(d0, d1) -> (0, 0, 0)>
module attributes {stable_mosaic.version = 14 : i64} {
  func.func @_deg(%arg0: i32, %arg1: i32, %arg2: memref<2560x128xi32, #tpu.memory_space<hbm>>, %arg3: memref<128x128xf32, #tpu.memory_space<hbm>>, %arg4: memref<640x128xf32, #tpu.memory_space<hbm>>, %arg5: memref<2x10240x128xf32, #tpu.memory_space<hbm>>, %arg6: memref<80x128xi32, #tpu.memory_space<vmem>>, %arg7: memref<128x128xf32, #tpu.memory_space<vmem>>, %arg8: memref<10240x128xf32, #tpu.memory_space<vmem_shared>>) attributes {dimension_semantics = [#tpu.dimension_semantics<core_parallel>, #tpu.dimension_semantics<subcore_parallel>], iteration_bounds = array<i64: 2, 16>, scalar_prefetch = 0 : i64, scratch_operands = 3 : i64, tpu.core_type = #tpu.core_type<sc_vector_subcore>, window_params = [{transform_indices = #map}, {transform_indices = #map}, {transform_indices = #map}, {transform_indices = #map1}]} {
    %mul3A = arith.constant 16 : i32
    %mul3A_0 = arith.muli %arg0, %mul3A : i32
    %add3A = arith.addi %mul3A_0, %arg1 : i32
    %mul3A_1 = arith.constant 640 : i32
    %mul3A_2 = arith.muli %arg1, %mul3A_1 : i32
    "tpu.region"() ({
      %run_scoped3A = tpu.sem_alloc : memref<!tpu.dma_semaphore, #tpu.memory_space<semaphore_mem>>
      %dma_start3A = arith.constant 0 : i32
      %dma_start3A_11 = tpu.memref_slice %arg8[%mul3A_2, %dma_start3A] : memref<10240x128xf32, #tpu.memory_space<vmem_shared>> -> memref<640x128xf32, #tpu.memory_space<vmem_shared>>
      tpu.enqueue_dma source(%arg4 : memref<640x128xf32, #tpu.memory_space<hbm>>) target(%dma_start3A_11 : memref<640x128xf32, #tpu.memory_space<vmem_shared>>) target_semaphore(%run_scoped3A : memref<!tpu.dma_semaphore, #tpu.memory_space<semaphore_mem>>)
      %dma_wait3A = arith.constant 0 : i32
      %dma_wait3A_12 = tpu.memref_slice %arg8[%mul3A_2, %dma_wait3A] : memref<10240x128xf32, #tpu.memory_space<vmem_shared>> -> memref<640x128xf32, #tpu.memory_space<vmem_shared>>
      tpu.wait_dma2 semaphore(%run_scoped3A : memref<!tpu.dma_semaphore, #tpu.memory_space<semaphore_mem>>) src(%arg4 : memref<640x128xf32, #tpu.memory_space<hbm>>) dst(%dma_wait3A_12 : memref<640x128xf32, #tpu.memory_space<vmem_shared>>)
      tpu.yield
    }) : () -> ()
    "tpu.region"() ({
      %run_scoped3A = tpu.sem_alloc : memref<!tpu.dma_semaphore, #tpu.memory_space<semaphore_mem>>
      tpu.enqueue_dma source(%arg3 : memref<128x128xf32, #tpu.memory_space<hbm>>) target(%arg7 : memref<128x128xf32, #tpu.memory_space<vmem>>) target_semaphore(%run_scoped3A : memref<!tpu.dma_semaphore, #tpu.memory_space<semaphore_mem>>)
      tpu.wait_dma2 semaphore(%run_scoped3A : memref<!tpu.dma_semaphore, #tpu.memory_space<semaphore_mem>>) src(%arg3 : memref<128x128xf32, #tpu.memory_space<hbm>>) dst(%arg7 : memref<128x128xf32, #tpu.memory_space<vmem>>)
      tpu.yield
    }) : () -> ()
    %mul3A_3 = arith.constant 80 : i32
    %mul3A_4 = arith.muli %add3A, %mul3A_3 : i32
    "tpu.region"() ({
      %run_scoped3A = tpu.sem_alloc : memref<!tpu.dma_semaphore, #tpu.memory_space<semaphore_mem>>
      %dma_start3A = arith.constant 0 : i32
      %dma_start3A_11 = tpu.memref_slice %arg2[%mul3A_4, %dma_start3A] : memref<2560x128xi32, #tpu.memory_space<hbm>> -> memref<80x128xi32, #tpu.memory_space<hbm>>
      %dma_start3A_12 = arith.constant 0 : i32
      %dma_start3A_13 = tpu.memref_slice %arg2[%mul3A_4, %dma_start3A_12] : memref<2560x128xi32, #tpu.memory_space<hbm>> -> memref<80x128xi32, #tpu.memory_space<hbm>>
      tpu.enqueue_dma source(%dma_start3A_13 : memref<80x128xi32, #tpu.memory_space<hbm>>) target(%arg6 : memref<80x128xi32, #tpu.memory_space<vmem>>) target_semaphore(%run_scoped3A : memref<!tpu.dma_semaphore, #tpu.memory_space<semaphore_mem>>)
      %dma_wait3A = arith.constant 0 : i32
      %dma_wait3A_14 = tpu.memref_slice %arg2[%mul3A_4, %dma_wait3A] : memref<2560x128xi32, #tpu.memory_space<hbm>> -> memref<80x128xi32, #tpu.memory_space<hbm>>
      %dma_wait3A_15 = arith.constant 0 : i32
      %dma_wait3A_16 = tpu.memref_slice %arg2[%mul3A_4, %dma_wait3A_15] : memref<2560x128xi32, #tpu.memory_space<hbm>> -> memref<80x128xi32, #tpu.memory_space<hbm>>
      tpu.wait_dma2 semaphore(%run_scoped3A : memref<!tpu.dma_semaphore, #tpu.memory_space<semaphore_mem>>) src(%dma_wait3A_16 : memref<80x128xi32, #tpu.memory_space<hbm>>) dst(%arg6 : memref<80x128xi32, #tpu.memory_space<vmem>>)
      tpu.yield
    }) : () -> ()
    %barrier3A = arith.constant 0 : index
    tpu.barrier barrier_id(%barrier3A)
    %scan3A = arith.constant 0 : i32
    %scan3A_5 = arith.constant 0 : i32
    %scan3A_6 = arith.constant 80 : i32
    %scan3A_7 = arith.addi %scan3A_5, %scan3A_6 : i32
    %scan3A_8 = arith.constant 1 : i32
    scf.for %scan3A_11 = %scan3A_5 to %scan3A_7 step %scan3A_8  : i32 {
      "tpu.region"() ({
        %run_scoped3A = tpu.sem_alloc : memref<!tpu.dma_semaphore, #tpu.memory_space<semaphore_mem>>
        %dma_start3A = arith.constant 0 : i32
        %dma_start3A_12 = tpu.memref_slice %arg6[%scan3A_11, %dma_start3A] : memref<80x128xi32, #tpu.memory_space<vmem>> -> memref<1x128xi32, #tpu.memory_space<vmem>>
        %dma_start3A_13 = tpu.memref_squeeze %dma_start3A_12 : memref<1x128xi32, #tpu.memory_space<vmem>> -> memref<128xi32, #tpu.memory_space<vmem>>
        %dma_start3A_14 = arith.constant 0 : i32
        %dma_start3A_15 = arith.constant 0 : i32
        %dma_start3A_16 = tpu.memref_slice %arg8[%dma_start3A_14, %dma_start3A_15] : memref<10240x128xf32, #tpu.memory_space<vmem_shared>> -> memref<10240x128xf32, #tpu.memory_space<vmem_shared>>
        tpu.enqueue_indirect_dma source(%arg7 : memref<128x128xf32, #tpu.memory_space<vmem>>) target(%dma_start3A_16 : memref<10240x128xf32, #tpu.memory_space<vmem_shared>>) offsets(%dma_start3A_13 : memref<128xi32, #tpu.memory_space<vmem>>) semaphore(%run_scoped3A : memref<!tpu.dma_semaphore, #tpu.memory_space<semaphore_mem>>) {add = true}
        %dma_wait3A = arith.constant 0 : i32
        %dma_wait3A_17 = tpu.memref_slice %arg6[%scan3A_11, %dma_wait3A] : memref<80x128xi32, #tpu.memory_space<vmem>> -> memref<1x128xi32, #tpu.memory_space<vmem>>
        %dma_wait3A_18 = tpu.memref_squeeze %dma_wait3A_17 : memref<1x128xi32, #tpu.memory_space<vmem>> -> memref<128xi32, #tpu.memory_space<vmem>>
        %dma_wait3A_19 = arith.constant 0 : i32
        %dma_wait3A_20 = arith.constant 0 : i32
        %dma_wait3A_21 = tpu.memref_slice %arg8[%dma_wait3A_19, %dma_wait3A_20] : memref<10240x128xf32, #tpu.memory_space<vmem_shared>> -> memref<10240x128xf32, #tpu.memory_space<vmem_shared>>
        tpu.wait_indirect_dma semaphore(%run_scoped3A : memref<!tpu.dma_semaphore, #tpu.memory_space<semaphore_mem>>) src(%arg7 : memref<128x128xf32, #tpu.memory_space<vmem>>) dst(%dma_wait3A_21 : memref<10240x128xf32, #tpu.memory_space<vmem_shared>>)
        tpu.yield
      }) : () -> ()
    }
    %scan3A_9 = arith.constant 80 : i32
    %barrier3A_10 = arith.constant 0 : index
    tpu.barrier barrier_id(%barrier3A_10)
    "tpu.region"() ({
      %run_scoped3A = tpu.sem_alloc : memref<!tpu.dma_semaphore, #tpu.memory_space<semaphore_mem>>
      %dma_start3A = arith.constant 0 : i32
      %dma_start3A_11 = tpu.memref_slice %arg5[%arg0, %mul3A_2, %dma_start3A] : memref<2x10240x128xf32, #tpu.memory_space<hbm>> -> memref<1x640x128xf32, #tpu.memory_space<hbm>>
      %dma_start3A_12 = tpu.memref_squeeze %dma_start3A_11 : memref<1x640x128xf32, #tpu.memory_space<hbm>> -> memref<640x128xf32, #tpu.memory_space<hbm>>
      %dma_start3A_13 = arith.constant 0 : i32
      %dma_start3A_14 = tpu.memref_slice %arg8[%mul3A_2, %dma_start3A_13] : memref<10240x128xf32, #tpu.memory_space<vmem_shared>> -> memref<640x128xf32, #tpu.memory_space<vmem_shared>>
      tpu.enqueue_dma source(%dma_start3A_14 : memref<640x128xf32, #tpu.memory_space<vmem_shared>>) target(%dma_start3A_12 : memref<640x128xf32, #tpu.memory_space<hbm>>) target_semaphore(%run_scoped3A : memref<!tpu.dma_semaphore, #tpu.memory_space<semaphore_mem>>)
      %dma_wait3A = arith.constant 0 : i32
      %dma_wait3A_15 = tpu.memref_slice %arg5[%arg0, %mul3A_2, %dma_wait3A] : memref<2x10240x128xf32, #tpu.memory_space<hbm>> -> memref<1x640x128xf32, #tpu.memory_space<hbm>>
      %dma_wait3A_16 = tpu.memref_squeeze %dma_wait3A_15 : memref<1x640x128xf32, #tpu.memory_space<hbm>> -> memref<640x128xf32, #tpu.memory_space<hbm>>
      %dma_wait3A_17 = arith.constant 0 : i32
      %dma_wait3A_18 = tpu.memref_slice %arg8[%mul3A_2, %dma_wait3A_17] : memref<10240x128xf32, #tpu.memory_space<vmem_shared>> -> memref<640x128xf32, #tpu.memory_space<vmem_shared>>
      tpu.wait_dma2 semaphore(%run_scoped3A : memref<!tpu.dma_semaphore, #tpu.memory_space<semaphore_mem>>) src(%dma_wait3A_18 : memref<640x128xf32, #tpu.memory_space<vmem_shared>>) dst(%dma_wait3A_16 : memref<640x128xf32, #tpu.memory_space<hbm>>)
      tpu.yield
    }) : () -> ()
    return
  }
}

#map = affine_map<(d0, d1) -> (0, 0)>
#map1 = affine_map<(d0, d1) -> (0, 0, 0)>
module attributes {stable_mosaic.version = 14 : i64} {
  func.func @_agg(%arg0: i32, %arg1: i32, %arg2: memref<10240x128xf32, #tpu.memory_space<hbm>>, %arg3: memref<2560x128xi32, #tpu.memory_space<hbm>>, %arg4: memref<2560x128xi32, #tpu.memory_space<hbm>>, %arg5: memref<640x128xf32, #tpu.memory_space<hbm>>, %arg6: memref<2x10240x128xf32, #tpu.memory_space<hbm>>, %arg7: memref<40x128xi32, #tpu.memory_space<vmem>>, %arg8: memref<40x128xi32, #tpu.memory_space<vmem>>, %arg9: memref<2x128x128xf32, #tpu.memory_space<vmem>>, %arg10: memref<10240x128xf32, #tpu.memory_space<vmem_shared>>, %arg11: memref<!tpu.dma_semaphore, #tpu.memory_space<semaphore_mem>>, %arg12: memref<!tpu.dma_semaphore, #tpu.memory_space<semaphore_mem>>) attributes {dimension_semantics = [#tpu.dimension_semantics<core_parallel>, #tpu.dimension_semantics<subcore_parallel>], iteration_bounds = array<i64: 2, 16>, scalar_prefetch = 0 : i64, scratch_operands = 6 : i64, tpu.core_type = #tpu.core_type<sc_vector_subcore>, window_params = [{transform_indices = #map}, {transform_indices = #map}, {transform_indices = #map}, {transform_indices = #map}, {transform_indices = #map1}]} {
    %mul3A = arith.constant 640 : i32
    %mul3A_0 = arith.muli %arg1, %mul3A : i32
    "tpu.region"() ({
      %run_scoped3A = tpu.sem_alloc : memref<!tpu.dma_semaphore, #tpu.memory_space<semaphore_mem>>
      %dma_start3A = arith.constant 0 : i32
      %dma_start3A_9 = tpu.memref_slice %arg10[%mul3A_0, %dma_start3A] : memref<10240x128xf32, #tpu.memory_space<vmem_shared>> -> memref<640x128xf32, #tpu.memory_space<vmem_shared>>
      tpu.enqueue_dma source(%arg5 : memref<640x128xf32, #tpu.memory_space<hbm>>) target(%dma_start3A_9 : memref<640x128xf32, #tpu.memory_space<vmem_shared>>) target_semaphore(%run_scoped3A : memref<!tpu.dma_semaphore, #tpu.memory_space<semaphore_mem>>)
      %dma_wait3A = arith.constant 0 : i32
      %dma_wait3A_10 = tpu.memref_slice %arg10[%mul3A_0, %dma_wait3A] : memref<10240x128xf32, #tpu.memory_space<vmem_shared>> -> memref<640x128xf32, #tpu.memory_space<vmem_shared>>
      tpu.wait_dma2 semaphore(%run_scoped3A : memref<!tpu.dma_semaphore, #tpu.memory_space<semaphore_mem>>) src(%arg5 : memref<640x128xf32, #tpu.memory_space<hbm>>) dst(%dma_wait3A_10 : memref<640x128xf32, #tpu.memory_space<vmem_shared>>)
      tpu.yield
    }) : () -> ()
    %barrier3A = arith.constant 0 : index
    tpu.barrier barrier_id(%barrier3A)
    %eq3A = arith.constant 0 : i32
    %eq3A_1 = arith.cmpi eq, %arg0, %eq3A : i32
    %convert_element_type3A = arith.extui %eq3A_1 : i1 to i32
    %cond3A = arith.constant 0 : i32
    %cond3A_2 = arith.cmpi ne, %convert_element_type3A, %cond3A : i32
    scf.if %cond3A_2 {
      %mul3A_9 = arith.constant 120 : i32
      %mul3A_10 = arith.muli %arg1, %mul3A_9 : i32
      %add3A = arith.constant 0 : i32
      %add3A_11 = arith.addi %mul3A_10, %add3A : i32
      "tpu.region"() ({
        %run_scoped3A = tpu.sem_alloc : memref<!tpu.dma_semaphore, #tpu.memory_space<semaphore_mem>>
        %dma_start3A_108 = arith.constant 0 : i32
        %dma_start3A_109 = tpu.memref_slice %arg3[%add3A_11, %dma_start3A_108] : memref<2560x128xi32, #tpu.memory_space<hbm>> -> memref<40x128xi32, #tpu.memory_space<hbm>>
        %dma_start3A_110 = arith.constant 0 : i32
        %dma_start3A_111 = tpu.memref_slice %arg3[%add3A_11, %dma_start3A_110] : memref<2560x128xi32, #tpu.memory_space<hbm>> -> memref<40x128xi32, #tpu.memory_space<hbm>>
        tpu.enqueue_dma source(%dma_start3A_111 : memref<40x128xi32, #tpu.memory_space<hbm>>) target(%arg7 : memref<40x128xi32, #tpu.memory_space<vmem>>) target_semaphore(%run_scoped3A : memref<!tpu.dma_semaphore, #tpu.memory_space<semaphore_mem>>)
        %dma_wait3A = arith.constant 0 : i32
        %dma_wait3A_112 = tpu.memref_slice %arg3[%add3A_11, %dma_wait3A] : memref<2560x128xi32, #tpu.memory_space<hbm>> -> memref<40x128xi32, #tpu.memory_space<hbm>>
        %dma_wait3A_113 = arith.constant 0 : i32
        %dma_wait3A_114 = tpu.memref_slice %arg3[%add3A_11, %dma_wait3A_113] : memref<2560x128xi32, #tpu.memory_space<hbm>> -> memref<40x128xi32, #tpu.memory_space<hbm>>
        tpu.wait_dma2 semaphore(%run_scoped3A : memref<!tpu.dma_semaphore, #tpu.memory_space<semaphore_mem>>) src(%dma_wait3A_114 : memref<40x128xi32, #tpu.memory_space<hbm>>) dst(%arg7 : memref<40x128xi32, #tpu.memory_space<vmem>>)
        tpu.yield
      }) : () -> ()
      "tpu.region"() ({
        %run_scoped3A = tpu.sem_alloc : memref<!tpu.dma_semaphore, #tpu.memory_space<semaphore_mem>>
        %dma_start3A_108 = arith.constant 0 : i32
        %dma_start3A_109 = tpu.memref_slice %arg4[%add3A_11, %dma_start3A_108] : memref<2560x128xi32, #tpu.memory_space<hbm>> -> memref<40x128xi32, #tpu.memory_space<hbm>>
        %dma_start3A_110 = arith.constant 0 : i32
        %dma_start3A_111 = tpu.memref_slice %arg4[%add3A_11, %dma_start3A_110] : memref<2560x128xi32, #tpu.memory_space<hbm>> -> memref<40x128xi32, #tpu.memory_space<hbm>>
        tpu.enqueue_dma source(%dma_start3A_111 : memref<40x128xi32, #tpu.memory_space<hbm>>) target(%arg8 : memref<40x128xi32, #tpu.memory_space<vmem>>) target_semaphore(%run_scoped3A : memref<!tpu.dma_semaphore, #tpu.memory_space<semaphore_mem>>)
        %dma_wait3A = arith.constant 0 : i32
        %dma_wait3A_112 = tpu.memref_slice %arg4[%add3A_11, %dma_wait3A] : memref<2560x128xi32, #tpu.memory_space<hbm>> -> memref<40x128xi32, #tpu.memory_space<hbm>>
        %dma_wait3A_113 = arith.constant 0 : i32
        %dma_wait3A_114 = tpu.memref_slice %arg4[%add3A_11, %dma_wait3A_113] : memref<2560x128xi32, #tpu.memory_space<hbm>> -> memref<40x128xi32, #tpu.memory_space<hbm>>
        tpu.wait_dma2 semaphore(%run_scoped3A : memref<!tpu.dma_semaphore, #tpu.memory_space<semaphore_mem>>) src(%dma_wait3A_114 : memref<40x128xi32, #tpu.memory_space<hbm>>) dst(%arg8 : memref<40x128xi32, #tpu.memory_space<vmem>>)
        tpu.yield
      }) : () -> ()
      %dma_start3A = arith.constant 0 : i32
      %dma_start3A_12 = arith.constant 0 : i32
      %dma_start3A_13 = arith.constant 0 : i32
      %dma_start3A_14 = arith.constant 0 : i32
      %dma_start3A_15 = tpu.memref_slice %arg9[%dma_start3A_12, %dma_start3A_13, %dma_start3A_14] : memref<2x128x128xf32, #tpu.memory_space<vmem>> -> memref<1x128x128xf32, #tpu.memory_space<vmem>>
      %dma_start3A_16 = tpu.memref_squeeze %dma_start3A_15 : memref<1x128x128xf32, #tpu.memory_space<vmem>> -> memref<128x128xf32, #tpu.memory_space<vmem>>
      %dma_start3A_17 = arith.constant 0 : i32
      %dma_start3A_18 = tpu.memref_slice %arg7[%dma_start3A, %dma_start3A_17] : memref<40x128xi32, #tpu.memory_space<vmem>> -> memref<1x128xi32, #tpu.memory_space<vmem>>
      %dma_start3A_19 = tpu.memref_squeeze %dma_start3A_18 : memref<1x128xi32, #tpu.memory_space<vmem>> -> memref<128xi32, #tpu.memory_space<vmem>>
      %dma_start3A_20 = arith.constant 0 : i32
      %dma_start3A_21 = arith.constant 0 : i32
      %dma_start3A_22 = tpu.memref_slice %arg2[%dma_start3A_20, %dma_start3A_21] : memref<10240x128xf32, #tpu.memory_space<hbm>> -> memref<10240x128xf32, #tpu.memory_space<hbm>>
      tpu.enqueue_indirect_dma source(%dma_start3A_22 : memref<10240x128xf32, #tpu.memory_space<hbm>>) target(%dma_start3A_16 : memref<128x128xf32, #tpu.memory_space<vmem>>) offsets(%dma_start3A_19 : memref<128xi32, #tpu.memory_space<vmem>>) semaphore(%arg11 : memref<!tpu.dma_semaphore, #tpu.memory_space<semaphore_mem>>)
      %dma_start3A_23 = arith.constant 1 : i32
      %dma_start3A_24 = arith.constant 1 : i32
      %dma_start3A_25 = arith.constant 0 : i32
      %dma_start3A_26 = arith.constant 0 : i32
      %dma_start3A_27 = tpu.memref_slice %arg9[%dma_start3A_24, %dma_start3A_25, %dma_start3A_26] : memref<2x128x128xf32, #tpu.memory_space<vmem>> -> memref<1x128x128xf32, #tpu.memory_space<vmem>>
      %dma_start3A_28 = tpu.memref_squeeze %dma_start3A_27 : memref<1x128x128xf32, #tpu.memory_space<vmem>> -> memref<128x128xf32, #tpu.memory_space<vmem>>
      %dma_start3A_29 = arith.constant 0 : i32
      %dma_start3A_30 = tpu.memref_slice %arg7[%dma_start3A_23, %dma_start3A_29] : memref<40x128xi32, #tpu.memory_space<vmem>> -> memref<1x128xi32, #tpu.memory_space<vmem>>
      %dma_start3A_31 = tpu.memref_squeeze %dma_start3A_30 : memref<1x128xi32, #tpu.memory_space<vmem>> -> memref<128xi32, #tpu.memory_space<vmem>>
      %dma_start3A_32 = arith.constant 0 : i32
      %dma_start3A_33 = arith.constant 0 : i32
      %dma_start3A_34 = tpu.memref_slice %arg2[%dma_start3A_32, %dma_start3A_33] : memref<10240x128xf32, #tpu.memory_space<hbm>> -> memref<10240x128xf32, #tpu.memory_space<hbm>>
      tpu.enqueue_indirect_dma source(%dma_start3A_34 : memref<10240x128xf32, #tpu.memory_space<hbm>>) target(%dma_start3A_28 : memref<128x128xf32, #tpu.memory_space<vmem>>) offsets(%dma_start3A_31 : memref<128xi32, #tpu.memory_space<vmem>>) semaphore(%arg12 : memref<!tpu.dma_semaphore, #tpu.memory_space<semaphore_mem>>)
      %scan3A = arith.constant 0 : i32
      %scan3A_35 = arith.constant 0 : i32
      %scan3A_36 = arith.constant 20 : i32
      %scan3A_37 = arith.addi %scan3A_35, %scan3A_36 : i32
      %scan3A_38 = arith.constant 1 : i32
      scf.for %scan3A_108 = %scan3A_35 to %scan3A_37 step %scan3A_38  : i32 {
        %mul3A_109 = arith.constant 2 : i32
        %mul3A_110 = arith.muli %scan3A_108, %mul3A_109 : i32
        %add3A_111 = arith.constant 0 : i32
        %add3A_112 = arith.addi %mul3A_110, %add3A_111 : i32
        %dma_wait3A = arith.constant 0 : i32
        %dma_wait3A_113 = arith.constant 0 : i32
        %dma_wait3A_114 = arith.constant 0 : i32
        %dma_wait3A_115 = tpu.memref_slice %arg9[%dma_wait3A, %dma_wait3A_113, %dma_wait3A_114] : memref<2x128x128xf32, #tpu.memory_space<vmem>> -> memref<1x128x128xf32, #tpu.memory_space<vmem>>
        %dma_wait3A_116 = tpu.memref_squeeze %dma_wait3A_115 : memref<1x128x128xf32, #tpu.memory_space<vmem>> -> memref<128x128xf32, #tpu.memory_space<vmem>>
        %dma_wait3A_117 = arith.constant 0 : i32
        %dma_wait3A_118 = arith.constant 0 : i32
        %dma_wait3A_119 = tpu.memref_slice %arg2[%dma_wait3A_117, %dma_wait3A_118] : memref<10240x128xf32, #tpu.memory_space<hbm>> -> memref<128x128xf32, #tpu.memory_space<hbm>>
        %dma_wait3A_120 = arith.constant 0 : i32
        %dma_wait3A_121 = arith.constant 0 : i32
        %dma_wait3A_122 = tpu.memref_slice %arg9[%dma_wait3A, %dma_wait3A_120, %dma_wait3A_121] : memref<2x128x128xf32, #tpu.memory_space<vmem>> -> memref<1x128x128xf32, #tpu.memory_space<vmem>>
        %dma_wait3A_123 = tpu.memref_squeeze %dma_wait3A_122 : memref<1x128x128xf32, #tpu.memory_space<vmem>> -> memref<128x128xf32, #tpu.memory_space<vmem>>
        %dma_wait3A_124 = arith.constant 0 : i32
        %dma_wait3A_125 = arith.constant 0 : i32
        %dma_wait3A_126 = tpu.memref_slice %arg2[%dma_wait3A_124, %dma_wait3A_125] : memref<10240x128xf32, #tpu.memory_space<hbm>> -> memref<128x128xf32, #tpu.memory_space<hbm>>
        tpu.wait_dma2 semaphore(%arg11 : memref<!tpu.dma_semaphore, #tpu.memory_space<semaphore_mem>>) src(%dma_wait3A_126 : memref<128x128xf32, #tpu.memory_space<hbm>>) dst(%dma_wait3A_123 : memref<128x128xf32, #tpu.memory_space<vmem>>)
        %run_scoped3A = arith.constant 0 : i32
        "tpu.region"() ({
          %run_scoped3A_158 = tpu.sem_alloc : memref<!tpu.dma_semaphore, #tpu.memory_space<semaphore_mem>>
          %dma_start3A_159 = arith.constant 0 : i32
          %dma_start3A_160 = arith.constant 0 : i32
          %dma_start3A_161 = tpu.memref_slice %arg9[%run_scoped3A, %dma_start3A_159, %dma_start3A_160] : memref<2x128x128xf32, #tpu.memory_space<vmem>> -> memref<1x128x128xf32, #tpu.memory_space<vmem>>
          %dma_start3A_162 = tpu.memref_squeeze %dma_start3A_161 : memref<1x128x128xf32, #tpu.memory_space<vmem>> -> memref<128x128xf32, #tpu.memory_space<vmem>>
          %dma_start3A_163 = arith.constant 0 : i32
          %dma_start3A_164 = tpu.memref_slice %arg8[%add3A_112, %dma_start3A_163] : memref<40x128xi32, #tpu.memory_space<vmem>> -> memref<1x128xi32, #tpu.memory_space<vmem>>
          %dma_start3A_165 = tpu.memref_squeeze %dma_start3A_164 : memref<1x128xi32, #tpu.memory_space<vmem>> -> memref<128xi32, #tpu.memory_space<vmem>>
          %dma_start3A_166 = arith.constant 0 : i32
          %dma_start3A_167 = arith.constant 0 : i32
          %dma_start3A_168 = tpu.memref_slice %arg10[%dma_start3A_166, %dma_start3A_167] : memref<10240x128xf32, #tpu.memory_space<vmem_shared>> -> memref<10240x128xf32, #tpu.memory_space<vmem_shared>>
          tpu.enqueue_indirect_dma source(%dma_start3A_162 : memref<128x128xf32, #tpu.memory_space<vmem>>) target(%dma_start3A_168 : memref<10240x128xf32, #tpu.memory_space<vmem_shared>>) offsets(%dma_start3A_165 : memref<128xi32, #tpu.memory_space<vmem>>) semaphore(%run_scoped3A_158 : memref<!tpu.dma_semaphore, #tpu.memory_space<semaphore_mem>>) {add = true}
          %dma_wait3A_169 = arith.constant 0 : i32
          %dma_wait3A_170 = arith.constant 0 : i32
          %dma_wait3A_171 = tpu.memref_slice %arg9[%run_scoped3A, %dma_wait3A_169, %dma_wait3A_170] : memref<2x128x128xf32, #tpu.memory_space<vmem>> -> memref<1x128x128xf32, #tpu.memory_space<vmem>>
          %dma_wait3A_172 = tpu.memref_squeeze %dma_wait3A_171 : memref<1x128x128xf32, #tpu.memory_space<vmem>> -> memref<128x128xf32, #tpu.memory_space<vmem>>
          %dma_wait3A_173 = arith.constant 0 : i32
          %dma_wait3A_174 = tpu.memref_slice %arg8[%add3A_112, %dma_wait3A_173] : memref<40x128xi32, #tpu.memory_space<vmem>> -> memref<1x128xi32, #tpu.memory_space<vmem>>
          %dma_wait3A_175 = tpu.memref_squeeze %dma_wait3A_174 : memref<1x128xi32, #tpu.memory_space<vmem>> -> memref<128xi32, #tpu.memory_space<vmem>>
          %dma_wait3A_176 = arith.constant 0 : i32
          %dma_wait3A_177 = arith.constant 0 : i32
          %dma_wait3A_178 = tpu.memref_slice %arg10[%dma_wait3A_176, %dma_wait3A_177] : memref<10240x128xf32, #tpu.memory_space<vmem_shared>> -> memref<10240x128xf32, #tpu.memory_space<vmem_shared>>
          tpu.wait_indirect_dma semaphore(%run_scoped3A_158 : memref<!tpu.dma_semaphore, #tpu.memory_space<semaphore_mem>>) src(%dma_wait3A_172 : memref<128x128xf32, #tpu.memory_space<vmem>>) dst(%dma_wait3A_178 : memref<10240x128xf32, #tpu.memory_space<vmem_shared>>)
          tpu.yield
        }) : () -> ()
        %add3A_127 = arith.constant 2 : i32
        %add3A_128 = arith.addi %add3A_112, %add3A_127 : i32
        %lt3A = arith.constant 40 : i32
        %lt3A_129 = arith.cmpi slt, %add3A_128, %lt3A : i32
        %convert_element_type3A_130 = arith.extui %lt3A_129 : i1 to i32
        %cond3A_131 = arith.constant 0 : i32
        %cond3A_132 = arith.cmpi ne, %convert_element_type3A_130, %cond3A_131 : i32
        scf.if %cond3A_132 {
          %add3A_158 = arith.constant 2 : i32
          %add3A_159 = arith.addi %add3A_112, %add3A_158 : i32
          %dma_start3A_160 = arith.constant 0 : i32
          %dma_start3A_161 = arith.constant 0 : i32
          %dma_start3A_162 = arith.constant 0 : i32
          %dma_start3A_163 = tpu.memref_slice %arg9[%dma_start3A_160, %dma_start3A_161, %dma_start3A_162] : memref<2x128x128xf32, #tpu.memory_space<vmem>> -> memref<1x128x128xf32, #tpu.memory_space<vmem>>
          %dma_start3A_164 = tpu.memref_squeeze %dma_start3A_163 : memref<1x128x128xf32, #tpu.memory_space<vmem>> -> memref<128x128xf32, #tpu.memory_space<vmem>>
          %dma_start3A_165 = arith.constant 0 : i32
          %dma_start3A_166 = tpu.memref_slice %arg7[%add3A_159, %dma_start3A_165] : memref<40x128xi32, #tpu.memory_space<vmem>> -> memref<1x128xi32, #tpu.memory_space<vmem>>
          %dma_start3A_167 = tpu.memref_squeeze %dma_start3A_166 : memref<1x128xi32, #tpu.memory_space<vmem>> -> memref<128xi32, #tpu.memory_space<vmem>>
          %dma_start3A_168 = arith.constant 0 : i32
          %dma_start3A_169 = arith.constant 0 : i32
          %dma_start3A_170 = tpu.memref_slice %arg2[%dma_start3A_168, %dma_start3A_169] : memref<10240x128xf32, #tpu.memory_space<hbm>> -> memref<10240x128xf32, #tpu.memory_space<hbm>>
          tpu.enqueue_indirect_dma source(%dma_start3A_170 : memref<10240x128xf32, #tpu.memory_space<hbm>>) target(%dma_start3A_164 : memref<128x128xf32, #tpu.memory_space<vmem>>) offsets(%dma_start3A_167 : memref<128xi32, #tpu.memory_space<vmem>>) semaphore(%arg11 : memref<!tpu.dma_semaphore, #tpu.memory_space<semaphore_mem>>)
        } else {
        }
        %add3A_133 = arith.constant 1 : i32
        %add3A_134 = arith.addi %mul3A_110, %add3A_133 : i32
        %dma_wait3A_135 = arith.constant 1 : i32
        %dma_wait3A_136 = arith.constant 0 : i32
        %dma_wait3A_137 = arith.constant 0 : i32
        %dma_wait3A_138 = tpu.memref_slice %arg9[%dma_wait3A_135, %dma_wait3A_136, %dma_wait3A_137] : memref<2x128x128xf32, #tpu.memory_space<vmem>> -> memref<1x128x128xf32, #tpu.memory_space<vmem>>
        %dma_wait3A_139 = tpu.memref_squeeze %dma_wait3A_138 : memref<1x128x128xf32, #tpu.memory_space<vmem>> -> memref<128x128xf32, #tpu.memory_space<vmem>>
        %dma_wait3A_140 = arith.constant 0 : i32
        %dma_wait3A_141 = arith.constant 0 : i32
        %dma_wait3A_142 = tpu.memref_slice %arg2[%dma_wait3A_140, %dma_wait3A_141] : memref<10240x128xf32, #tpu.memory_space<hbm>> -> memref<128x128xf32, #tpu.memory_space<hbm>>
        %dma_wait3A_143 = arith.constant 0 : i32
        %dma_wait3A_144 = arith.constant 0 : i32
        %dma_wait3A_145 = tpu.memref_slice %arg9[%dma_wait3A_135, %dma_wait3A_143, %dma_wait3A_144] : memref<2x128x128xf32, #tpu.memory_space<vmem>> -> memref<1x128x128xf32, #tpu.memory_space<vmem>>
        %dma_wait3A_146 = tpu.memref_squeeze %dma_wait3A_145 : memref<1x128x128xf32, #tpu.memory_space<vmem>> -> memref<128x128xf32, #tpu.memory_space<vmem>>
        %dma_wait3A_147 = arith.constant 0 : i32
        %dma_wait3A_148 = arith.constant 0 : i32
        %dma_wait3A_149 = tpu.memref_slice %arg2[%dma_wait3A_147, %dma_wait3A_148] : memref<10240x128xf32, #tpu.memory_space<hbm>> -> memref<128x128xf32, #tpu.memory_space<hbm>>
        tpu.wait_dma2 semaphore(%arg12 : memref<!tpu.dma_semaphore, #tpu.memory_space<semaphore_mem>>) src(%dma_wait3A_149 : memref<128x128xf32, #tpu.memory_space<hbm>>) dst(%dma_wait3A_146 : memref<128x128xf32, #tpu.memory_space<vmem>>)
        %run_scoped3A_150 = arith.constant 1 : i32
        "tpu.region"() ({
          %run_scoped3A_158 = tpu.sem_alloc : memref<!tpu.dma_semaphore, #tpu.memory_space<semaphore_mem>>
          %dma_start3A_159 = arith.constant 0 : i32
          %dma_start3A_160 = arith.constant 0 : i32
          %dma_start3A_161 = tpu.memref_slice %arg9[%run_scoped3A_150, %dma_start3A_159, %dma_start3A_160] : memref<2x128x128xf32, #tpu.memory_space<vmem>> -> memref<1x128x128xf32, #tpu.memory_space<vmem>>
          %dma_start3A_162 = tpu.memref_squeeze %dma_start3A_161 : memref<1x128x128xf32, #tpu.memory_space<vmem>> -> memref<128x128xf32, #tpu.memory_space<vmem>>
          %dma_start3A_163 = arith.constant 0 : i32
          %dma_start3A_164 = tpu.memref_slice %arg8[%add3A_134, %dma_start3A_163] : memref<40x128xi32, #tpu.memory_space<vmem>> -> memref<1x128xi32, #tpu.memory_space<vmem>>
          %dma_start3A_165 = tpu.memref_squeeze %dma_start3A_164 : memref<1x128xi32, #tpu.memory_space<vmem>> -> memref<128xi32, #tpu.memory_space<vmem>>
          %dma_start3A_166 = arith.constant 0 : i32
          %dma_start3A_167 = arith.constant 0 : i32
          %dma_start3A_168 = tpu.memref_slice %arg10[%dma_start3A_166, %dma_start3A_167] : memref<10240x128xf32, #tpu.memory_space<vmem_shared>> -> memref<10240x128xf32, #tpu.memory_space<vmem_shared>>
          tpu.enqueue_indirect_dma source(%dma_start3A_162 : memref<128x128xf32, #tpu.memory_space<vmem>>) target(%dma_start3A_168 : memref<10240x128xf32, #tpu.memory_space<vmem_shared>>) offsets(%dma_start3A_165 : memref<128xi32, #tpu.memory_space<vmem>>) semaphore(%run_scoped3A_158 : memref<!tpu.dma_semaphore, #tpu.memory_space<semaphore_mem>>) {add = true}
          %dma_wait3A_169 = arith.constant 0 : i32
          %dma_wait3A_170 = arith.constant 0 : i32
          %dma_wait3A_171 = tpu.memref_slice %arg9[%run_scoped3A_150, %dma_wait3A_169, %dma_wait3A_170] : memref<2x128x128xf32, #tpu.memory_space<vmem>> -> memref<1x128x128xf32, #tpu.memory_space<vmem>>
          %dma_wait3A_172 = tpu.memref_squeeze %dma_wait3A_171 : memref<1x128x128xf32, #tpu.memory_space<vmem>> -> memref<128x128xf32, #tpu.memory_space<vmem>>
          %dma_wait3A_173 = arith.constant 0 : i32
          %dma_wait3A_174 = tpu.memref_slice %arg8[%add3A_134, %dma_wait3A_173] : memref<40x128xi32, #tpu.memory_space<vmem>> -> memref<1x128xi32, #tpu.memory_space<vmem>>
          %dma_wait3A_175 = tpu.memref_squeeze %dma_wait3A_174 : memref<1x128xi32, #tpu.memory_space<vmem>> -> memref<128xi32, #tpu.memory_space<vmem>>
          %dma_wait3A_176 = arith.constant 0 : i32
          %dma_wait3A_177 = arith.constant 0 : i32
          %dma_wait3A_178 = tpu.memref_slice %arg10[%dma_wait3A_176, %dma_wait3A_177] : memref<10240x128xf32, #tpu.memory_space<vmem_shared>> -> memref<10240x128xf32, #tpu.memory_space<vmem_shared>>
          tpu.wait_indirect_dma semaphore(%run_scoped3A_158 : memref<!tpu.dma_semaphore, #tpu.memory_space<semaphore_mem>>) src(%dma_wait3A_172 : memref<128x128xf32, #tpu.memory_space<vmem>>) dst(%dma_wait3A_178 : memref<10240x128xf32, #tpu.memory_space<vmem_shared>>)
          tpu.yield
        }) : () -> ()
        %add3A_151 = arith.constant 2 : i32
        %add3A_152 = arith.addi %add3A_134, %add3A_151 : i32
        %lt3A_153 = arith.constant 40 : i32
        %lt3A_154 = arith.cmpi slt, %add3A_152, %lt3A_153 : i32
        %convert_element_type3A_155 = arith.extui %lt3A_154 : i1 to i32
        %cond3A_156 = arith.constant 0 : i32
        %cond3A_157 = arith.cmpi ne, %convert_element_type3A_155, %cond3A_156 : i32
        scf.if %cond3A_157 {
          %add3A_158 = arith.constant 2 : i32
          %add3A_159 = arith.addi %add3A_134, %add3A_158 : i32
          %dma_start3A_160 = arith.constant 1 : i32
          %dma_start3A_161 = arith.constant 0 : i32
          %dma_start3A_162 = arith.constant 0 : i32
          %dma_start3A_163 = tpu.memref_slice %arg9[%dma_start3A_160, %dma_start3A_161, %dma_start3A_162] : memref<2x128x128xf32, #tpu.memory_space<vmem>> -> memref<1x128x128xf32, #tpu.memory_space<vmem>>
          %dma_start3A_164 = tpu.memref_squeeze %dma_start3A_163 : memref<1x128x128xf32, #tpu.memory_space<vmem>> -> memref<128x128xf32, #tpu.memory_space<vmem>>
          %dma_start3A_165 = arith.constant 0 : i32
          %dma_start3A_166 = tpu.memref_slice %arg7[%add3A_159, %dma_start3A_165] : memref<40x128xi32, #tpu.memory_space<vmem>> -> memref<1x128xi32, #tpu.memory_space<vmem>>
          %dma_start3A_167 = tpu.memref_squeeze %dma_start3A_166 : memref<1x128xi32, #tpu.memory_space<vmem>> -> memref<128xi32, #tpu.memory_space<vmem>>
          %dma_start3A_168 = arith.constant 0 : i32
          %dma_start3A_169 = arith.constant 0 : i32
          %dma_start3A_170 = tpu.memref_slice %arg2[%dma_start3A_168, %dma_start3A_169] : memref<10240x128xf32, #tpu.memory_space<hbm>> -> memref<10240x128xf32, #tpu.memory_space<hbm>>
          tpu.enqueue_indirect_dma source(%dma_start3A_170 : memref<10240x128xf32, #tpu.memory_space<hbm>>) target(%dma_start3A_164 : memref<128x128xf32, #tpu.memory_space<vmem>>) offsets(%dma_start3A_167 : memref<128xi32, #tpu.memory_space<vmem>>) semaphore(%arg12 : memref<!tpu.dma_semaphore, #tpu.memory_space<semaphore_mem>>)
        } else {
        }
      }
      %scan3A_39 = arith.constant 20 : i32
      %mul3A_40 = arith.constant 120 : i32
      %mul3A_41 = arith.muli %arg1, %mul3A_40 : i32
      %add3A_42 = arith.constant 40 : i32
      %add3A_43 = arith.addi %mul3A_41, %add3A_42 : i32
      "tpu.region"() ({
        %run_scoped3A = tpu.sem_alloc : memref<!tpu.dma_semaphore, #tpu.memory_space<semaphore_mem>>
        %dma_start3A_108 = arith.constant 0 : i32
        %dma_start3A_109 = tpu.memref_slice %arg3[%add3A_43, %dma_start3A_108] : memref<2560x128xi32, #tpu.memory_space<hbm>> -> memref<40x128xi32, #tpu.memory_space<hbm>>
        %dma_start3A_110 = arith.constant 0 : i32
        %dma_start3A_111 = tpu.memref_slice %arg3[%add3A_43, %dma_start3A_110] : memref<2560x128xi32, #tpu.memory_space<hbm>> -> memref<40x128xi32, #tpu.memory_space<hbm>>
        tpu.enqueue_dma source(%dma_start3A_111 : memref<40x128xi32, #tpu.memory_space<hbm>>) target(%arg7 : memref<40x128xi32, #tpu.memory_space<vmem>>) target_semaphore(%run_scoped3A : memref<!tpu.dma_semaphore, #tpu.memory_space<semaphore_mem>>)
        %dma_wait3A = arith.constant 0 : i32
        %dma_wait3A_112 = tpu.memref_slice %arg3[%add3A_43, %dma_wait3A] : memref<2560x128xi32, #tpu.memory_space<hbm>> -> memref<40x128xi32, #tpu.memory_space<hbm>>
        %dma_wait3A_113 = arith.constant 0 : i32
        %dma_wait3A_114 = tpu.memref_slice %arg3[%add3A_43, %dma_wait3A_113] : memref<2560x128xi32, #tpu.memory_space<hbm>> -> memref<40x128xi32, #tpu.memory_space<hbm>>
        tpu.wait_dma2 semaphore(%run_scoped3A : memref<!tpu.dma_semaphore, #tpu.memory_space<semaphore_mem>>) src(%dma_wait3A_114 : memref<40x128xi32, #tpu.memory_space<hbm>>) dst(%arg7 : memref<40x128xi32, #tpu.memory_space<vmem>>)
        tpu.yield
      }) : () -> ()
      "tpu.region"() ({
        %run_scoped3A = tpu.sem_alloc : memref<!tpu.dma_semaphore, #tpu.memory_space<semaphore_mem>>
        %dma_start3A_108 = arith.constant 0 : i32
        %dma_start3A_109 = tpu.memref_slice %arg4[%add3A_43, %dma_start3A_108] : memref<2560x128xi32, #tpu.memory_space<hbm>> -> memref<40x128xi32, #tpu.memory_space<hbm>>
        %dma_start3A_110 = arith.constant 0 : i32
        %dma_start3A_111 = tpu.memref_slice %arg4[%add3A_43, %dma_start3A_110] : memref<2560x128xi32, #tpu.memory_space<hbm>> -> memref<40x128xi32, #tpu.memory_space<hbm>>
        tpu.enqueue_dma source(%dma_start3A_111 : memref<40x128xi32, #tpu.memory_space<hbm>>) target(%arg8 : memref<40x128xi32, #tpu.memory_space<vmem>>) target_semaphore(%run_scoped3A : memref<!tpu.dma_semaphore, #tpu.memory_space<semaphore_mem>>)
        %dma_wait3A = arith.constant 0 : i32
        %dma_wait3A_112 = tpu.memref_slice %arg4[%add3A_43, %dma_wait3A] : memref<2560x128xi32, #tpu.memory_space<hbm>> -> memref<40x128xi32, #tpu.memory_space<hbm>>
        %dma_wait3A_113 = arith.constant 0 : i32
        %dma_wait3A_114 = tpu.memref_slice %arg4[%add3A_43, %dma_wait3A_113] : memref<2560x128xi32, #tpu.memory_space<hbm>> -> memref<40x128xi32, #tpu.memory_space<hbm>>
        tpu.wait_dma2 semaphore(%run_scoped3A : memref<!tpu.dma_semaphore, #tpu.memory_space<semaphore_mem>>) src(%dma_wait3A_114 : memref<40x128xi32, #tpu.memory_space<hbm>>) dst(%arg8 : memref<40x128xi32, #tpu.memory_space<vmem>>)
        tpu.yield
      }) : () -> ()
      %dma_start3A_44 = arith.constant 0 : i32
      %dma_start3A_45 = arith.constant 0 : i32
      %dma_start3A_46 = arith.constant 0 : i32
      %dma_start3A_47 = arith.constant 0 : i32
      %dma_start3A_48 = tpu.memref_slice %arg9[%dma_start3A_45, %dma_start3A_46, %dma_start3A_47] : memref<2x128x128xf32, #tpu.memory_space<vmem>> -> memref<1x128x128xf32, #tpu.memory_space<vmem>>
      %dma_start3A_49 = tpu.memref_squeeze %dma_start3A_48 : memref<1x128x128xf32, #tpu.memory_space<vmem>> -> memref<128x128xf32, #tpu.memory_space<vmem>>
      %dma_start3A_50 = arith.constant 0 : i32
      %dma_start3A_51 = tpu.memref_slice %arg7[%dma_start3A_44, %dma_start3A_50] : memref<40x128xi32, #tpu.memory_space<vmem>> -> memref<1x128xi32, #tpu.memory_space<vmem>>
      %dma_start3A_52 = tpu.memref_squeeze %dma_start3A_51 : memref<1x128xi32, #tpu.memory_space<vmem>> -> memref<128xi32, #tpu.memory_space<vmem>>
      %dma_start3A_53 = arith.constant 0 : i32
      %dma_start3A_54 = arith.constant 0 : i32
      %dma_start3A_55 = tpu.memref_slice %arg2[%dma_start3A_53, %dma_start3A_54] : memref<10240x128xf32, #tpu.memory_space<hbm>> -> memref<10240x128xf32, #tpu.memory_space<hbm>>
      tpu.enqueue_indirect_dma source(%dma_start3A_55 : memref<10240x128xf32, #tpu.memory_space<hbm>>) target(%dma_start3A_49 : memref<128x128xf32, #tpu.memory_space<vmem>>) offsets(%dma_start3A_52 : memref<128xi32, #tpu.memory_space<vmem>>) semaphore(%arg11 : memref<!tpu.dma_semaphore, #tpu.memory_space<semaphore_mem>>)
      %dma_start3A_56 = arith.constant 1 : i32
      %dma_start3A_57 = arith.constant 1 : i32
      %dma_start3A_58 = arith.constant 0 : i32
      %dma_start3A_59 = arith.constant 0 : i32
      %dma_start3A_60 = tpu.memref_slice %arg9[%dma_start3A_57, %dma_start3A_58, %dma_start3A_59] : memref<2x128x128xf32, #tpu.memory_space<vmem>> -> memref<1x128x128xf32, #tpu.memory_space<vmem>>
      %dma_start3A_61 = tpu.memref_squeeze %dma_start3A_60 : memref<1x128x128xf32, #tpu.memory_space<vmem>> -> memref<128x128xf32, #tpu.memory_space<vmem>>
      %dma_start3A_62 = arith.constant 0 : i32
      %dma_start3A_63 = tpu.memref_slice %arg7[%dma_start3A_56, %dma_start3A_62] : memref<40x128xi32, #tpu.memory_space<vmem>> -> memref<1x128xi32, #tpu.memory_space<vmem>>
      %dma_start3A_64 = tpu.memref_squeeze %dma_start3A_63 : memref<1x128xi32, #tpu.memory_space<vmem>> -> memref<128xi32, #tpu.memory_space<vmem>>
      %dma_start3A_65 = arith.constant 0 : i32
      %dma_start3A_66 = arith.constant 0 : i32
      %dma_start3A_67 = tpu.memref_slice %arg2[%dma_start3A_65, %dma_start3A_66] : memref<10240x128xf32, #tpu.memory_space<hbm>> -> memref<10240x128xf32, #tpu.memory_space<hbm>>
      tpu.enqueue_indirect_dma source(%dma_start3A_67 : memref<10240x128xf32, #tpu.memory_space<hbm>>) target(%dma_start3A_61 : memref<128x128xf32, #tpu.memory_space<vmem>>) offsets(%dma_start3A_64 : memref<128xi32, #tpu.memory_space<vmem>>) semaphore(%arg12 : memref<!tpu.dma_semaphore, #tpu.memory_space<semaphore_mem>>)
      %scan3A_68 = arith.constant 0 : i32
      %scan3A_69 = arith.constant 0 : i32
      %scan3A_70 = arith.constant 20 : i32
      %scan3A_71 = arith.addi %scan3A_69, %scan3A_70 : i32
      %scan3A_72 = arith.constant 1 : i32
      scf.for %scan3A_108 = %scan3A_69 to %scan3A_71 step %scan3A_72  : i32 {
        %mul3A_109 = arith.constant 2 : i32
        %mul3A_110 = arith.muli %scan3A_108, %mul3A_109 : i32
        %add3A_111 = arith.constant 0 : i32
        %add3A_112 = arith.addi %mul3A_110, %add3A_111 : i32
        %dma_wait3A = arith.constant 0 : i32
        %dma_wait3A_113 = arith.constant 0 : i32
        %dma_wait3A_114 = arith.constant 0 : i32
        %dma_wait3A_115 = tpu.memref_slice %arg9[%dma_wait3A, %dma_wait3A_113, %dma_wait3A_114] : memref<2x128x128xf32, #tpu.memory_space<vmem>> -> memref<1x128x128xf32, #tpu.memory_space<vmem>>
        %dma_wait3A_116 = tpu.memref_squeeze %dma_wait3A_115 : memref<1x128x128xf32, #tpu.memory_space<vmem>> -> memref<128x128xf32, #tpu.memory_space<vmem>>
        %dma_wait3A_117 = arith.constant 0 : i32
        %dma_wait3A_118 = arith.constant 0 : i32
        %dma_wait3A_119 = tpu.memref_slice %arg2[%dma_wait3A_117, %dma_wait3A_118] : memref<10240x128xf32, #tpu.memory_space<hbm>> -> memref<128x128xf32, #tpu.memory_space<hbm>>
        %dma_wait3A_120 = arith.constant 0 : i32
        %dma_wait3A_121 = arith.constant 0 : i32
        %dma_wait3A_122 = tpu.memref_slice %arg9[%dma_wait3A, %dma_wait3A_120, %dma_wait3A_121] : memref<2x128x128xf32, #tpu.memory_space<vmem>> -> memref<1x128x128xf32, #tpu.memory_space<vmem>>
        %dma_wait3A_123 = tpu.memref_squeeze %dma_wait3A_122 : memref<1x128x128xf32, #tpu.memory_space<vmem>> -> memref<128x128xf32, #tpu.memory_space<vmem>>
        %dma_wait3A_124 = arith.constant 0 : i32
        %dma_wait3A_125 = arith.constant 0 : i32
        %dma_wait3A_126 = tpu.memref_slice %arg2[%dma_wait3A_124, %dma_wait3A_125] : memref<10240x128xf32, #tpu.memory_space<hbm>> -> memref<128x128xf32, #tpu.memory_space<hbm>>
        tpu.wait_dma2 semaphore(%arg11 : memref<!tpu.dma_semaphore, #tpu.memory_space<semaphore_mem>>) src(%dma_wait3A_126 : memref<128x128xf32, #tpu.memory_space<hbm>>) dst(%dma_wait3A_123 : memref<128x128xf32, #tpu.memory_space<vmem>>)
        %run_scoped3A = arith.constant 0 : i32
        "tpu.region"() ({
          %run_scoped3A_158 = tpu.sem_alloc : memref<!tpu.dma_semaphore, #tpu.memory_space<semaphore_mem>>
          %dma_start3A_159 = arith.constant 0 : i32
          %dma_start3A_160 = arith.constant 0 : i32
          %dma_start3A_161 = tpu.memref_slice %arg9[%run_scoped3A, %dma_start3A_159, %dma_start3A_160] : memref<2x128x128xf32, #tpu.memory_space<vmem>> -> memref<1x128x128xf32, #tpu.memory_space<vmem>>
          %dma_start3A_162 = tpu.memref_squeeze %dma_start3A_161 : memref<1x128x128xf32, #tpu.memory_space<vmem>> -> memref<128x128xf32, #tpu.memory_space<vmem>>
          %dma_start3A_163 = arith.constant 0 : i32
          %dma_start3A_164 = tpu.memref_slice %arg8[%add3A_112, %dma_start3A_163] : memref<40x128xi32, #tpu.memory_space<vmem>> -> memref<1x128xi32, #tpu.memory_space<vmem>>
          %dma_start3A_165 = tpu.memref_squeeze %dma_start3A_164 : memref<1x128xi32, #tpu.memory_space<vmem>> -> memref<128xi32, #tpu.memory_space<vmem>>
          %dma_start3A_166 = arith.constant 0 : i32
          %dma_start3A_167 = arith.constant 0 : i32
          %dma_start3A_168 = tpu.memref_slice %arg10[%dma_start3A_166, %dma_start3A_167] : memref<10240x128xf32, #tpu.memory_space<vmem_shared>> -> memref<10240x128xf32, #tpu.memory_space<vmem_shared>>
          tpu.enqueue_indirect_dma source(%dma_start3A_162 : memref<128x128xf32, #tpu.memory_space<vmem>>) target(%dma_start3A_168 : memref<10240x128xf32, #tpu.memory_space<vmem_shared>>) offsets(%dma_start3A_165 : memref<128xi32, #tpu.memory_space<vmem>>) semaphore(%run_scoped3A_158 : memref<!tpu.dma_semaphore, #tpu.memory_space<semaphore_mem>>) {add = true}
          %dma_wait3A_169 = arith.constant 0 : i32
          %dma_wait3A_170 = arith.constant 0 : i32
          %dma_wait3A_171 = tpu.memref_slice %arg9[%run_scoped3A, %dma_wait3A_169, %dma_wait3A_170] : memref<2x128x128xf32, #tpu.memory_space<vmem>> -> memref<1x128x128xf32, #tpu.memory_space<vmem>>
          %dma_wait3A_172 = tpu.memref_squeeze %dma_wait3A_171 : memref<1x128x128xf32, #tpu.memory_space<vmem>> -> memref<128x128xf32, #tpu.memory_space<vmem>>
          %dma_wait3A_173 = arith.constant 0 : i32
          %dma_wait3A_174 = tpu.memref_slice %arg8[%add3A_112, %dma_wait3A_173] : memref<40x128xi32, #tpu.memory_space<vmem>> -> memref<1x128xi32, #tpu.memory_space<vmem>>
          %dma_wait3A_175 = tpu.memref_squeeze %dma_wait3A_174 : memref<1x128xi32, #tpu.memory_space<vmem>> -> memref<128xi32, #tpu.memory_space<vmem>>
          %dma_wait3A_176 = arith.constant 0 : i32
          %dma_wait3A_177 = arith.constant 0 : i32
          %dma_wait3A_178 = tpu.memref_slice %arg10[%dma_wait3A_176, %dma_wait3A_177] : memref<10240x128xf32, #tpu.memory_space<vmem_shared>> -> memref<10240x128xf32, #tpu.memory_space<vmem_shared>>
          tpu.wait_indirect_dma semaphore(%run_scoped3A_158 : memref<!tpu.dma_semaphore, #tpu.memory_space<semaphore_mem>>) src(%dma_wait3A_172 : memref<128x128xf32, #tpu.memory_space<vmem>>) dst(%dma_wait3A_178 : memref<10240x128xf32, #tpu.memory_space<vmem_shared>>)
          tpu.yield
        }) : () -> ()
        %add3A_127 = arith.constant 2 : i32
        %add3A_128 = arith.addi %add3A_112, %add3A_127 : i32
        %lt3A = arith.constant 40 : i32
        %lt3A_129 = arith.cmpi slt, %add3A_128, %lt3A : i32
        %convert_element_type3A_130 = arith.extui %lt3A_129 : i1 to i32
        %cond3A_131 = arith.constant 0 : i32
        %cond3A_132 = arith.cmpi ne, %convert_element_type3A_130, %cond3A_131 : i32
        scf.if %cond3A_132 {
          %add3A_158 = arith.constant 2 : i32
          %add3A_159 = arith.addi %add3A_112, %add3A_158 : i32
          %dma_start3A_160 = arith.constant 0 : i32
          %dma_start3A_161 = arith.constant 0 : i32
          %dma_start3A_162 = arith.constant 0 : i32
          %dma_start3A_163 = tpu.memref_slice %arg9[%dma_start3A_160, %dma_start3A_161, %dma_start3A_162] : memref<2x128x128xf32, #tpu.memory_space<vmem>> -> memref<1x128x128xf32, #tpu.memory_space<vmem>>
          %dma_start3A_164 = tpu.memref_squeeze %dma_start3A_163 : memref<1x128x128xf32, #tpu.memory_space<vmem>> -> memref<128x128xf32, #tpu.memory_space<vmem>>
          %dma_start3A_165 = arith.constant 0 : i32
          %dma_start3A_166 = tpu.memref_slice %arg7[%add3A_159, %dma_start3A_165] : memref<40x128xi32, #tpu.memory_space<vmem>> -> memref<1x128xi32, #tpu.memory_space<vmem>>
          %dma_start3A_167 = tpu.memref_squeeze %dma_start3A_166 : memref<1x128xi32, #tpu.memory_space<vmem>> -> memref<128xi32, #tpu.memory_space<vmem>>
          %dma_start3A_168 = arith.constant 0 : i32
          %dma_start3A_169 = arith.constant 0 : i32
          %dma_start3A_170 = tpu.memref_slice %arg2[%dma_start3A_168, %dma_start3A_169] : memref<10240x128xf32, #tpu.memory_space<hbm>> -> memref<10240x128xf32, #tpu.memory_space<hbm>>
          tpu.enqueue_indirect_dma source(%dma_start3A_170 : memref<10240x128xf32, #tpu.memory_space<hbm>>) target(%dma_start3A_164 : memref<128x128xf32, #tpu.memory_space<vmem>>) offsets(%dma_start3A_167 : memref<128xi32, #tpu.memory_space<vmem>>) semaphore(%arg11 : memref<!tpu.dma_semaphore, #tpu.memory_space<semaphore_mem>>)
        } else {
        }
        %add3A_133 = arith.constant 1 : i32
        %add3A_134 = arith.addi %mul3A_110, %add3A_133 : i32
        %dma_wait3A_135 = arith.constant 1 : i32
        %dma_wait3A_136 = arith.constant 0 : i32
        %dma_wait3A_137 = arith.constant 0 : i32
        %dma_wait3A_138 = tpu.memref_slice %arg9[%dma_wait3A_135, %dma_wait3A_136, %dma_wait3A_137] : memref<2x128x128xf32, #tpu.memory_space<vmem>> -> memref<1x128x128xf32, #tpu.memory_space<vmem>>
        %dma_wait3A_139 = tpu.memref_squeeze %dma_wait3A_138 : memref<1x128x128xf32, #tpu.memory_space<vmem>> -> memref<128x128xf32, #tpu.memory_space<vmem>>
        %dma_wait3A_140 = arith.constant 0 : i32
        %dma_wait3A_141 = arith.constant 0 : i32
        %dma_wait3A_142 = tpu.memref_slice %arg2[%dma_wait3A_140, %dma_wait3A_141] : memref<10240x128xf32, #tpu.memory_space<hbm>> -> memref<128x128xf32, #tpu.memory_space<hbm>>
        %dma_wait3A_143 = arith.constant 0 : i32
        %dma_wait3A_144 = arith.constant 0 : i32
        %dma_wait3A_145 = tpu.memref_slice %arg9[%dma_wait3A_135, %dma_wait3A_143, %dma_wait3A_144] : memref<2x128x128xf32, #tpu.memory_space<vmem>> -> memref<1x128x128xf32, #tpu.memory_space<vmem>>
        %dma_wait3A_146 = tpu.memref_squeeze %dma_wait3A_145 : memref<1x128x128xf32, #tpu.memory_space<vmem>> -> memref<128x128xf32, #tpu.memory_space<vmem>>
        %dma_wait3A_147 = arith.constant 0 : i32
        %dma_wait3A_148 = arith.constant 0 : i32
        %dma_wait3A_149 = tpu.memref_slice %arg2[%dma_wait3A_147, %dma_wait3A_148] : memref<10240x128xf32, #tpu.memory_space<hbm>> -> memref<128x128xf32, #tpu.memory_space<hbm>>
        tpu.wait_dma2 semaphore(%arg12 : memref<!tpu.dma_semaphore, #tpu.memory_space<semaphore_mem>>) src(%dma_wait3A_149 : memref<128x128xf32, #tpu.memory_space<hbm>>) dst(%dma_wait3A_146 : memref<128x128xf32, #tpu.memory_space<vmem>>)
        %run_scoped3A_150 = arith.constant 1 : i32
        "tpu.region"() ({
          %run_scoped3A_158 = tpu.sem_alloc : memref<!tpu.dma_semaphore, #tpu.memory_space<semaphore_mem>>
          %dma_start3A_159 = arith.constant 0 : i32
          %dma_start3A_160 = arith.constant 0 : i32
          %dma_start3A_161 = tpu.memref_slice %arg9[%run_scoped3A_150, %dma_start3A_159, %dma_start3A_160] : memref<2x128x128xf32, #tpu.memory_space<vmem>> -> memref<1x128x128xf32, #tpu.memory_space<vmem>>
          %dma_start3A_162 = tpu.memref_squeeze %dma_start3A_161 : memref<1x128x128xf32, #tpu.memory_space<vmem>> -> memref<128x128xf32, #tpu.memory_space<vmem>>
          %dma_start3A_163 = arith.constant 0 : i32
          %dma_start3A_164 = tpu.memref_slice %arg8[%add3A_134, %dma_start3A_163] : memref<40x128xi32, #tpu.memory_space<vmem>> -> memref<1x128xi32, #tpu.memory_space<vmem>>
          %dma_start3A_165 = tpu.memref_squeeze %dma_start3A_164 : memref<1x128xi32, #tpu.memory_space<vmem>> -> memref<128xi32, #tpu.memory_space<vmem>>
          %dma_start3A_166 = arith.constant 0 : i32
          %dma_start3A_167 = arith.constant 0 : i32
          %dma_start3A_168 = tpu.memref_slice %arg10[%dma_start3A_166, %dma_start3A_167] : memref<10240x128xf32, #tpu.memory_space<vmem_shared>> -> memref<10240x128xf32, #tpu.memory_space<vmem_shared>>
          tpu.enqueue_indirect_dma source(%dma_start3A_162 : memref<128x128xf32, #tpu.memory_space<vmem>>) target(%dma_start3A_168 : memref<10240x128xf32, #tpu.memory_space<vmem_shared>>) offsets(%dma_start3A_165 : memref<128xi32, #tpu.memory_space<vmem>>) semaphore(%run_scoped3A_158 : memref<!tpu.dma_semaphore, #tpu.memory_space<semaphore_mem>>) {add = true}
          %dma_wait3A_169 = arith.constant 0 : i32
          %dma_wait3A_170 = arith.constant 0 : i32
          %dma_wait3A_171 = tpu.memref_slice %arg9[%run_scoped3A_150, %dma_wait3A_169, %dma_wait3A_170] : memref<2x128x128xf32, #tpu.memory_space<vmem>> -> memref<1x128x128xf32, #tpu.memory_space<vmem>>
          %dma_wait3A_172 = tpu.memref_squeeze %dma_wait3A_171 : memref<1x128x128xf32, #tpu.memory_space<vmem>> -> memref<128x128xf32, #tpu.memory_space<vmem>>
          %dma_wait3A_173 = arith.constant 0 : i32
          %dma_wait3A_174 = tpu.memref_slice %arg8[%add3A_134, %dma_wait3A_173] : memref<40x128xi32, #tpu.memory_space<vmem>> -> memref<1x128xi32, #tpu.memory_space<vmem>>
          %dma_wait3A_175 = tpu.memref_squeeze %dma_wait3A_174 : memref<1x128xi32, #tpu.memory_space<vmem>> -> memref<128xi32, #tpu.memory_space<vmem>>
          %dma_wait3A_176 = arith.constant 0 : i32
          %dma_wait3A_177 = arith.constant 0 : i32
          %dma_wait3A_178 = tpu.memref_slice %arg10[%dma_wait3A_176, %dma_wait3A_177] : memref<10240x128xf32, #tpu.memory_space<vmem_shared>> -> memref<10240x128xf32, #tpu.memory_space<vmem_shared>>
          tpu.wait_indirect_dma semaphore(%run_scoped3A_158 : memref<!tpu.dma_semaphore, #tpu.memory_space<semaphore_mem>>) src(%dma_wait3A_172 : memref<128x128xf32, #tpu.memory_space<vmem>>) dst(%dma_wait3A_178 : memref<10240x128xf32, #tpu.memory_space<vmem_shared>>)
          tpu.yield
        }) : () -> ()
        %add3A_151 = arith.constant 2 : i32
        %add3A_152 = arith.addi %add3A_134, %add3A_151 : i32
        %lt3A_153 = arith.constant 40 : i32
        %lt3A_154 = arith.cmpi slt, %add3A_152, %lt3A_153 : i32
        %convert_element_type3A_155 = arith.extui %lt3A_154 : i1 to i32
        %cond3A_156 = arith.constant 0 : i32
        %cond3A_157 = arith.cmpi ne, %convert_element_type3A_155, %cond3A_156 : i32
        scf.if %cond3A_157 {
          %add3A_158 = arith.constant 2 : i32
          %add3A_159 = arith.addi %add3A_134, %add3A_158 : i32
          %dma_start3A_160 = arith.constant 1 : i32
          %dma_start3A_161 = arith.constant 0 : i32
          %dma_start3A_162 = arith.constant 0 : i32
          %dma_start3A_163 = tpu.memref_slice %arg9[%dma_start3A_160, %dma_start3A_161, %dma_start3A_162] : memref<2x128x128xf32, #tpu.memory_space<vmem>> -> memref<1x128x128xf32, #tpu.memory_space<vmem>>
          %dma_start3A_164 = tpu.memref_squeeze %dma_start3A_163 : memref<1x128x128xf32, #tpu.memory_space<vmem>> -> memref<128x128xf32, #tpu.memory_space<vmem>>
          %dma_start3A_165 = arith.constant 0 : i32
          %dma_start3A_166 = tpu.memref_slice %arg7[%add3A_159, %dma_start3A_165] : memref<40x128xi32, #tpu.memory_space<vmem>> -> memref<1x128xi32, #tpu.memory_space<vmem>>
          %dma_start3A_167 = tpu.memref_squeeze %dma_start3A_166 : memref<1x128xi32, #tpu.memory_space<vmem>> -> memref<128xi32, #tpu.memory_space<vmem>>
          %dma_start3A_168 = arith.constant 0 : i32
          %dma_start3A_169 = arith.constant 0 : i32
          %dma_start3A_170 = tpu.memref_slice %arg2[%dma_start3A_168, %dma_start3A_169] : memref<10240x128xf32, #tpu.memory_space<hbm>> -> memref<10240x128xf32, #tpu.memory_space<hbm>>
          tpu.enqueue_indirect_dma source(%dma_start3A_170 : memref<10240x128xf32, #tpu.memory_space<hbm>>) target(%dma_start3A_164 : memref<128x128xf32, #tpu.memory_space<vmem>>) offsets(%dma_start3A_167 : memref<128xi32, #tpu.memory_space<vmem>>) semaphore(%arg12 : memref<!tpu.dma_semaphore, #tpu.memory_space<semaphore_mem>>)
        } else {
        }
      }
      %scan3A_73 = arith.constant 20 : i32
      %mul3A_74 = arith.constant 120 : i32
      %mul3A_75 = arith.muli %arg1, %mul3A_74 : i32
      %add3A_76 = arith.constant 80 : i32
      %add3A_77 = arith.addi %mul3A_75, %add3A_76 : i32
      "tpu.region"() ({
        %run_scoped3A = tpu.sem_alloc : memref<!tpu.dma_semaphore, #tpu.memory_space<semaphore_mem>>
        %dma_start3A_108 = arith.constant 0 : i32
        %dma_start3A_109 = tpu.memref_slice %arg3[%add3A_77, %dma_start3A_108] : memref<2560x128xi32, #tpu.memory_space<hbm>> -> memref<40x128xi32, #tpu.memory_space<hbm>>
        %dma_start3A_110 = arith.constant 0 : i32
        %dma_start3A_111 = tpu.memref_slice %arg3[%add3A_77, %dma_start3A_110] : memref<2560x128xi32, #tpu.memory_space<hbm>> -> memref<40x128xi32, #tpu.memory_space<hbm>>
        tpu.enqueue_dma source(%dma_start3A_111 : memref<40x128xi32, #tpu.memory_space<hbm>>) target(%arg7 : memref<40x128xi32, #tpu.memory_space<vmem>>) target_semaphore(%run_scoped3A : memref<!tpu.dma_semaphore, #tpu.memory_space<semaphore_mem>>)
        %dma_wait3A = arith.constant 0 : i32
        %dma_wait3A_112 = tpu.memref_slice %arg3[%add3A_77, %dma_wait3A] : memref<2560x128xi32, #tpu.memory_space<hbm>> -> memref<40x128xi32, #tpu.memory_space<hbm>>
        %dma_wait3A_113 = arith.constant 0 : i32
        %dma_wait3A_114 = tpu.memref_slice %arg3[%add3A_77, %dma_wait3A_113] : memref<2560x128xi32, #tpu.memory_space<hbm>> -> memref<40x128xi32, #tpu.memory_space<hbm>>
        tpu.wait_dma2 semaphore(%run_scoped3A : memref<!tpu.dma_semaphore, #tpu.memory_space<semaphore_mem>>) src(%dma_wait3A_114 : memref<40x128xi32, #tpu.memory_space<hbm>>) dst(%arg7 : memref<40x128xi32, #tpu.memory_space<vmem>>)
        tpu.yield
      }) : () -> ()
      "tpu.region"() ({
        %run_scoped3A = tpu.sem_alloc : memref<!tpu.dma_semaphore, #tpu.memory_space<semaphore_mem>>
        %dma_start3A_108 = arith.constant 0 : i32
        %dma_start3A_109 = tpu.memref_slice %arg4[%add3A_77, %dma_start3A_108] : memref<2560x128xi32, #tpu.memory_space<hbm>> -> memref<40x128xi32, #tpu.memory_space<hbm>>
        %dma_start3A_110 = arith.constant 0 : i32
        %dma_start3A_111 = tpu.memref_slice %arg4[%add3A_77, %dma_start3A_110] : memref<2560x128xi32, #tpu.memory_space<hbm>> -> memref<40x128xi32, #tpu.memory_space<hbm>>
        tpu.enqueue_dma source(%dma_start3A_111 : memref<40x128xi32, #tpu.memory_space<hbm>>) target(%arg8 : memref<40x128xi32, #tpu.memory_space<vmem>>) target_semaphore(%run_scoped3A : memref<!tpu.dma_semaphore, #tpu.memory_space<semaphore_mem>>)
        %dma_wait3A = arith.constant 0 : i32
        %dma_wait3A_112 = tpu.memref_slice %arg4[%add3A_77, %dma_wait3A] : memref<2560x128xi32, #tpu.memory_space<hbm>> -> memref<40x128xi32, #tpu.memory_space<hbm>>
        %dma_wait3A_113 = arith.constant 0 : i32
        %dma_wait3A_114 = tpu.memref_slice %arg4[%add3A_77, %dma_wait3A_113] : memref<2560x128xi32, #tpu.memory_space<hbm>> -> memref<40x128xi32, #tpu.memory_space<hbm>>
        tpu.wait_dma2 semaphore(%run_scoped3A : memref<!tpu.dma_semaphore, #tpu.memory_space<semaphore_mem>>) src(%dma_wait3A_114 : memref<40x128xi32, #tpu.memory_space<hbm>>) dst(%arg8 : memref<40x128xi32, #tpu.memory_space<vmem>>)
        tpu.yield
      }) : () -> ()
      %dma_start3A_78 = arith.constant 0 : i32
      %dma_start3A_79 = arith.constant 0 : i32
      %dma_start3A_80 = arith.constant 0 : i32
      %dma_start3A_81 = arith.constant 0 : i32
      %dma_start3A_82 = tpu.memref_slice %arg9[%dma_start3A_79, %dma_start3A_80, %dma_start3A_81] : memref<2x128x128xf32, #tpu.memory_space<vmem>> -> memref<1x128x128xf32, #tpu.memory_space<vmem>>
      %dma_start3A_83 = tpu.memref_squeeze %dma_start3A_82 : memref<1x128x128xf32, #tpu.memory_space<vmem>> -> memref<128x128xf32, #tpu.memory_space<vmem>>
      %dma_start3A_84 = arith.constant 0 : i32
      %dma_start3A_85 = tpu.memref_slice %arg7[%dma_start3A_78, %dma_start3A_84] : memref<40x128xi32, #tpu.memory_space<vmem>> -> memref<1x128xi32, #tpu.memory_space<vmem>>
      %dma_start3A_86 = tpu.memref_squeeze %dma_start3A_85 : memref<1x128xi32, #tpu.memory_space<vmem>> -> memref<128xi32, #tpu.memory_space<vmem>>
      %dma_start3A_87 = arith.constant 0 : i32
      %dma_start3A_88 = arith.constant 0 : i32
      %dma_start3A_89 = tpu.memref_slice %arg2[%dma_start3A_87, %dma_start3A_88] : memref<10240x128xf32, #tpu.memory_space<hbm>> -> memref<10240x128xf32, #tpu.memory_space<hbm>>
      tpu.enqueue_indirect_dma source(%dma_start3A_89 : memref<10240x128xf32, #tpu.memory_space<hbm>>) target(%dma_start3A_83 : memref<128x128xf32, #tpu.memory_space<vmem>>) offsets(%dma_start3A_86 : memref<128xi32, #tpu.memory_space<vmem>>) semaphore(%arg11 : memref<!tpu.dma_semaphore, #tpu.memory_space<semaphore_mem>>)
      %dma_start3A_90 = arith.constant 1 : i32
      %dma_start3A_91 = arith.constant 1 : i32
      %dma_start3A_92 = arith.constant 0 : i32
      %dma_start3A_93 = arith.constant 0 : i32
      %dma_start3A_94 = tpu.memref_slice %arg9[%dma_start3A_91, %dma_start3A_92, %dma_start3A_93] : memref<2x128x128xf32, #tpu.memory_space<vmem>> -> memref<1x128x128xf32, #tpu.memory_space<vmem>>
      %dma_start3A_95 = tpu.memref_squeeze %dma_start3A_94 : memref<1x128x128xf32, #tpu.memory_space<vmem>> -> memref<128x128xf32, #tpu.memory_space<vmem>>
      %dma_start3A_96 = arith.constant 0 : i32
      %dma_start3A_97 = tpu.memref_slice %arg7[%dma_start3A_90, %dma_start3A_96] : memref<40x128xi32, #tpu.memory_space<vmem>> -> memref<1x128xi32, #tpu.memory_space<vmem>>
      %dma_start3A_98 = tpu.memref_squeeze %dma_start3A_97 : memref<1x128xi32, #tpu.memory_space<vmem>> -> memref<128xi32, #tpu.memory_space<vmem>>
      %dma_start3A_99 = arith.constant 0 : i32
      %dma_start3A_100 = arith.constant 0 : i32
      %dma_start3A_101 = tpu.memref_slice %arg2[%dma_start3A_99, %dma_start3A_100] : memref<10240x128xf32, #tpu.memory_space<hbm>> -> memref<10240x128xf32, #tpu.memory_space<hbm>>
      tpu.enqueue_indirect_dma source(%dma_start3A_101 : memref<10240x128xf32, #tpu.memory_space<hbm>>) target(%dma_start3A_95 : memref<128x128xf32, #tpu.memory_space<vmem>>) offsets(%dma_start3A_98 : memref<128xi32, #tpu.memory_space<vmem>>) semaphore(%arg12 : memref<!tpu.dma_semaphore, #tpu.memory_space<semaphore_mem>>)
      %scan3A_102 = arith.constant 0 : i32
      %scan3A_103 = arith.constant 0 : i32
      %scan3A_104 = arith.constant 20 : i32
      %scan3A_105 = arith.addi %scan3A_103, %scan3A_104 : i32
      %scan3A_106 = arith.constant 1 : i32
      scf.for %scan3A_108 = %scan3A_103 to %scan3A_105 step %scan3A_106  : i32 {
        %mul3A_109 = arith.constant 2 : i32
        %mul3A_110 = arith.muli %scan3A_108, %mul3A_109 : i32
        %add3A_111 = arith.constant 0 : i32
        %add3A_112 = arith.addi %mul3A_110, %add3A_111 : i32
        %dma_wait3A = arith.constant 0 : i32
        %dma_wait3A_113 = arith.constant 0 : i32
        %dma_wait3A_114 = arith.constant 0 : i32
        %dma_wait3A_115 = tpu.memref_slice %arg9[%dma_wait3A, %dma_wait3A_113, %dma_wait3A_114] : memref<2x128x128xf32, #tpu.memory_space<vmem>> -> memref<1x128x128xf32, #tpu.memory_space<vmem>>
        %dma_wait3A_116 = tpu.memref_squeeze %dma_wait3A_115 : memref<1x128x128xf32, #tpu.memory_space<vmem>> -> memref<128x128xf32, #tpu.memory_space<vmem>>
        %dma_wait3A_117 = arith.constant 0 : i32
        %dma_wait3A_118 = arith.constant 0 : i32
        %dma_wait3A_119 = tpu.memref_slice %arg2[%dma_wait3A_117, %dma_wait3A_118] : memref<10240x128xf32, #tpu.memory_space<hbm>> -> memref<128x128xf32, #tpu.memory_space<hbm>>
        %dma_wait3A_120 = arith.constant 0 : i32
        %dma_wait3A_121 = arith.constant 0 : i32
        %dma_wait3A_122 = tpu.memref_slice %arg9[%dma_wait3A, %dma_wait3A_120, %dma_wait3A_121] : memref<2x128x128xf32, #tpu.memory_space<vmem>> -> memref<1x128x128xf32, #tpu.memory_space<vmem>>
        %dma_wait3A_123 = tpu.memref_squeeze %dma_wait3A_122 : memref<1x128x128xf32, #tpu.memory_space<vmem>> -> memref<128x128xf32, #tpu.memory_space<vmem>>
        %dma_wait3A_124 = arith.constant 0 : i32
        %dma_wait3A_125 = arith.constant 0 : i32
        %dma_wait3A_126 = tpu.memref_slice %arg2[%dma_wait3A_124, %dma_wait3A_125] : memref<10240x128xf32, #tpu.memory_space<hbm>> -> memref<128x128xf32, #tpu.memory_space<hbm>>
        tpu.wait_dma2 semaphore(%arg11 : memref<!tpu.dma_semaphore, #tpu.memory_space<semaphore_mem>>) src(%dma_wait3A_126 : memref<128x128xf32, #tpu.memory_space<hbm>>) dst(%dma_wait3A_123 : memref<128x128xf32, #tpu.memory_space<vmem>>)
        %run_scoped3A = arith.constant 0 : i32
        "tpu.region"() ({
          %run_scoped3A_158 = tpu.sem_alloc : memref<!tpu.dma_semaphore, #tpu.memory_space<semaphore_mem>>
          %dma_start3A_159 = arith.constant 0 : i32
          %dma_start3A_160 = arith.constant 0 : i32
          %dma_start3A_161 = tpu.memref_slice %arg9[%run_scoped3A, %dma_start3A_159, %dma_start3A_160] : memref<2x128x128xf32, #tpu.memory_space<vmem>> -> memref<1x128x128xf32, #tpu.memory_space<vmem>>
          %dma_start3A_162 = tpu.memref_squeeze %dma_start3A_161 : memref<1x128x128xf32, #tpu.memory_space<vmem>> -> memref<128x128xf32, #tpu.memory_space<vmem>>
          %dma_start3A_163 = arith.constant 0 : i32
          %dma_start3A_164 = tpu.memref_slice %arg8[%add3A_112, %dma_start3A_163] : memref<40x128xi32, #tpu.memory_space<vmem>> -> memref<1x128xi32, #tpu.memory_space<vmem>>
          %dma_start3A_165 = tpu.memref_squeeze %dma_start3A_164 : memref<1x128xi32, #tpu.memory_space<vmem>> -> memref<128xi32, #tpu.memory_space<vmem>>
          %dma_start3A_166 = arith.constant 0 : i32
          %dma_start3A_167 = arith.constant 0 : i32
          %dma_start3A_168 = tpu.memref_slice %arg10[%dma_start3A_166, %dma_start3A_167] : memref<10240x128xf32, #tpu.memory_space<vmem_shared>> -> memref<10240x128xf32, #tpu.memory_space<vmem_shared>>
          tpu.enqueue_indirect_dma source(%dma_start3A_162 : memref<128x128xf32, #tpu.memory_space<vmem>>) target(%dma_start3A_168 : memref<10240x128xf32, #tpu.memory_space<vmem_shared>>) offsets(%dma_start3A_165 : memref<128xi32, #tpu.memory_space<vmem>>) semaphore(%run_scoped3A_158 : memref<!tpu.dma_semaphore, #tpu.memory_space<semaphore_mem>>) {add = true}
          %dma_wait3A_169 = arith.constant 0 : i32
          %dma_wait3A_170 = arith.constant 0 : i32
          %dma_wait3A_171 = tpu.memref_slice %arg9[%run_scoped3A, %dma_wait3A_169, %dma_wait3A_170] : memref<2x128x128xf32, #tpu.memory_space<vmem>> -> memref<1x128x128xf32, #tpu.memory_space<vmem>>
          %dma_wait3A_172 = tpu.memref_squeeze %dma_wait3A_171 : memref<1x128x128xf32, #tpu.memory_space<vmem>> -> memref<128x128xf32, #tpu.memory_space<vmem>>
          %dma_wait3A_173 = arith.constant 0 : i32
          %dma_wait3A_174 = tpu.memref_slice %arg8[%add3A_112, %dma_wait3A_173] : memref<40x128xi32, #tpu.memory_space<vmem>> -> memref<1x128xi32, #tpu.memory_space<vmem>>
          %dma_wait3A_175 = tpu.memref_squeeze %dma_wait3A_174 : memref<1x128xi32, #tpu.memory_space<vmem>> -> memref<128xi32, #tpu.memory_space<vmem>>
          %dma_wait3A_176 = arith.constant 0 : i32
          %dma_wait3A_177 = arith.constant 0 : i32
          %dma_wait3A_178 = tpu.memref_slice %arg10[%dma_wait3A_176, %dma_wait3A_177] : memref<10240x128xf32, #tpu.memory_space<vmem_shared>> -> memref<10240x128xf32, #tpu.memory_space<vmem_shared>>
          tpu.wait_indirect_dma semaphore(%run_scoped3A_158 : memref<!tpu.dma_semaphore, #tpu.memory_space<semaphore_mem>>) src(%dma_wait3A_172 : memref<128x128xf32, #tpu.memory_space<vmem>>) dst(%dma_wait3A_178 : memref<10240x128xf32, #tpu.memory_space<vmem_shared>>)
          tpu.yield
        }) : () -> ()
        %add3A_127 = arith.constant 2 : i32
        %add3A_128 = arith.addi %add3A_112, %add3A_127 : i32
        %lt3A = arith.constant 40 : i32
        %lt3A_129 = arith.cmpi slt, %add3A_128, %lt3A : i32
        %convert_element_type3A_130 = arith.extui %lt3A_129 : i1 to i32
        %cond3A_131 = arith.constant 0 : i32
        %cond3A_132 = arith.cmpi ne, %convert_element_type3A_130, %cond3A_131 : i32
        scf.if %cond3A_132 {
          %add3A_158 = arith.constant 2 : i32
          %add3A_159 = arith.addi %add3A_112, %add3A_158 : i32
          %dma_start3A_160 = arith.constant 0 : i32
          %dma_start3A_161 = arith.constant 0 : i32
          %dma_start3A_162 = arith.constant 0 : i32
          %dma_start3A_163 = tpu.memref_slice %arg9[%dma_start3A_160, %dma_start3A_161, %dma_start3A_162] : memref<2x128x128xf32, #tpu.memory_space<vmem>> -> memref<1x128x128xf32, #tpu.memory_space<vmem>>
          %dma_start3A_164 = tpu.memref_squeeze %dma_start3A_163 : memref<1x128x128xf32, #tpu.memory_space<vmem>> -> memref<128x128xf32, #tpu.memory_space<vmem>>
          %dma_start3A_165 = arith.constant 0 : i32
          %dma_start3A_166 = tpu.memref_slice %arg7[%add3A_159, %dma_start3A_165] : memref<40x128xi32, #tpu.memory_space<vmem>> -> memref<1x128xi32, #tpu.memory_space<vmem>>
          %dma_start3A_167 = tpu.memref_squeeze %dma_start3A_166 : memref<1x128xi32, #tpu.memory_space<vmem>> -> memref<128xi32, #tpu.memory_space<vmem>>
          %dma_start3A_168 = arith.constant 0 : i32
          %dma_start3A_169 = arith.constant 0 : i32
          %dma_start3A_170 = tpu.memref_slice %arg2[%dma_start3A_168, %dma_start3A_169] : memref<10240x128xf32, #tpu.memory_space<hbm>> -> memref<10240x128xf32, #tpu.memory_space<hbm>>
          tpu.enqueue_indirect_dma source(%dma_start3A_170 : memref<10240x128xf32, #tpu.memory_space<hbm>>) target(%dma_start3A_164 : memref<128x128xf32, #tpu.memory_space<vmem>>) offsets(%dma_start3A_167 : memref<128xi32, #tpu.memory_space<vmem>>) semaphore(%arg11 : memref<!tpu.dma_semaphore, #tpu.memory_space<semaphore_mem>>)
        } else {
        }
        %add3A_133 = arith.constant 1 : i32
        %add3A_134 = arith.addi %mul3A_110, %add3A_133 : i32
        %dma_wait3A_135 = arith.constant 1 : i32
        %dma_wait3A_136 = arith.constant 0 : i32
        %dma_wait3A_137 = arith.constant 0 : i32
        %dma_wait3A_138 = tpu.memref_slice %arg9[%dma_wait3A_135, %dma_wait3A_136, %dma_wait3A_137] : memref<2x128x128xf32, #tpu.memory_space<vmem>> -> memref<1x128x128xf32, #tpu.memory_space<vmem>>
        %dma_wait3A_139 = tpu.memref_squeeze %dma_wait3A_138 : memref<1x128x128xf32, #tpu.memory_space<vmem>> -> memref<128x128xf32, #tpu.memory_space<vmem>>
        %dma_wait3A_140 = arith.constant 0 : i32
        %dma_wait3A_141 = arith.constant 0 : i32
        %dma_wait3A_142 = tpu.memref_slice %arg2[%dma_wait3A_140, %dma_wait3A_141] : memref<10240x128xf32, #tpu.memory_space<hbm>> -> memref<128x128xf32, #tpu.memory_space<hbm>>
        %dma_wait3A_143 = arith.constant 0 : i32
        %dma_wait3A_144 = arith.constant 0 : i32
        %dma_wait3A_145 = tpu.memref_slice %arg9[%dma_wait3A_135, %dma_wait3A_143, %dma_wait3A_144] : memref<2x128x128xf32, #tpu.memory_space<vmem>> -> memref<1x128x128xf32, #tpu.memory_space<vmem>>
        %dma_wait3A_146 = tpu.memref_squeeze %dma_wait3A_145 : memref<1x128x128xf32, #tpu.memory_space<vmem>> -> memref<128x128xf32, #tpu.memory_space<vmem>>
        %dma_wait3A_147 = arith.constant 0 : i32
        %dma_wait3A_148 = arith.constant 0 : i32
        %dma_wait3A_149 = tpu.memref_slice %arg2[%dma_wait3A_147, %dma_wait3A_148] : memref<10240x128xf32, #tpu.memory_space<hbm>> -> memref<128x128xf32, #tpu.memory_space<hbm>>
        tpu.wait_dma2 semaphore(%arg12 : memref<!tpu.dma_semaphore, #tpu.memory_space<semaphore_mem>>) src(%dma_wait3A_149 : memref<128x128xf32, #tpu.memory_space<hbm>>) dst(%dma_wait3A_146 : memref<128x128xf32, #tpu.memory_space<vmem>>)
        %run_scoped3A_150 = arith.constant 1 : i32
        "tpu.region"() ({
          %run_scoped3A_158 = tpu.sem_alloc : memref<!tpu.dma_semaphore, #tpu.memory_space<semaphore_mem>>
          %dma_start3A_159 = arith.constant 0 : i32
          %dma_start3A_160 = arith.constant 0 : i32
          %dma_start3A_161 = tpu.memref_slice %arg9[%run_scoped3A_150, %dma_start3A_159, %dma_start3A_160] : memref<2x128x128xf32, #tpu.memory_space<vmem>> -> memref<1x128x128xf32, #tpu.memory_space<vmem>>
          %dma_start3A_162 = tpu.memref_squeeze %dma_start3A_161 : memref<1x128x128xf32, #tpu.memory_space<vmem>> -> memref<128x128xf32, #tpu.memory_space<vmem>>
          %dma_start3A_163 = arith.constant 0 : i32
          %dma_start3A_164 = tpu.memref_slice %arg8[%add3A_134, %dma_start3A_163] : memref<40x128xi32, #tpu.memory_space<vmem>> -> memref<1x128xi32, #tpu.memory_space<vmem>>
          %dma_start3A_165 = tpu.memref_squeeze %dma_start3A_164 : memref<1x128xi32, #tpu.memory_space<vmem>> -> memref<128xi32, #tpu.memory_space<vmem>>
          %dma_start3A_166 = arith.constant 0 : i32
          %dma_start3A_167 = arith.constant 0 : i32
          %dma_start3A_168 = tpu.memref_slice %arg10[%dma_start3A_166, %dma_start3A_167] : memref<10240x128xf32, #tpu.memory_space<vmem_shared>> -> memref<10240x128xf32, #tpu.memory_space<vmem_shared>>
          tpu.enqueue_indirect_dma source(%dma_start3A_162 : memref<128x128xf32, #tpu.memory_space<vmem>>) target(%dma_start3A_168 : memref<10240x128xf32, #tpu.memory_space<vmem_shared>>) offsets(%dma_start3A_165 : memref<128xi32, #tpu.memory_space<vmem>>) semaphore(%run_scoped3A_158 : memref<!tpu.dma_semaphore, #tpu.memory_space<semaphore_mem>>) {add = true}
          %dma_wait3A_169 = arith.constant 0 : i32
          %dma_wait3A_170 = arith.constant 0 : i32
          %dma_wait3A_171 = tpu.memref_slice %arg9[%run_scoped3A_150, %dma_wait3A_169, %dma_wait3A_170] : memref<2x128x128xf32, #tpu.memory_space<vmem>> -> memref<1x128x128xf32, #tpu.memory_space<vmem>>
          %dma_wait3A_172 = tpu.memref_squeeze %dma_wait3A_171 : memref<1x128x128xf32, #tpu.memory_space<vmem>> -> memref<128x128xf32, #tpu.memory_space<vmem>>
          %dma_wait3A_173 = arith.constant 0 : i32
          %dma_wait3A_174 = tpu.memref_slice %arg8[%add3A_134, %dma_wait3A_173] : memref<40x128xi32, #tpu.memory_space<vmem>> -> memref<1x128xi32, #tpu.memory_space<vmem>>
          %dma_wait3A_175 = tpu.memref_squeeze %dma_wait3A_174 : memref<1x128xi32, #tpu.memory_space<vmem>> -> memref<128xi32, #tpu.memory_space<vmem>>
          %dma_wait3A_176 = arith.constant 0 : i32
          %dma_wait3A_177 = arith.constant 0 : i32
          %dma_wait3A_178 = tpu.memref_slice %arg10[%dma_wait3A_176, %dma_wait3A_177] : memref<10240x128xf32, #tpu.memory_space<vmem_shared>> -> memref<10240x128xf32, #tpu.memory_space<vmem_shared>>
          tpu.wait_indirect_dma semaphore(%run_scoped3A_158 : memref<!tpu.dma_semaphore, #tpu.memory_space<semaphore_mem>>) src(%dma_wait3A_172 : memref<128x128xf32, #tpu.memory_space<vmem>>) dst(%dma_wait3A_178 : memref<10240x128xf32, #tpu.memory_space<vmem_shared>>)
          tpu.yield
        }) : () -> ()
        %add3A_151 = arith.constant 2 : i32
        %add3A_152 = arith.addi %add3A_134, %add3A_151 : i32
        %lt3A_153 = arith.constant 40 : i32
        %lt3A_154 = arith.cmpi slt, %add3A_152, %lt3A_153 : i32
        %convert_element_type3A_155 = arith.extui %lt3A_154 : i1 to i32
        %cond3A_156 = arith.constant 0 : i32
        %cond3A_157 = arith.cmpi ne, %convert_element_type3A_155, %cond3A_156 : i32
        scf.if %cond3A_157 {
          %add3A_158 = arith.constant 2 : i32
          %add3A_159 = arith.addi %add3A_134, %add3A_158 : i32
          %dma_start3A_160 = arith.constant 1 : i32
          %dma_start3A_161 = arith.constant 0 : i32
          %dma_start3A_162 = arith.constant 0 : i32
          %dma_start3A_163 = tpu.memref_slice %arg9[%dma_start3A_160, %dma_start3A_161, %dma_start3A_162] : memref<2x128x128xf32, #tpu.memory_space<vmem>> -> memref<1x128x128xf32, #tpu.memory_space<vmem>>
          %dma_start3A_164 = tpu.memref_squeeze %dma_start3A_163 : memref<1x128x128xf32, #tpu.memory_space<vmem>> -> memref<128x128xf32, #tpu.memory_space<vmem>>
          %dma_start3A_165 = arith.constant 0 : i32
          %dma_start3A_166 = tpu.memref_slice %arg7[%add3A_159, %dma_start3A_165] : memref<40x128xi32, #tpu.memory_space<vmem>> -> memref<1x128xi32, #tpu.memory_space<vmem>>
          %dma_start3A_167 = tpu.memref_squeeze %dma_start3A_166 : memref<1x128xi32, #tpu.memory_space<vmem>> -> memref<128xi32, #tpu.memory_space<vmem>>
          %dma_start3A_168 = arith.constant 0 : i32
          %dma_start3A_169 = arith.constant 0 : i32
          %dma_start3A_170 = tpu.memref_slice %arg2[%dma_start3A_168, %dma_start3A_169] : memref<10240x128xf32, #tpu.memory_space<hbm>> -> memref<10240x128xf32, #tpu.memory_space<hbm>>
          tpu.enqueue_indirect_dma source(%dma_start3A_170 : memref<10240x128xf32, #tpu.memory_space<hbm>>) target(%dma_start3A_164 : memref<128x128xf32, #tpu.memory_space<vmem>>) offsets(%dma_start3A_167 : memref<128xi32, #tpu.memory_space<vmem>>) semaphore(%arg12 : memref<!tpu.dma_semaphore, #tpu.memory_space<semaphore_mem>>)
        } else {
        }
      }
      %scan3A_107 = arith.constant 20 : i32
    } else {
    }
    %eq3A_3 = arith.constant 1 : i32
    %eq3A_4 = arith.cmpi eq, %arg0, %eq3A_3 : i32
    %convert_element_type3A_5 = arith.extui %eq3A_4 : i1 to i32
    %cond3A_6 = arith.constant 0 : i32
    %cond3A_7 = arith.cmpi ne, %convert_element_type3A_5, %cond3A_6 : i32
    scf.if %cond3A_7 {
      %mul3A_9 = arith.constant 40 : i32
      %mul3A_10 = arith.muli %arg1, %mul3A_9 : i32
      %add3A = arith.constant 1920 : i32
      %add3A_11 = arith.addi %add3A, %mul3A_10 : i32
      %add3A_12 = arith.constant 0 : i32
      %add3A_13 = arith.addi %add3A_11, %add3A_12 : i32
      "tpu.region"() ({
        %run_scoped3A = tpu.sem_alloc : memref<!tpu.dma_semaphore, #tpu.memory_space<semaphore_mem>>
        %dma_start3A_42 = arith.constant 0 : i32
        %dma_start3A_43 = tpu.memref_slice %arg3[%add3A_13, %dma_start3A_42] : memref<2560x128xi32, #tpu.memory_space<hbm>> -> memref<40x128xi32, #tpu.memory_space<hbm>>
        %dma_start3A_44 = arith.constant 0 : i32
        %dma_start3A_45 = tpu.memref_slice %arg3[%add3A_13, %dma_start3A_44] : memref<2560x128xi32, #tpu.memory_space<hbm>> -> memref<40x128xi32, #tpu.memory_space<hbm>>
        tpu.enqueue_dma source(%dma_start3A_45 : memref<40x128xi32, #tpu.memory_space<hbm>>) target(%arg7 : memref<40x128xi32, #tpu.memory_space<vmem>>) target_semaphore(%run_scoped3A : memref<!tpu.dma_semaphore, #tpu.memory_space<semaphore_mem>>)
        %dma_wait3A = arith.constant 0 : i32
        %dma_wait3A_46 = tpu.memref_slice %arg3[%add3A_13, %dma_wait3A] : memref<2560x128xi32, #tpu.memory_space<hbm>> -> memref<40x128xi32, #tpu.memory_space<hbm>>
        %dma_wait3A_47 = arith.constant 0 : i32
        %dma_wait3A_48 = tpu.memref_slice %arg3[%add3A_13, %dma_wait3A_47] : memref<2560x128xi32, #tpu.memory_space<hbm>> -> memref<40x128xi32, #tpu.memory_space<hbm>>
        tpu.wait_dma2 semaphore(%run_scoped3A : memref<!tpu.dma_semaphore, #tpu.memory_space<semaphore_mem>>) src(%dma_wait3A_48 : memref<40x128xi32, #tpu.memory_space<hbm>>) dst(%arg7 : memref<40x128xi32, #tpu.memory_space<vmem>>)
        tpu.yield
      }) : () -> ()
      "tpu.region"() ({
        %run_scoped3A = tpu.sem_alloc : memref<!tpu.dma_semaphore, #tpu.memory_space<semaphore_mem>>
        %dma_start3A_42 = arith.constant 0 : i32
        %dma_start3A_43 = tpu.memref_slice %arg4[%add3A_13, %dma_start3A_42] : memref<2560x128xi32, #tpu.memory_space<hbm>> -> memref<40x128xi32, #tpu.memory_space<hbm>>
        %dma_start3A_44 = arith.constant 0 : i32
        %dma_start3A_45 = tpu.memref_slice %arg4[%add3A_13, %dma_start3A_44] : memref<2560x128xi32, #tpu.memory_space<hbm>> -> memref<40x128xi32, #tpu.memory_space<hbm>>
        tpu.enqueue_dma source(%dma_start3A_45 : memref<40x128xi32, #tpu.memory_space<hbm>>) target(%arg8 : memref<40x128xi32, #tpu.memory_space<vmem>>) target_semaphore(%run_scoped3A : memref<!tpu.dma_semaphore, #tpu.memory_space<semaphore_mem>>)
        %dma_wait3A = arith.constant 0 : i32
        %dma_wait3A_46 = tpu.memref_slice %arg4[%add3A_13, %dma_wait3A] : memref<2560x128xi32, #tpu.memory_space<hbm>> -> memref<40x128xi32, #tpu.memory_space<hbm>>
        %dma_wait3A_47 = arith.constant 0 : i32
        %dma_wait3A_48 = tpu.memref_slice %arg4[%add3A_13, %dma_wait3A_47] : memref<2560x128xi32, #tpu.memory_space<hbm>> -> memref<40x128xi32, #tpu.memory_space<hbm>>
        tpu.wait_dma2 semaphore(%run_scoped3A : memref<!tpu.dma_semaphore, #tpu.memory_space<semaphore_mem>>) src(%dma_wait3A_48 : memref<40x128xi32, #tpu.memory_space<hbm>>) dst(%arg8 : memref<40x128xi32, #tpu.memory_space<vmem>>)
        tpu.yield
      }) : () -> ()
      %dma_start3A = arith.constant 0 : i32
      %dma_start3A_14 = arith.constant 0 : i32
      %dma_start3A_15 = arith.constant 0 : i32
      %dma_start3A_16 = arith.constant 0 : i32
      %dma_start3A_17 = tpu.memref_slice %arg9[%dma_start3A_14, %dma_start3A_15, %dma_start3A_16] : memref<2x128x128xf32, #tpu.memory_space<vmem>> -> memref<1x128x128xf32, #tpu.memory_space<vmem>>
      %dma_start3A_18 = tpu.memref_squeeze %dma_start3A_17 : memref<1x128x128xf32, #tpu.memory_space<vmem>> -> memref<128x128xf32, #tpu.memory_space<vmem>>
      %dma_start3A_19 = arith.constant 0 : i32
      %dma_start3A_20 = tpu.memref_slice %arg7[%dma_start3A, %dma_start3A_19] : memref<40x128xi32, #tpu.memory_space<vmem>> -> memref<1x128xi32, #tpu.memory_space<vmem>>
      %dma_start3A_21 = tpu.memref_squeeze %dma_start3A_20 : memref<1x128xi32, #tpu.memory_space<vmem>> -> memref<128xi32, #tpu.memory_space<vmem>>
      %dma_start3A_22 = arith.constant 0 : i32
      %dma_start3A_23 = arith.constant 0 : i32
      %dma_start3A_24 = tpu.memref_slice %arg2[%dma_start3A_22, %dma_start3A_23] : memref<10240x128xf32, #tpu.memory_space<hbm>> -> memref<10240x128xf32, #tpu.memory_space<hbm>>
      tpu.enqueue_indirect_dma source(%dma_start3A_24 : memref<10240x128xf32, #tpu.memory_space<hbm>>) target(%dma_start3A_18 : memref<128x128xf32, #tpu.memory_space<vmem>>) offsets(%dma_start3A_21 : memref<128xi32, #tpu.memory_space<vmem>>) semaphore(%arg11 : memref<!tpu.dma_semaphore, #tpu.memory_space<semaphore_mem>>)
      %dma_start3A_25 = arith.constant 1 : i32
      %dma_start3A_26 = arith.constant 1 : i32
      %dma_start3A_27 = arith.constant 0 : i32
      %dma_start3A_28 = arith.constant 0 : i32
      %dma_start3A_29 = tpu.memref_slice %arg9[%dma_start3A_26, %dma_start3A_27, %dma_start3A_28] : memref<2x128x128xf32, #tpu.memory_space<vmem>> -> memref<1x128x128xf32, #tpu.memory_space<vmem>>
      %dma_start3A_30 = tpu.memref_squeeze %dma_start3A_29 : memref<1x128x128xf32, #tpu.memory_space<vmem>> -> memref<128x128xf32, #tpu.memory_space<vmem>>
      %dma_start3A_31 = arith.constant 0 : i32
      %dma_start3A_32 = tpu.memref_slice %arg7[%dma_start3A_25, %dma_start3A_31] : memref<40x128xi32, #tpu.memory_space<vmem>> -> memref<1x128xi32, #tpu.memory_space<vmem>>
      %dma_start3A_33 = tpu.memref_squeeze %dma_start3A_32 : memref<1x128xi32, #tpu.memory_space<vmem>> -> memref<128xi32, #tpu.memory_space<vmem>>
      %dma_start3A_34 = arith.constant 0 : i32
      %dma_start3A_35 = arith.constant 0 : i32
      %dma_start3A_36 = tpu.memref_slice %arg2[%dma_start3A_34, %dma_start3A_35] : memref<10240x128xf32, #tpu.memory_space<hbm>> -> memref<10240x128xf32, #tpu.memory_space<hbm>>
      tpu.enqueue_indirect_dma source(%dma_start3A_36 : memref<10240x128xf32, #tpu.memory_space<hbm>>) target(%dma_start3A_30 : memref<128x128xf32, #tpu.memory_space<vmem>>) offsets(%dma_start3A_33 : memref<128xi32, #tpu.memory_space<vmem>>) semaphore(%arg12 : memref<!tpu.dma_semaphore, #tpu.memory_space<semaphore_mem>>)
      %scan3A = arith.constant 0 : i32
      %scan3A_37 = arith.constant 0 : i32
      %scan3A_38 = arith.constant 20 : i32
      %scan3A_39 = arith.addi %scan3A_37, %scan3A_38 : i32
      %scan3A_40 = arith.constant 1 : i32
      scf.for %scan3A_42 = %scan3A_37 to %scan3A_39 step %scan3A_40  : i32 {
        %mul3A_43 = arith.constant 2 : i32
        %mul3A_44 = arith.muli %scan3A_42, %mul3A_43 : i32
        %add3A_45 = arith.constant 0 : i32
        %add3A_46 = arith.addi %mul3A_44, %add3A_45 : i32
        %dma_wait3A = arith.constant 0 : i32
        %dma_wait3A_47 = arith.constant 0 : i32
        %dma_wait3A_48 = arith.constant 0 : i32
        %dma_wait3A_49 = tpu.memref_slice %arg9[%dma_wait3A, %dma_wait3A_47, %dma_wait3A_48] : memref<2x128x128xf32, #tpu.memory_space<vmem>> -> memref<1x128x128xf32, #tpu.memory_space<vmem>>
        %dma_wait3A_50 = tpu.memref_squeeze %dma_wait3A_49 : memref<1x128x128xf32, #tpu.memory_space<vmem>> -> memref<128x128xf32, #tpu.memory_space<vmem>>
        %dma_wait3A_51 = arith.constant 0 : i32
        %dma_wait3A_52 = arith.constant 0 : i32
        %dma_wait3A_53 = tpu.memref_slice %arg2[%dma_wait3A_51, %dma_wait3A_52] : memref<10240x128xf32, #tpu.memory_space<hbm>> -> memref<128x128xf32, #tpu.memory_space<hbm>>
        %dma_wait3A_54 = arith.constant 0 : i32
        %dma_wait3A_55 = arith.constant 0 : i32
        %dma_wait3A_56 = tpu.memref_slice %arg9[%dma_wait3A, %dma_wait3A_54, %dma_wait3A_55] : memref<2x128x128xf32, #tpu.memory_space<vmem>> -> memref<1x128x128xf32, #tpu.memory_space<vmem>>
        %dma_wait3A_57 = tpu.memref_squeeze %dma_wait3A_56 : memref<1x128x128xf32, #tpu.memory_space<vmem>> -> memref<128x128xf32, #tpu.memory_space<vmem>>
        %dma_wait3A_58 = arith.constant 0 : i32
        %dma_wait3A_59 = arith.constant 0 : i32
        %dma_wait3A_60 = tpu.memref_slice %arg2[%dma_wait3A_58, %dma_wait3A_59] : memref<10240x128xf32, #tpu.memory_space<hbm>> -> memref<128x128xf32, #tpu.memory_space<hbm>>
        tpu.wait_dma2 semaphore(%arg11 : memref<!tpu.dma_semaphore, #tpu.memory_space<semaphore_mem>>) src(%dma_wait3A_60 : memref<128x128xf32, #tpu.memory_space<hbm>>) dst(%dma_wait3A_57 : memref<128x128xf32, #tpu.memory_space<vmem>>)
        %run_scoped3A = arith.constant 0 : i32
        "tpu.region"() ({
          %run_scoped3A_92 = tpu.sem_alloc : memref<!tpu.dma_semaphore, #tpu.memory_space<semaphore_mem>>
          %dma_start3A_93 = arith.constant 0 : i32
          %dma_start3A_94 = arith.constant 0 : i32
          %dma_start3A_95 = tpu.memref_slice %arg9[%run_scoped3A, %dma_start3A_93, %dma_start3A_94] : memref<2x128x128xf32, #tpu.memory_space<vmem>> -> memref<1x128x128xf32, #tpu.memory_space<vmem>>
          %dma_start3A_96 = tpu.memref_squeeze %dma_start3A_95 : memref<1x128x128xf32, #tpu.memory_space<vmem>> -> memref<128x128xf32, #tpu.memory_space<vmem>>
          %dma_start3A_97 = arith.constant 0 : i32
          %dma_start3A_98 = tpu.memref_slice %arg8[%add3A_46, %dma_start3A_97] : memref<40x128xi32, #tpu.memory_space<vmem>> -> memref<1x128xi32, #tpu.memory_space<vmem>>
          %dma_start3A_99 = tpu.memref_squeeze %dma_start3A_98 : memref<1x128xi32, #tpu.memory_space<vmem>> -> memref<128xi32, #tpu.memory_space<vmem>>
          %dma_start3A_100 = arith.constant 0 : i32
          %dma_start3A_101 = arith.constant 0 : i32
          %dma_start3A_102 = tpu.memref_slice %arg10[%dma_start3A_100, %dma_start3A_101] : memref<10240x128xf32, #tpu.memory_space<vmem_shared>> -> memref<10240x128xf32, #tpu.memory_space<vmem_shared>>
          tpu.enqueue_indirect_dma source(%dma_start3A_96 : memref<128x128xf32, #tpu.memory_space<vmem>>) target(%dma_start3A_102 : memref<10240x128xf32, #tpu.memory_space<vmem_shared>>) offsets(%dma_start3A_99 : memref<128xi32, #tpu.memory_space<vmem>>) semaphore(%run_scoped3A_92 : memref<!tpu.dma_semaphore, #tpu.memory_space<semaphore_mem>>) {add = true}
          %dma_wait3A_103 = arith.constant 0 : i32
          %dma_wait3A_104 = arith.constant 0 : i32
          %dma_wait3A_105 = tpu.memref_slice %arg9[%run_scoped3A, %dma_wait3A_103, %dma_wait3A_104] : memref<2x128x128xf32, #tpu.memory_space<vmem>> -> memref<1x128x128xf32, #tpu.memory_space<vmem>>
          %dma_wait3A_106 = tpu.memref_squeeze %dma_wait3A_105 : memref<1x128x128xf32, #tpu.memory_space<vmem>> -> memref<128x128xf32, #tpu.memory_space<vmem>>
          %dma_wait3A_107 = arith.constant 0 : i32
          %dma_wait3A_108 = tpu.memref_slice %arg8[%add3A_46, %dma_wait3A_107] : memref<40x128xi32, #tpu.memory_space<vmem>> -> memref<1x128xi32, #tpu.memory_space<vmem>>
          %dma_wait3A_109 = tpu.memref_squeeze %dma_wait3A_108 : memref<1x128xi32, #tpu.memory_space<vmem>> -> memref<128xi32, #tpu.memory_space<vmem>>
          %dma_wait3A_110 = arith.constant 0 : i32
          %dma_wait3A_111 = arith.constant 0 : i32
          %dma_wait3A_112 = tpu.memref_slice %arg10[%dma_wait3A_110, %dma_wait3A_111] : memref<10240x128xf32, #tpu.memory_space<vmem_shared>> -> memref<10240x128xf32, #tpu.memory_space<vmem_shared>>
          tpu.wait_indirect_dma semaphore(%run_scoped3A_92 : memref<!tpu.dma_semaphore, #tpu.memory_space<semaphore_mem>>) src(%dma_wait3A_106 : memref<128x128xf32, #tpu.memory_space<vmem>>) dst(%dma_wait3A_112 : memref<10240x128xf32, #tpu.memory_space<vmem_shared>>)
          tpu.yield
        }) : () -> ()
        %add3A_61 = arith.constant 2 : i32
        %add3A_62 = arith.addi %add3A_46, %add3A_61 : i32
        %lt3A = arith.constant 40 : i32
        %lt3A_63 = arith.cmpi slt, %add3A_62, %lt3A : i32
        %convert_element_type3A_64 = arith.extui %lt3A_63 : i1 to i32
        %cond3A_65 = arith.constant 0 : i32
        %cond3A_66 = arith.cmpi ne, %convert_element_type3A_64, %cond3A_65 : i32
        scf.if %cond3A_66 {
          %add3A_92 = arith.constant 2 : i32
          %add3A_93 = arith.addi %add3A_46, %add3A_92 : i32
          %dma_start3A_94 = arith.constant 0 : i32
          %dma_start3A_95 = arith.constant 0 : i32
          %dma_start3A_96 = arith.constant 0 : i32
          %dma_start3A_97 = tpu.memref_slice %arg9[%dma_start3A_94, %dma_start3A_95, %dma_start3A_96] : memref<2x128x128xf32, #tpu.memory_space<vmem>> -> memref<1x128x128xf32, #tpu.memory_space<vmem>>
          %dma_start3A_98 = tpu.memref_squeeze %dma_start3A_97 : memref<1x128x128xf32, #tpu.memory_space<vmem>> -> memref<128x128xf32, #tpu.memory_space<vmem>>
          %dma_start3A_99 = arith.constant 0 : i32
          %dma_start3A_100 = tpu.memref_slice %arg7[%add3A_93, %dma_start3A_99] : memref<40x128xi32, #tpu.memory_space<vmem>> -> memref<1x128xi32, #tpu.memory_space<vmem>>
          %dma_start3A_101 = tpu.memref_squeeze %dma_start3A_100 : memref<1x128xi32, #tpu.memory_space<vmem>> -> memref<128xi32, #tpu.memory_space<vmem>>
          %dma_start3A_102 = arith.constant 0 : i32
          %dma_start3A_103 = arith.constant 0 : i32
          %dma_start3A_104 = tpu.memref_slice %arg2[%dma_start3A_102, %dma_start3A_103] : memref<10240x128xf32, #tpu.memory_space<hbm>> -> memref<10240x128xf32, #tpu.memory_space<hbm>>
          tpu.enqueue_indirect_dma source(%dma_start3A_104 : memref<10240x128xf32, #tpu.memory_space<hbm>>) target(%dma_start3A_98 : memref<128x128xf32, #tpu.memory_space<vmem>>) offsets(%dma_start3A_101 : memref<128xi32, #tpu.memory_space<vmem>>) semaphore(%arg11 : memref<!tpu.dma_semaphore, #tpu.memory_space<semaphore_mem>>)
        } else {
        }
        %add3A_67 = arith.constant 1 : i32
        %add3A_68 = arith.addi %mul3A_44, %add3A_67 : i32
        %dma_wait3A_69 = arith.constant 1 : i32
        %dma_wait3A_70 = arith.constant 0 : i32
        %dma_wait3A_71 = arith.constant 0 : i32
        %dma_wait3A_72 = tpu.memref_slice %arg9[%dma_wait3A_69, %dma_wait3A_70, %dma_wait3A_71] : memref<2x128x128xf32, #tpu.memory_space<vmem>> -> memref<1x128x128xf32, #tpu.memory_space<vmem>>
        %dma_wait3A_73 = tpu.memref_squeeze %dma_wait3A_72 : memref<1x128x128xf32, #tpu.memory_space<vmem>> -> memref<128x128xf32, #tpu.memory_space<vmem>>
        %dma_wait3A_74 = arith.constant 0 : i32
        %dma_wait3A_75 = arith.constant 0 : i32
        %dma_wait3A_76 = tpu.memref_slice %arg2[%dma_wait3A_74, %dma_wait3A_75] : memref<10240x128xf32, #tpu.memory_space<hbm>> -> memref<128x128xf32, #tpu.memory_space<hbm>>
        %dma_wait3A_77 = arith.constant 0 : i32
        %dma_wait3A_78 = arith.constant 0 : i32
        %dma_wait3A_79 = tpu.memref_slice %arg9[%dma_wait3A_69, %dma_wait3A_77, %dma_wait3A_78] : memref<2x128x128xf32, #tpu.memory_space<vmem>> -> memref<1x128x128xf32, #tpu.memory_space<vmem>>
        %dma_wait3A_80 = tpu.memref_squeeze %dma_wait3A_79 : memref<1x128x128xf32, #tpu.memory_space<vmem>> -> memref<128x128xf32, #tpu.memory_space<vmem>>
        %dma_wait3A_81 = arith.constant 0 : i32
        %dma_wait3A_82 = arith.constant 0 : i32
        %dma_wait3A_83 = tpu.memref_slice %arg2[%dma_wait3A_81, %dma_wait3A_82] : memref<10240x128xf32, #tpu.memory_space<hbm>> -> memref<128x128xf32, #tpu.memory_space<hbm>>
        tpu.wait_dma2 semaphore(%arg12 : memref<!tpu.dma_semaphore, #tpu.memory_space<semaphore_mem>>) src(%dma_wait3A_83 : memref<128x128xf32, #tpu.memory_space<hbm>>) dst(%dma_wait3A_80 : memref<128x128xf32, #tpu.memory_space<vmem>>)
        %run_scoped3A_84 = arith.constant 1 : i32
        "tpu.region"() ({
          %run_scoped3A_92 = tpu.sem_alloc : memref<!tpu.dma_semaphore, #tpu.memory_space<semaphore_mem>>
          %dma_start3A_93 = arith.constant 0 : i32
          %dma_start3A_94 = arith.constant 0 : i32
          %dma_start3A_95 = tpu.memref_slice %arg9[%run_scoped3A_84, %dma_start3A_93, %dma_start3A_94] : memref<2x128x128xf32, #tpu.memory_space<vmem>> -> memref<1x128x128xf32, #tpu.memory_space<vmem>>
          %dma_start3A_96 = tpu.memref_squeeze %dma_start3A_95 : memref<1x128x128xf32, #tpu.memory_space<vmem>> -> memref<128x128xf32, #tpu.memory_space<vmem>>
          %dma_start3A_97 = arith.constant 0 : i32
          %dma_start3A_98 = tpu.memref_slice %arg8[%add3A_68, %dma_start3A_97] : memref<40x128xi32, #tpu.memory_space<vmem>> -> memref<1x128xi32, #tpu.memory_space<vmem>>
          %dma_start3A_99 = tpu.memref_squeeze %dma_start3A_98 : memref<1x128xi32, #tpu.memory_space<vmem>> -> memref<128xi32, #tpu.memory_space<vmem>>
          %dma_start3A_100 = arith.constant 0 : i32
          %dma_start3A_101 = arith.constant 0 : i32
          %dma_start3A_102 = tpu.memref_slice %arg10[%dma_start3A_100, %dma_start3A_101] : memref<10240x128xf32, #tpu.memory_space<vmem_shared>> -> memref<10240x128xf32, #tpu.memory_space<vmem_shared>>
          tpu.enqueue_indirect_dma source(%dma_start3A_96 : memref<128x128xf32, #tpu.memory_space<vmem>>) target(%dma_start3A_102 : memref<10240x128xf32, #tpu.memory_space<vmem_shared>>) offsets(%dma_start3A_99 : memref<128xi32, #tpu.memory_space<vmem>>) semaphore(%run_scoped3A_92 : memref<!tpu.dma_semaphore, #tpu.memory_space<semaphore_mem>>) {add = true}
          %dma_wait3A_103 = arith.constant 0 : i32
          %dma_wait3A_104 = arith.constant 0 : i32
          %dma_wait3A_105 = tpu.memref_slice %arg9[%run_scoped3A_84, %dma_wait3A_103, %dma_wait3A_104] : memref<2x128x128xf32, #tpu.memory_space<vmem>> -> memref<1x128x128xf32, #tpu.memory_space<vmem>>
          %dma_wait3A_106 = tpu.memref_squeeze %dma_wait3A_105 : memref<1x128x128xf32, #tpu.memory_space<vmem>> -> memref<128x128xf32, #tpu.memory_space<vmem>>
          %dma_wait3A_107 = arith.constant 0 : i32
          %dma_wait3A_108 = tpu.memref_slice %arg8[%add3A_68, %dma_wait3A_107] : memref<40x128xi32, #tpu.memory_space<vmem>> -> memref<1x128xi32, #tpu.memory_space<vmem>>
          %dma_wait3A_109 = tpu.memref_squeeze %dma_wait3A_108 : memref<1x128xi32, #tpu.memory_space<vmem>> -> memref<128xi32, #tpu.memory_space<vmem>>
          %dma_wait3A_110 = arith.constant 0 : i32
          %dma_wait3A_111 = arith.constant 0 : i32
          %dma_wait3A_112 = tpu.memref_slice %arg10[%dma_wait3A_110, %dma_wait3A_111] : memref<10240x128xf32, #tpu.memory_space<vmem_shared>> -> memref<10240x128xf32, #tpu.memory_space<vmem_shared>>
          tpu.wait_indirect_dma semaphore(%run_scoped3A_92 : memref<!tpu.dma_semaphore, #tpu.memory_space<semaphore_mem>>) src(%dma_wait3A_106 : memref<128x128xf32, #tpu.memory_space<vmem>>) dst(%dma_wait3A_112 : memref<10240x128xf32, #tpu.memory_space<vmem_shared>>)
          tpu.yield
        }) : () -> ()
        %add3A_85 = arith.constant 2 : i32
        %add3A_86 = arith.addi %add3A_68, %add3A_85 : i32
        %lt3A_87 = arith.constant 40 : i32
        %lt3A_88 = arith.cmpi slt, %add3A_86, %lt3A_87 : i32
        %convert_element_type3A_89 = arith.extui %lt3A_88 : i1 to i32
        %cond3A_90 = arith.constant 0 : i32
        %cond3A_91 = arith.cmpi ne, %convert_element_type3A_89, %cond3A_90 : i32
        scf.if %cond3A_91 {
          %add3A_92 = arith.constant 2 : i32
          %add3A_93 = arith.addi %add3A_68, %add3A_92 : i32
          %dma_start3A_94 = arith.constant 1 : i32
          %dma_start3A_95 = arith.constant 0 : i32
          %dma_start3A_96 = arith.constant 0 : i32
          %dma_start3A_97 = tpu.memref_slice %arg9[%dma_start3A_94, %dma_start3A_95, %dma_start3A_96] : memref<2x128x128xf32, #tpu.memory_space<vmem>> -> memref<1x128x128xf32, #tpu.memory_space<vmem>>
          %dma_start3A_98 = tpu.memref_squeeze %dma_start3A_97 : memref<1x128x128xf32, #tpu.memory_space<vmem>> -> memref<128x128xf32, #tpu.memory_space<vmem>>
          %dma_start3A_99 = arith.constant 0 : i32
          %dma_start3A_100 = tpu.memref_slice %arg7[%add3A_93, %dma_start3A_99] : memref<40x128xi32, #tpu.memory_space<vmem>> -> memref<1x128xi32, #tpu.memory_space<vmem>>
          %dma_start3A_101 = tpu.memref_squeeze %dma_start3A_100 : memref<1x128xi32, #tpu.memory_space<vmem>> -> memref<128xi32, #tpu.memory_space<vmem>>
          %dma_start3A_102 = arith.constant 0 : i32
          %dma_start3A_103 = arith.constant 0 : i32
          %dma_start3A_104 = tpu.memref_slice %arg2[%dma_start3A_102, %dma_start3A_103] : memref<10240x128xf32, #tpu.memory_space<hbm>> -> memref<10240x128xf32, #tpu.memory_space<hbm>>
          tpu.enqueue_indirect_dma source(%dma_start3A_104 : memref<10240x128xf32, #tpu.memory_space<hbm>>) target(%dma_start3A_98 : memref<128x128xf32, #tpu.memory_space<vmem>>) offsets(%dma_start3A_101 : memref<128xi32, #tpu.memory_space<vmem>>) semaphore(%arg12 : memref<!tpu.dma_semaphore, #tpu.memory_space<semaphore_mem>>)
        } else {
        }
      }
      %scan3A_41 = arith.constant 20 : i32
    } else {
    }
    %barrier3A_8 = arith.constant 0 : index
    tpu.barrier barrier_id(%barrier3A_8)
    "tpu.region"() ({
      %run_scoped3A = tpu.sem_alloc : memref<!tpu.dma_semaphore, #tpu.memory_space<semaphore_mem>>
      %dma_start3A = arith.constant 0 : i32
      %dma_start3A_9 = tpu.memref_slice %arg6[%arg0, %mul3A_0, %dma_start3A] : memref<2x10240x128xf32, #tpu.memory_space<hbm>> -> memref<1x640x128xf32, #tpu.memory_space<hbm>>
      %dma_start3A_10 = tpu.memref_squeeze %dma_start3A_9 : memref<1x640x128xf32, #tpu.memory_space<hbm>> -> memref<640x128xf32, #tpu.memory_space<hbm>>
      %dma_start3A_11 = arith.constant 0 : i32
      %dma_start3A_12 = tpu.memref_slice %arg10[%mul3A_0, %dma_start3A_11] : memref<10240x128xf32, #tpu.memory_space<vmem_shared>> -> memref<640x128xf32, #tpu.memory_space<vmem_shared>>
      tpu.enqueue_dma source(%dma_start3A_12 : memref<640x128xf32, #tpu.memory_space<vmem_shared>>) target(%dma_start3A_10 : memref<640x128xf32, #tpu.memory_space<hbm>>) target_semaphore(%run_scoped3A : memref<!tpu.dma_semaphore, #tpu.memory_space<semaphore_mem>>)
      %dma_wait3A = arith.constant 0 : i32
      %dma_wait3A_13 = tpu.memref_slice %arg6[%arg0, %mul3A_0, %dma_wait3A] : memref<2x10240x128xf32, #tpu.memory_space<hbm>> -> memref<1x640x128xf32, #tpu.memory_space<hbm>>
      %dma_wait3A_14 = tpu.memref_squeeze %dma_wait3A_13 : memref<1x640x128xf32, #tpu.memory_space<hbm>> -> memref<640x128xf32, #tpu.memory_space<hbm>>
      %dma_wait3A_15 = arith.constant 0 : i32
      %dma_wait3A_16 = tpu.memref_slice %arg10[%mul3A_0, %dma_wait3A_15] : memref<10240x128xf32, #tpu.memory_space<vmem_shared>> -> memref<640x128xf32, #tpu.memory_space<vmem_shared>>
      tpu.wait_dma2 semaphore(%run_scoped3A : memref<!tpu.dma_semaphore, #tpu.memory_space<semaphore_mem>>) src(%dma_wait3A_16 : memref<640x128xf32, #tpu.memory_space<vmem_shared>>) dst(%dma_wait3A_14 : memref<640x128xf32, #tpu.memory_space<hbm>>)
      tpu.yield
    }) : () -> ()
    return
  }
}

#map = affine_map<(d0, d1) -> (0, 0)>
#map1 = affine_map<(d0, d1) -> (0, 0, 0)>
module attributes {stable_mosaic.version = 14 : i64} {
  func.func @_agg(%arg0: i32, %arg1: i32, %arg2: memref<10240x128xf32, #tpu.memory_space<hbm>>, %arg3: memref<2560x128xi32, #tpu.memory_space<hbm>>, %arg4: memref<2560x128xi32, #tpu.memory_space<hbm>>, %arg5: memref<640x128xf32, #tpu.memory_space<hbm>>, %arg6: memref<2x10240x128xf32, #tpu.memory_space<hbm>>, %arg7: memref<40x128xi32, #tpu.memory_space<vmem>>, %arg8: memref<40x128xi32, #tpu.memory_space<vmem>>, %arg9: memref<2x128x128xf32, #tpu.memory_space<vmem>>, %arg10: memref<10240x128xf32, #tpu.memory_space<vmem_shared>>, %arg11: memref<!tpu.dma_semaphore, #tpu.memory_space<semaphore_mem>>, %arg12: memref<!tpu.dma_semaphore, #tpu.memory_space<semaphore_mem>>) attributes {dimension_semantics = [#tpu.dimension_semantics<core_parallel>, #tpu.dimension_semantics<subcore_parallel>], iteration_bounds = array<i64: 2, 16>, scalar_prefetch = 0 : i64, scratch_operands = 6 : i64, tpu.core_type = #tpu.core_type<sc_vector_subcore>, window_params = [{transform_indices = #map}, {transform_indices = #map}, {transform_indices = #map}, {transform_indices = #map}, {transform_indices = #map1}]} {
    %mul3A = arith.constant 640 : i32
    %mul3A_0 = arith.muli %arg1, %mul3A : i32
    "tpu.region"() ({
      %run_scoped3A = tpu.sem_alloc : memref<!tpu.dma_semaphore, #tpu.memory_space<semaphore_mem>>
      %dma_start3A = arith.constant 0 : i32
      %dma_start3A_9 = tpu.memref_slice %arg10[%mul3A_0, %dma_start3A] : memref<10240x128xf32, #tpu.memory_space<vmem_shared>> -> memref<640x128xf32, #tpu.memory_space<vmem_shared>>
      tpu.enqueue_dma source(%arg5 : memref<640x128xf32, #tpu.memory_space<hbm>>) target(%dma_start3A_9 : memref<640x128xf32, #tpu.memory_space<vmem_shared>>) target_semaphore(%run_scoped3A : memref<!tpu.dma_semaphore, #tpu.memory_space<semaphore_mem>>)
      %dma_wait3A = arith.constant 0 : i32
      %dma_wait3A_10 = tpu.memref_slice %arg10[%mul3A_0, %dma_wait3A] : memref<10240x128xf32, #tpu.memory_space<vmem_shared>> -> memref<640x128xf32, #tpu.memory_space<vmem_shared>>
      tpu.wait_dma2 semaphore(%run_scoped3A : memref<!tpu.dma_semaphore, #tpu.memory_space<semaphore_mem>>) src(%arg5 : memref<640x128xf32, #tpu.memory_space<hbm>>) dst(%dma_wait3A_10 : memref<640x128xf32, #tpu.memory_space<vmem_shared>>)
      tpu.yield
    }) : () -> ()
    %barrier3A = arith.constant 0 : index
    tpu.barrier barrier_id(%barrier3A)
    %eq3A = arith.constant 0 : i32
    %eq3A_1 = arith.cmpi eq, %arg0, %eq3A : i32
    %convert_element_type3A = arith.extui %eq3A_1 : i1 to i32
    %cond3A = arith.constant 0 : i32
    %cond3A_2 = arith.cmpi ne, %convert_element_type3A, %cond3A : i32
    scf.if %cond3A_2 {
      %mul3A_9 = arith.constant 120 : i32
      %mul3A_10 = arith.muli %arg1, %mul3A_9 : i32
      %add3A = arith.constant 0 : i32
      %add3A_11 = arith.addi %mul3A_10, %add3A : i32
      "tpu.region"() ({
        %run_scoped3A = tpu.sem_alloc : memref<!tpu.dma_semaphore, #tpu.memory_space<semaphore_mem>>
        %dma_start3A_108 = arith.constant 0 : i32
        %dma_start3A_109 = tpu.memref_slice %arg3[%add3A_11, %dma_start3A_108] : memref<2560x128xi32, #tpu.memory_space<hbm>> -> memref<40x128xi32, #tpu.memory_space<hbm>>
        %dma_start3A_110 = arith.constant 0 : i32
        %dma_start3A_111 = tpu.memref_slice %arg3[%add3A_11, %dma_start3A_110] : memref<2560x128xi32, #tpu.memory_space<hbm>> -> memref<40x128xi32, #tpu.memory_space<hbm>>
        tpu.enqueue_dma source(%dma_start3A_111 : memref<40x128xi32, #tpu.memory_space<hbm>>) target(%arg7 : memref<40x128xi32, #tpu.memory_space<vmem>>) target_semaphore(%run_scoped3A : memref<!tpu.dma_semaphore, #tpu.memory_space<semaphore_mem>>)
        %dma_wait3A = arith.constant 0 : i32
        %dma_wait3A_112 = tpu.memref_slice %arg3[%add3A_11, %dma_wait3A] : memref<2560x128xi32, #tpu.memory_space<hbm>> -> memref<40x128xi32, #tpu.memory_space<hbm>>
        %dma_wait3A_113 = arith.constant 0 : i32
        %dma_wait3A_114 = tpu.memref_slice %arg3[%add3A_11, %dma_wait3A_113] : memref<2560x128xi32, #tpu.memory_space<hbm>> -> memref<40x128xi32, #tpu.memory_space<hbm>>
        tpu.wait_dma2 semaphore(%run_scoped3A : memref<!tpu.dma_semaphore, #tpu.memory_space<semaphore_mem>>) src(%dma_wait3A_114 : memref<40x128xi32, #tpu.memory_space<hbm>>) dst(%arg7 : memref<40x128xi32, #tpu.memory_space<vmem>>)
        tpu.yield
      }) : () -> ()
      "tpu.region"() ({
        %run_scoped3A = tpu.sem_alloc : memref<!tpu.dma_semaphore, #tpu.memory_space<semaphore_mem>>
        %dma_start3A_108 = arith.constant 0 : i32
        %dma_start3A_109 = tpu.memref_slice %arg4[%add3A_11, %dma_start3A_108] : memref<2560x128xi32, #tpu.memory_space<hbm>> -> memref<40x128xi32, #tpu.memory_space<hbm>>
        %dma_start3A_110 = arith.constant 0 : i32
        %dma_start3A_111 = tpu.memref_slice %arg4[%add3A_11, %dma_start3A_110] : memref<2560x128xi32, #tpu.memory_space<hbm>> -> memref<40x128xi32, #tpu.memory_space<hbm>>
        tpu.enqueue_dma source(%dma_start3A_111 : memref<40x128xi32, #tpu.memory_space<hbm>>) target(%arg8 : memref<40x128xi32, #tpu.memory_space<vmem>>) target_semaphore(%run_scoped3A : memref<!tpu.dma_semaphore, #tpu.memory_space<semaphore_mem>>)
        %dma_wait3A = arith.constant 0 : i32
        %dma_wait3A_112 = tpu.memref_slice %arg4[%add3A_11, %dma_wait3A] : memref<2560x128xi32, #tpu.memory_space<hbm>> -> memref<40x128xi32, #tpu.memory_space<hbm>>
        %dma_wait3A_113 = arith.constant 0 : i32
        %dma_wait3A_114 = tpu.memref_slice %arg4[%add3A_11, %dma_wait3A_113] : memref<2560x128xi32, #tpu.memory_space<hbm>> -> memref<40x128xi32, #tpu.memory_space<hbm>>
        tpu.wait_dma2 semaphore(%run_scoped3A : memref<!tpu.dma_semaphore, #tpu.memory_space<semaphore_mem>>) src(%dma_wait3A_114 : memref<40x128xi32, #tpu.memory_space<hbm>>) dst(%arg8 : memref<40x128xi32, #tpu.memory_space<vmem>>)
        tpu.yield
      }) : () -> ()
      %dma_start3A = arith.constant 0 : i32
      %dma_start3A_12 = arith.constant 0 : i32
      %dma_start3A_13 = arith.constant 0 : i32
      %dma_start3A_14 = arith.constant 0 : i32
      %dma_start3A_15 = tpu.memref_slice %arg9[%dma_start3A_12, %dma_start3A_13, %dma_start3A_14] : memref<2x128x128xf32, #tpu.memory_space<vmem>> -> memref<1x128x128xf32, #tpu.memory_space<vmem>>
      %dma_start3A_16 = tpu.memref_squeeze %dma_start3A_15 : memref<1x128x128xf32, #tpu.memory_space<vmem>> -> memref<128x128xf32, #tpu.memory_space<vmem>>
      %dma_start3A_17 = arith.constant 0 : i32
      %dma_start3A_18 = tpu.memref_slice %arg7[%dma_start3A, %dma_start3A_17] : memref<40x128xi32, #tpu.memory_space<vmem>> -> memref<1x128xi32, #tpu.memory_space<vmem>>
      %dma_start3A_19 = tpu.memref_squeeze %dma_start3A_18 : memref<1x128xi32, #tpu.memory_space<vmem>> -> memref<128xi32, #tpu.memory_space<vmem>>
      %dma_start3A_20 = arith.constant 0 : i32
      %dma_start3A_21 = arith.constant 0 : i32
      %dma_start3A_22 = tpu.memref_slice %arg2[%dma_start3A_20, %dma_start3A_21] : memref<10240x128xf32, #tpu.memory_space<hbm>> -> memref<10240x128xf32, #tpu.memory_space<hbm>>
      tpu.enqueue_indirect_dma source(%dma_start3A_22 : memref<10240x128xf32, #tpu.memory_space<hbm>>) target(%dma_start3A_16 : memref<128x128xf32, #tpu.memory_space<vmem>>) offsets(%dma_start3A_19 : memref<128xi32, #tpu.memory_space<vmem>>) semaphore(%arg11 : memref<!tpu.dma_semaphore, #tpu.memory_space<semaphore_mem>>)
      %dma_start3A_23 = arith.constant 1 : i32
      %dma_start3A_24 = arith.constant 1 : i32
      %dma_start3A_25 = arith.constant 0 : i32
      %dma_start3A_26 = arith.constant 0 : i32
      %dma_start3A_27 = tpu.memref_slice %arg9[%dma_start3A_24, %dma_start3A_25, %dma_start3A_26] : memref<2x128x128xf32, #tpu.memory_space<vmem>> -> memref<1x128x128xf32, #tpu.memory_space<vmem>>
      %dma_start3A_28 = tpu.memref_squeeze %dma_start3A_27 : memref<1x128x128xf32, #tpu.memory_space<vmem>> -> memref<128x128xf32, #tpu.memory_space<vmem>>
      %dma_start3A_29 = arith.constant 0 : i32
      %dma_start3A_30 = tpu.memref_slice %arg7[%dma_start3A_23, %dma_start3A_29] : memref<40x128xi32, #tpu.memory_space<vmem>> -> memref<1x128xi32, #tpu.memory_space<vmem>>
      %dma_start3A_31 = tpu.memref_squeeze %dma_start3A_30 : memref<1x128xi32, #tpu.memory_space<vmem>> -> memref<128xi32, #tpu.memory_space<vmem>>
      %dma_start3A_32 = arith.constant 0 : i32
      %dma_start3A_33 = arith.constant 0 : i32
      %dma_start3A_34 = tpu.memref_slice %arg2[%dma_start3A_32, %dma_start3A_33] : memref<10240x128xf32, #tpu.memory_space<hbm>> -> memref<10240x128xf32, #tpu.memory_space<hbm>>
      tpu.enqueue_indirect_dma source(%dma_start3A_34 : memref<10240x128xf32, #tpu.memory_space<hbm>>) target(%dma_start3A_28 : memref<128x128xf32, #tpu.memory_space<vmem>>) offsets(%dma_start3A_31 : memref<128xi32, #tpu.memory_space<vmem>>) semaphore(%arg12 : memref<!tpu.dma_semaphore, #tpu.memory_space<semaphore_mem>>)
      %scan3A = arith.constant 0 : i32
      %scan3A_35 = arith.constant 0 : i32
      %scan3A_36 = arith.constant 20 : i32
      %scan3A_37 = arith.addi %scan3A_35, %scan3A_36 : i32
      %scan3A_38 = arith.constant 1 : i32
      scf.for %scan3A_108 = %scan3A_35 to %scan3A_37 step %scan3A_38  : i32 {
        %mul3A_109 = arith.constant 2 : i32
        %mul3A_110 = arith.muli %scan3A_108, %mul3A_109 : i32
        %add3A_111 = arith.constant 0 : i32
        %add3A_112 = arith.addi %mul3A_110, %add3A_111 : i32
        %dma_wait3A = arith.constant 0 : i32
        %dma_wait3A_113 = arith.constant 0 : i32
        %dma_wait3A_114 = arith.constant 0 : i32
        %dma_wait3A_115 = tpu.memref_slice %arg9[%dma_wait3A, %dma_wait3A_113, %dma_wait3A_114] : memref<2x128x128xf32, #tpu.memory_space<vmem>> -> memref<1x128x128xf32, #tpu.memory_space<vmem>>
        %dma_wait3A_116 = tpu.memref_squeeze %dma_wait3A_115 : memref<1x128x128xf32, #tpu.memory_space<vmem>> -> memref<128x128xf32, #tpu.memory_space<vmem>>
        %dma_wait3A_117 = arith.constant 0 : i32
        %dma_wait3A_118 = arith.constant 0 : i32
        %dma_wait3A_119 = tpu.memref_slice %arg2[%dma_wait3A_117, %dma_wait3A_118] : memref<10240x128xf32, #tpu.memory_space<hbm>> -> memref<128x128xf32, #tpu.memory_space<hbm>>
        %dma_wait3A_120 = arith.constant 0 : i32
        %dma_wait3A_121 = arith.constant 0 : i32
        %dma_wait3A_122 = tpu.memref_slice %arg9[%dma_wait3A, %dma_wait3A_120, %dma_wait3A_121] : memref<2x128x128xf32, #tpu.memory_space<vmem>> -> memref<1x128x128xf32, #tpu.memory_space<vmem>>
        %dma_wait3A_123 = tpu.memref_squeeze %dma_wait3A_122 : memref<1x128x128xf32, #tpu.memory_space<vmem>> -> memref<128x128xf32, #tpu.memory_space<vmem>>
        %dma_wait3A_124 = arith.constant 0 : i32
        %dma_wait3A_125 = arith.constant 0 : i32
        %dma_wait3A_126 = tpu.memref_slice %arg2[%dma_wait3A_124, %dma_wait3A_125] : memref<10240x128xf32, #tpu.memory_space<hbm>> -> memref<128x128xf32, #tpu.memory_space<hbm>>
        tpu.wait_dma2 semaphore(%arg11 : memref<!tpu.dma_semaphore, #tpu.memory_space<semaphore_mem>>) src(%dma_wait3A_126 : memref<128x128xf32, #tpu.memory_space<hbm>>) dst(%dma_wait3A_123 : memref<128x128xf32, #tpu.memory_space<vmem>>)
        %run_scoped3A = arith.constant 0 : i32
        "tpu.region"() ({
          %run_scoped3A_158 = tpu.sem_alloc : memref<!tpu.dma_semaphore, #tpu.memory_space<semaphore_mem>>
          %dma_start3A_159 = arith.constant 0 : i32
          %dma_start3A_160 = arith.constant 0 : i32
          %dma_start3A_161 = tpu.memref_slice %arg9[%run_scoped3A, %dma_start3A_159, %dma_start3A_160] : memref<2x128x128xf32, #tpu.memory_space<vmem>> -> memref<1x128x128xf32, #tpu.memory_space<vmem>>
          %dma_start3A_162 = tpu.memref_squeeze %dma_start3A_161 : memref<1x128x128xf32, #tpu.memory_space<vmem>> -> memref<128x128xf32, #tpu.memory_space<vmem>>
          %dma_start3A_163 = arith.constant 0 : i32
          %dma_start3A_164 = tpu.memref_slice %arg8[%add3A_112, %dma_start3A_163] : memref<40x128xi32, #tpu.memory_space<vmem>> -> memref<1x128xi32, #tpu.memory_space<vmem>>
          %dma_start3A_165 = tpu.memref_squeeze %dma_start3A_164 : memref<1x128xi32, #tpu.memory_space<vmem>> -> memref<128xi32, #tpu.memory_space<vmem>>
          %dma_start3A_166 = arith.constant 0 : i32
          %dma_start3A_167 = arith.constant 0 : i32
          %dma_start3A_168 = tpu.memref_slice %arg10[%dma_start3A_166, %dma_start3A_167] : memref<10240x128xf32, #tpu.memory_space<vmem_shared>> -> memref<10240x128xf32, #tpu.memory_space<vmem_shared>>
          tpu.enqueue_indirect_dma source(%dma_start3A_162 : memref<128x128xf32, #tpu.memory_space<vmem>>) target(%dma_start3A_168 : memref<10240x128xf32, #tpu.memory_space<vmem_shared>>) offsets(%dma_start3A_165 : memref<128xi32, #tpu.memory_space<vmem>>) semaphore(%run_scoped3A_158 : memref<!tpu.dma_semaphore, #tpu.memory_space<semaphore_mem>>) {add = true}
          %dma_wait3A_169 = arith.constant 0 : i32
          %dma_wait3A_170 = arith.constant 0 : i32
          %dma_wait3A_171 = tpu.memref_slice %arg9[%run_scoped3A, %dma_wait3A_169, %dma_wait3A_170] : memref<2x128x128xf32, #tpu.memory_space<vmem>> -> memref<1x128x128xf32, #tpu.memory_space<vmem>>
          %dma_wait3A_172 = tpu.memref_squeeze %dma_wait3A_171 : memref<1x128x128xf32, #tpu.memory_space<vmem>> -> memref<128x128xf32, #tpu.memory_space<vmem>>
          %dma_wait3A_173 = arith.constant 0 : i32
          %dma_wait3A_174 = tpu.memref_slice %arg8[%add3A_112, %dma_wait3A_173] : memref<40x128xi32, #tpu.memory_space<vmem>> -> memref<1x128xi32, #tpu.memory_space<vmem>>
          %dma_wait3A_175 = tpu.memref_squeeze %dma_wait3A_174 : memref<1x128xi32, #tpu.memory_space<vmem>> -> memref<128xi32, #tpu.memory_space<vmem>>
          %dma_wait3A_176 = arith.constant 0 : i32
          %dma_wait3A_177 = arith.constant 0 : i32
          %dma_wait3A_178 = tpu.memref_slice %arg10[%dma_wait3A_176, %dma_wait3A_177] : memref<10240x128xf32, #tpu.memory_space<vmem_shared>> -> memref<10240x128xf32, #tpu.memory_space<vmem_shared>>
          tpu.wait_indirect_dma semaphore(%run_scoped3A_158 : memref<!tpu.dma_semaphore, #tpu.memory_space<semaphore_mem>>) src(%dma_wait3A_172 : memref<128x128xf32, #tpu.memory_space<vmem>>) dst(%dma_wait3A_178 : memref<10240x128xf32, #tpu.memory_space<vmem_shared>>)
          tpu.yield
        }) : () -> ()
        %add3A_127 = arith.constant 2 : i32
        %add3A_128 = arith.addi %add3A_112, %add3A_127 : i32
        %lt3A = arith.constant 40 : i32
        %lt3A_129 = arith.cmpi slt, %add3A_128, %lt3A : i32
        %convert_element_type3A_130 = arith.extui %lt3A_129 : i1 to i32
        %cond3A_131 = arith.constant 0 : i32
        %cond3A_132 = arith.cmpi ne, %convert_element_type3A_130, %cond3A_131 : i32
        scf.if %cond3A_132 {
          %add3A_158 = arith.constant 2 : i32
          %add3A_159 = arith.addi %add3A_112, %add3A_158 : i32
          %dma_start3A_160 = arith.constant 0 : i32
          %dma_start3A_161 = arith.constant 0 : i32
          %dma_start3A_162 = arith.constant 0 : i32
          %dma_start3A_163 = tpu.memref_slice %arg9[%dma_start3A_160, %dma_start3A_161, %dma_start3A_162] : memref<2x128x128xf32, #tpu.memory_space<vmem>> -> memref<1x128x128xf32, #tpu.memory_space<vmem>>
          %dma_start3A_164 = tpu.memref_squeeze %dma_start3A_163 : memref<1x128x128xf32, #tpu.memory_space<vmem>> -> memref<128x128xf32, #tpu.memory_space<vmem>>
          %dma_start3A_165 = arith.constant 0 : i32
          %dma_start3A_166 = tpu.memref_slice %arg7[%add3A_159, %dma_start3A_165] : memref<40x128xi32, #tpu.memory_space<vmem>> -> memref<1x128xi32, #tpu.memory_space<vmem>>
          %dma_start3A_167 = tpu.memref_squeeze %dma_start3A_166 : memref<1x128xi32, #tpu.memory_space<vmem>> -> memref<128xi32, #tpu.memory_space<vmem>>
          %dma_start3A_168 = arith.constant 0 : i32
          %dma_start3A_169 = arith.constant 0 : i32
          %dma_start3A_170 = tpu.memref_slice %arg2[%dma_start3A_168, %dma_start3A_169] : memref<10240x128xf32, #tpu.memory_space<hbm>> -> memref<10240x128xf32, #tpu.memory_space<hbm>>
          tpu.enqueue_indirect_dma source(%dma_start3A_170 : memref<10240x128xf32, #tpu.memory_space<hbm>>) target(%dma_start3A_164 : memref<128x128xf32, #tpu.memory_space<vmem>>) offsets(%dma_start3A_167 : memref<128xi32, #tpu.memory_space<vmem>>) semaphore(%arg11 : memref<!tpu.dma_semaphore, #tpu.memory_space<semaphore_mem>>)
        } else {
        }
        %add3A_133 = arith.constant 1 : i32
        %add3A_134 = arith.addi %mul3A_110, %add3A_133 : i32
        %dma_wait3A_135 = arith.constant 1 : i32
        %dma_wait3A_136 = arith.constant 0 : i32
        %dma_wait3A_137 = arith.constant 0 : i32
        %dma_wait3A_138 = tpu.memref_slice %arg9[%dma_wait3A_135, %dma_wait3A_136, %dma_wait3A_137] : memref<2x128x128xf32, #tpu.memory_space<vmem>> -> memref<1x128x128xf32, #tpu.memory_space<vmem>>
        %dma_wait3A_139 = tpu.memref_squeeze %dma_wait3A_138 : memref<1x128x128xf32, #tpu.memory_space<vmem>> -> memref<128x128xf32, #tpu.memory_space<vmem>>
        %dma_wait3A_140 = arith.constant 0 : i32
        %dma_wait3A_141 = arith.constant 0 : i32
        %dma_wait3A_142 = tpu.memref_slice %arg2[%dma_wait3A_140, %dma_wait3A_141] : memref<10240x128xf32, #tpu.memory_space<hbm>> -> memref<128x128xf32, #tpu.memory_space<hbm>>
        %dma_wait3A_143 = arith.constant 0 : i32
        %dma_wait3A_144 = arith.constant 0 : i32
        %dma_wait3A_145 = tpu.memref_slice %arg9[%dma_wait3A_135, %dma_wait3A_143, %dma_wait3A_144] : memref<2x128x128xf32, #tpu.memory_space<vmem>> -> memref<1x128x128xf32, #tpu.memory_space<vmem>>
        %dma_wait3A_146 = tpu.memref_squeeze %dma_wait3A_145 : memref<1x128x128xf32, #tpu.memory_space<vmem>> -> memref<128x128xf32, #tpu.memory_space<vmem>>
        %dma_wait3A_147 = arith.constant 0 : i32
        %dma_wait3A_148 = arith.constant 0 : i32
        %dma_wait3A_149 = tpu.memref_slice %arg2[%dma_wait3A_147, %dma_wait3A_148] : memref<10240x128xf32, #tpu.memory_space<hbm>> -> memref<128x128xf32, #tpu.memory_space<hbm>>
        tpu.wait_dma2 semaphore(%arg12 : memref<!tpu.dma_semaphore, #tpu.memory_space<semaphore_mem>>) src(%dma_wait3A_149 : memref<128x128xf32, #tpu.memory_space<hbm>>) dst(%dma_wait3A_146 : memref<128x128xf32, #tpu.memory_space<vmem>>)
        %run_scoped3A_150 = arith.constant 1 : i32
        "tpu.region"() ({
          %run_scoped3A_158 = tpu.sem_alloc : memref<!tpu.dma_semaphore, #tpu.memory_space<semaphore_mem>>
          %dma_start3A_159 = arith.constant 0 : i32
          %dma_start3A_160 = arith.constant 0 : i32
          %dma_start3A_161 = tpu.memref_slice %arg9[%run_scoped3A_150, %dma_start3A_159, %dma_start3A_160] : memref<2x128x128xf32, #tpu.memory_space<vmem>> -> memref<1x128x128xf32, #tpu.memory_space<vmem>>
          %dma_start3A_162 = tpu.memref_squeeze %dma_start3A_161 : memref<1x128x128xf32, #tpu.memory_space<vmem>> -> memref<128x128xf32, #tpu.memory_space<vmem>>
          %dma_start3A_163 = arith.constant 0 : i32
          %dma_start3A_164 = tpu.memref_slice %arg8[%add3A_134, %dma_start3A_163] : memref<40x128xi32, #tpu.memory_space<vmem>> -> memref<1x128xi32, #tpu.memory_space<vmem>>
          %dma_start3A_165 = tpu.memref_squeeze %dma_start3A_164 : memref<1x128xi32, #tpu.memory_space<vmem>> -> memref<128xi32, #tpu.memory_space<vmem>>
          %dma_start3A_166 = arith.constant 0 : i32
          %dma_start3A_167 = arith.constant 0 : i32
          %dma_start3A_168 = tpu.memref_slice %arg10[%dma_start3A_166, %dma_start3A_167] : memref<10240x128xf32, #tpu.memory_space<vmem_shared>> -> memref<10240x128xf32, #tpu.memory_space<vmem_shared>>
          tpu.enqueue_indirect_dma source(%dma_start3A_162 : memref<128x128xf32, #tpu.memory_space<vmem>>) target(%dma_start3A_168 : memref<10240x128xf32, #tpu.memory_space<vmem_shared>>) offsets(%dma_start3A_165 : memref<128xi32, #tpu.memory_space<vmem>>) semaphore(%run_scoped3A_158 : memref<!tpu.dma_semaphore, #tpu.memory_space<semaphore_mem>>) {add = true}
          %dma_wait3A_169 = arith.constant 0 : i32
          %dma_wait3A_170 = arith.constant 0 : i32
          %dma_wait3A_171 = tpu.memref_slice %arg9[%run_scoped3A_150, %dma_wait3A_169, %dma_wait3A_170] : memref<2x128x128xf32, #tpu.memory_space<vmem>> -> memref<1x128x128xf32, #tpu.memory_space<vmem>>
          %dma_wait3A_172 = tpu.memref_squeeze %dma_wait3A_171 : memref<1x128x128xf32, #tpu.memory_space<vmem>> -> memref<128x128xf32, #tpu.memory_space<vmem>>
          %dma_wait3A_173 = arith.constant 0 : i32
          %dma_wait3A_174 = tpu.memref_slice %arg8[%add3A_134, %dma_wait3A_173] : memref<40x128xi32, #tpu.memory_space<vmem>> -> memref<1x128xi32, #tpu.memory_space<vmem>>
          %dma_wait3A_175 = tpu.memref_squeeze %dma_wait3A_174 : memref<1x128xi32, #tpu.memory_space<vmem>> -> memref<128xi32, #tpu.memory_space<vmem>>
          %dma_wait3A_176 = arith.constant 0 : i32
          %dma_wait3A_177 = arith.constant 0 : i32
          %dma_wait3A_178 = tpu.memref_slice %arg10[%dma_wait3A_176, %dma_wait3A_177] : memref<10240x128xf32, #tpu.memory_space<vmem_shared>> -> memref<10240x128xf32, #tpu.memory_space<vmem_shared>>
          tpu.wait_indirect_dma semaphore(%run_scoped3A_158 : memref<!tpu.dma_semaphore, #tpu.memory_space<semaphore_mem>>) src(%dma_wait3A_172 : memref<128x128xf32, #tpu.memory_space<vmem>>) dst(%dma_wait3A_178 : memref<10240x128xf32, #tpu.memory_space<vmem_shared>>)
          tpu.yield
        }) : () -> ()
        %add3A_151 = arith.constant 2 : i32
        %add3A_152 = arith.addi %add3A_134, %add3A_151 : i32
        %lt3A_153 = arith.constant 40 : i32
        %lt3A_154 = arith.cmpi slt, %add3A_152, %lt3A_153 : i32
        %convert_element_type3A_155 = arith.extui %lt3A_154 : i1 to i32
        %cond3A_156 = arith.constant 0 : i32
        %cond3A_157 = arith.cmpi ne, %convert_element_type3A_155, %cond3A_156 : i32
        scf.if %cond3A_157 {
          %add3A_158 = arith.constant 2 : i32
          %add3A_159 = arith.addi %add3A_134, %add3A_158 : i32
          %dma_start3A_160 = arith.constant 1 : i32
          %dma_start3A_161 = arith.constant 0 : i32
          %dma_start3A_162 = arith.constant 0 : i32
          %dma_start3A_163 = tpu.memref_slice %arg9[%dma_start3A_160, %dma_start3A_161, %dma_start3A_162] : memref<2x128x128xf32, #tpu.memory_space<vmem>> -> memref<1x128x128xf32, #tpu.memory_space<vmem>>
          %dma_start3A_164 = tpu.memref_squeeze %dma_start3A_163 : memref<1x128x128xf32, #tpu.memory_space<vmem>> -> memref<128x128xf32, #tpu.memory_space<vmem>>
          %dma_start3A_165 = arith.constant 0 : i32
          %dma_start3A_166 = tpu.memref_slice %arg7[%add3A_159, %dma_start3A_165] : memref<40x128xi32, #tpu.memory_space<vmem>> -> memref<1x128xi32, #tpu.memory_space<vmem>>
          %dma_start3A_167 = tpu.memref_squeeze %dma_start3A_166 : memref<1x128xi32, #tpu.memory_space<vmem>> -> memref<128xi32, #tpu.memory_space<vmem>>
          %dma_start3A_168 = arith.constant 0 : i32
          %dma_start3A_169 = arith.constant 0 : i32
          %dma_start3A_170 = tpu.memref_slice %arg2[%dma_start3A_168, %dma_start3A_169] : memref<10240x128xf32, #tpu.memory_space<hbm>> -> memref<10240x128xf32, #tpu.memory_space<hbm>>
          tpu.enqueue_indirect_dma source(%dma_start3A_170 : memref<10240x128xf32, #tpu.memory_space<hbm>>) target(%dma_start3A_164 : memref<128x128xf32, #tpu.memory_space<vmem>>) offsets(%dma_start3A_167 : memref<128xi32, #tpu.memory_space<vmem>>) semaphore(%arg12 : memref<!tpu.dma_semaphore, #tpu.memory_space<semaphore_mem>>)
        } else {
        }
      }
      %scan3A_39 = arith.constant 20 : i32
      %mul3A_40 = arith.constant 120 : i32
      %mul3A_41 = arith.muli %arg1, %mul3A_40 : i32
      %add3A_42 = arith.constant 40 : i32
      %add3A_43 = arith.addi %mul3A_41, %add3A_42 : i32
      "tpu.region"() ({
        %run_scoped3A = tpu.sem_alloc : memref<!tpu.dma_semaphore, #tpu.memory_space<semaphore_mem>>
        %dma_start3A_108 = arith.constant 0 : i32
        %dma_start3A_109 = tpu.memref_slice %arg3[%add3A_43, %dma_start3A_108] : memref<2560x128xi32, #tpu.memory_space<hbm>> -> memref<40x128xi32, #tpu.memory_space<hbm>>
        %dma_start3A_110 = arith.constant 0 : i32
        %dma_start3A_111 = tpu.memref_slice %arg3[%add3A_43, %dma_start3A_110] : memref<2560x128xi32, #tpu.memory_space<hbm>> -> memref<40x128xi32, #tpu.memory_space<hbm>>
        tpu.enqueue_dma source(%dma_start3A_111 : memref<40x128xi32, #tpu.memory_space<hbm>>) target(%arg7 : memref<40x128xi32, #tpu.memory_space<vmem>>) target_semaphore(%run_scoped3A : memref<!tpu.dma_semaphore, #tpu.memory_space<semaphore_mem>>)
        %dma_wait3A = arith.constant 0 : i32
        %dma_wait3A_112 = tpu.memref_slice %arg3[%add3A_43, %dma_wait3A] : memref<2560x128xi32, #tpu.memory_space<hbm>> -> memref<40x128xi32, #tpu.memory_space<hbm>>
        %dma_wait3A_113 = arith.constant 0 : i32
        %dma_wait3A_114 = tpu.memref_slice %arg3[%add3A_43, %dma_wait3A_113] : memref<2560x128xi32, #tpu.memory_space<hbm>> -> memref<40x128xi32, #tpu.memory_space<hbm>>
        tpu.wait_dma2 semaphore(%run_scoped3A : memref<!tpu.dma_semaphore, #tpu.memory_space<semaphore_mem>>) src(%dma_wait3A_114 : memref<40x128xi32, #tpu.memory_space<hbm>>) dst(%arg7 : memref<40x128xi32, #tpu.memory_space<vmem>>)
        tpu.yield
      }) : () -> ()
      "tpu.region"() ({
        %run_scoped3A = tpu.sem_alloc : memref<!tpu.dma_semaphore, #tpu.memory_space<semaphore_mem>>
        %dma_start3A_108 = arith.constant 0 : i32
        %dma_start3A_109 = tpu.memref_slice %arg4[%add3A_43, %dma_start3A_108] : memref<2560x128xi32, #tpu.memory_space<hbm>> -> memref<40x128xi32, #tpu.memory_space<hbm>>
        %dma_start3A_110 = arith.constant 0 : i32
        %dma_start3A_111 = tpu.memref_slice %arg4[%add3A_43, %dma_start3A_110] : memref<2560x128xi32, #tpu.memory_space<hbm>> -> memref<40x128xi32, #tpu.memory_space<hbm>>
        tpu.enqueue_dma source(%dma_start3A_111 : memref<40x128xi32, #tpu.memory_space<hbm>>) target(%arg8 : memref<40x128xi32, #tpu.memory_space<vmem>>) target_semaphore(%run_scoped3A : memref<!tpu.dma_semaphore, #tpu.memory_space<semaphore_mem>>)
        %dma_wait3A = arith.constant 0 : i32
        %dma_wait3A_112 = tpu.memref_slice %arg4[%add3A_43, %dma_wait3A] : memref<2560x128xi32, #tpu.memory_space<hbm>> -> memref<40x128xi32, #tpu.memory_space<hbm>>
        %dma_wait3A_113 = arith.constant 0 : i32
        %dma_wait3A_114 = tpu.memref_slice %arg4[%add3A_43, %dma_wait3A_113] : memref<2560x128xi32, #tpu.memory_space<hbm>> -> memref<40x128xi32, #tpu.memory_space<hbm>>
        tpu.wait_dma2 semaphore(%run_scoped3A : memref<!tpu.dma_semaphore, #tpu.memory_space<semaphore_mem>>) src(%dma_wait3A_114 : memref<40x128xi32, #tpu.memory_space<hbm>>) dst(%arg8 : memref<40x128xi32, #tpu.memory_space<vmem>>)
        tpu.yield
      }) : () -> ()
      %dma_start3A_44 = arith.constant 0 : i32
      %dma_start3A_45 = arith.constant 0 : i32
      %dma_start3A_46 = arith.constant 0 : i32
      %dma_start3A_47 = arith.constant 0 : i32
      %dma_start3A_48 = tpu.memref_slice %arg9[%dma_start3A_45, %dma_start3A_46, %dma_start3A_47] : memref<2x128x128xf32, #tpu.memory_space<vmem>> -> memref<1x128x128xf32, #tpu.memory_space<vmem>>
      %dma_start3A_49 = tpu.memref_squeeze %dma_start3A_48 : memref<1x128x128xf32, #tpu.memory_space<vmem>> -> memref<128x128xf32, #tpu.memory_space<vmem>>
      %dma_start3A_50 = arith.constant 0 : i32
      %dma_start3A_51 = tpu.memref_slice %arg7[%dma_start3A_44, %dma_start3A_50] : memref<40x128xi32, #tpu.memory_space<vmem>> -> memref<1x128xi32, #tpu.memory_space<vmem>>
      %dma_start3A_52 = tpu.memref_squeeze %dma_start3A_51 : memref<1x128xi32, #tpu.memory_space<vmem>> -> memref<128xi32, #tpu.memory_space<vmem>>
      %dma_start3A_53 = arith.constant 0 : i32
      %dma_start3A_54 = arith.constant 0 : i32
      %dma_start3A_55 = tpu.memref_slice %arg2[%dma_start3A_53, %dma_start3A_54] : memref<10240x128xf32, #tpu.memory_space<hbm>> -> memref<10240x128xf32, #tpu.memory_space<hbm>>
      tpu.enqueue_indirect_dma source(%dma_start3A_55 : memref<10240x128xf32, #tpu.memory_space<hbm>>) target(%dma_start3A_49 : memref<128x128xf32, #tpu.memory_space<vmem>>) offsets(%dma_start3A_52 : memref<128xi32, #tpu.memory_space<vmem>>) semaphore(%arg11 : memref<!tpu.dma_semaphore, #tpu.memory_space<semaphore_mem>>)
      %dma_start3A_56 = arith.constant 1 : i32
      %dma_start3A_57 = arith.constant 1 : i32
      %dma_start3A_58 = arith.constant 0 : i32
      %dma_start3A_59 = arith.constant 0 : i32
      %dma_start3A_60 = tpu.memref_slice %arg9[%dma_start3A_57, %dma_start3A_58, %dma_start3A_59] : memref<2x128x128xf32, #tpu.memory_space<vmem>> -> memref<1x128x128xf32, #tpu.memory_space<vmem>>
      %dma_start3A_61 = tpu.memref_squeeze %dma_start3A_60 : memref<1x128x128xf32, #tpu.memory_space<vmem>> -> memref<128x128xf32, #tpu.memory_space<vmem>>
      %dma_start3A_62 = arith.constant 0 : i32
      %dma_start3A_63 = tpu.memref_slice %arg7[%dma_start3A_56, %dma_start3A_62] : memref<40x128xi32, #tpu.memory_space<vmem>> -> memref<1x128xi32, #tpu.memory_space<vmem>>
      %dma_start3A_64 = tpu.memref_squeeze %dma_start3A_63 : memref<1x128xi32, #tpu.memory_space<vmem>> -> memref<128xi32, #tpu.memory_space<vmem>>
      %dma_start3A_65 = arith.constant 0 : i32
      %dma_start3A_66 = arith.constant 0 : i32
      %dma_start3A_67 = tpu.memref_slice %arg2[%dma_start3A_65, %dma_start3A_66] : memref<10240x128xf32, #tpu.memory_space<hbm>> -> memref<10240x128xf32, #tpu.memory_space<hbm>>
      tpu.enqueue_indirect_dma source(%dma_start3A_67 : memref<10240x128xf32, #tpu.memory_space<hbm>>) target(%dma_start3A_61 : memref<128x128xf32, #tpu.memory_space<vmem>>) offsets(%dma_start3A_64 : memref<128xi32, #tpu.memory_space<vmem>>) semaphore(%arg12 : memref<!tpu.dma_semaphore, #tpu.memory_space<semaphore_mem>>)
      %scan3A_68 = arith.constant 0 : i32
      %scan3A_69 = arith.constant 0 : i32
      %scan3A_70 = arith.constant 20 : i32
      %scan3A_71 = arith.addi %scan3A_69, %scan3A_70 : i32
      %scan3A_72 = arith.constant 1 : i32
      scf.for %scan3A_108 = %scan3A_69 to %scan3A_71 step %scan3A_72  : i32 {
        %mul3A_109 = arith.constant 2 : i32
        %mul3A_110 = arith.muli %scan3A_108, %mul3A_109 : i32
        %add3A_111 = arith.constant 0 : i32
        %add3A_112 = arith.addi %mul3A_110, %add3A_111 : i32
        %dma_wait3A = arith.constant 0 : i32
        %dma_wait3A_113 = arith.constant 0 : i32
        %dma_wait3A_114 = arith.constant 0 : i32
        %dma_wait3A_115 = tpu.memref_slice %arg9[%dma_wait3A, %dma_wait3A_113, %dma_wait3A_114] : memref<2x128x128xf32, #tpu.memory_space<vmem>> -> memref<1x128x128xf32, #tpu.memory_space<vmem>>
        %dma_wait3A_116 = tpu.memref_squeeze %dma_wait3A_115 : memref<1x128x128xf32, #tpu.memory_space<vmem>> -> memref<128x128xf32, #tpu.memory_space<vmem>>
        %dma_wait3A_117 = arith.constant 0 : i32
        %dma_wait3A_118 = arith.constant 0 : i32
        %dma_wait3A_119 = tpu.memref_slice %arg2[%dma_wait3A_117, %dma_wait3A_118] : memref<10240x128xf32, #tpu.memory_space<hbm>> -> memref<128x128xf32, #tpu.memory_space<hbm>>
        %dma_wait3A_120 = arith.constant 0 : i32
        %dma_wait3A_121 = arith.constant 0 : i32
        %dma_wait3A_122 = tpu.memref_slice %arg9[%dma_wait3A, %dma_wait3A_120, %dma_wait3A_121] : memref<2x128x128xf32, #tpu.memory_space<vmem>> -> memref<1x128x128xf32, #tpu.memory_space<vmem>>
        %dma_wait3A_123 = tpu.memref_squeeze %dma_wait3A_122 : memref<1x128x128xf32, #tpu.memory_space<vmem>> -> memref<128x128xf32, #tpu.memory_space<vmem>>
        %dma_wait3A_124 = arith.constant 0 : i32
        %dma_wait3A_125 = arith.constant 0 : i32
        %dma_wait3A_126 = tpu.memref_slice %arg2[%dma_wait3A_124, %dma_wait3A_125] : memref<10240x128xf32, #tpu.memory_space<hbm>> -> memref<128x128xf32, #tpu.memory_space<hbm>>
        tpu.wait_dma2 semaphore(%arg11 : memref<!tpu.dma_semaphore, #tpu.memory_space<semaphore_mem>>) src(%dma_wait3A_126 : memref<128x128xf32, #tpu.memory_space<hbm>>) dst(%dma_wait3A_123 : memref<128x128xf32, #tpu.memory_space<vmem>>)
        %run_scoped3A = arith.constant 0 : i32
        "tpu.region"() ({
          %run_scoped3A_158 = tpu.sem_alloc : memref<!tpu.dma_semaphore, #tpu.memory_space<semaphore_mem>>
          %dma_start3A_159 = arith.constant 0 : i32
          %dma_start3A_160 = arith.constant 0 : i32
          %dma_start3A_161 = tpu.memref_slice %arg9[%run_scoped3A, %dma_start3A_159, %dma_start3A_160] : memref<2x128x128xf32, #tpu.memory_space<vmem>> -> memref<1x128x128xf32, #tpu.memory_space<vmem>>
          %dma_start3A_162 = tpu.memref_squeeze %dma_start3A_161 : memref<1x128x128xf32, #tpu.memory_space<vmem>> -> memref<128x128xf32, #tpu.memory_space<vmem>>
          %dma_start3A_163 = arith.constant 0 : i32
          %dma_start3A_164 = tpu.memref_slice %arg8[%add3A_112, %dma_start3A_163] : memref<40x128xi32, #tpu.memory_space<vmem>> -> memref<1x128xi32, #tpu.memory_space<vmem>>
          %dma_start3A_165 = tpu.memref_squeeze %dma_start3A_164 : memref<1x128xi32, #tpu.memory_space<vmem>> -> memref<128xi32, #tpu.memory_space<vmem>>
          %dma_start3A_166 = arith.constant 0 : i32
          %dma_start3A_167 = arith.constant 0 : i32
          %dma_start3A_168 = tpu.memref_slice %arg10[%dma_start3A_166, %dma_start3A_167] : memref<10240x128xf32, #tpu.memory_space<vmem_shared>> -> memref<10240x128xf32, #tpu.memory_space<vmem_shared>>
          tpu.enqueue_indirect_dma source(%dma_start3A_162 : memref<128x128xf32, #tpu.memory_space<vmem>>) target(%dma_start3A_168 : memref<10240x128xf32, #tpu.memory_space<vmem_shared>>) offsets(%dma_start3A_165 : memref<128xi32, #tpu.memory_space<vmem>>) semaphore(%run_scoped3A_158 : memref<!tpu.dma_semaphore, #tpu.memory_space<semaphore_mem>>) {add = true}
          %dma_wait3A_169 = arith.constant 0 : i32
          %dma_wait3A_170 = arith.constant 0 : i32
          %dma_wait3A_171 = tpu.memref_slice %arg9[%run_scoped3A, %dma_wait3A_169, %dma_wait3A_170] : memref<2x128x128xf32, #tpu.memory_space<vmem>> -> memref<1x128x128xf32, #tpu.memory_space<vmem>>
          %dma_wait3A_172 = tpu.memref_squeeze %dma_wait3A_171 : memref<1x128x128xf32, #tpu.memory_space<vmem>> -> memref<128x128xf32, #tpu.memory_space<vmem>>
          %dma_wait3A_173 = arith.constant 0 : i32
          %dma_wait3A_174 = tpu.memref_slice %arg8[%add3A_112, %dma_wait3A_173] : memref<40x128xi32, #tpu.memory_space<vmem>> -> memref<1x128xi32, #tpu.memory_space<vmem>>
          %dma_wait3A_175 = tpu.memref_squeeze %dma_wait3A_174 : memref<1x128xi32, #tpu.memory_space<vmem>> -> memref<128xi32, #tpu.memory_space<vmem>>
          %dma_wait3A_176 = arith.constant 0 : i32
          %dma_wait3A_177 = arith.constant 0 : i32
          %dma_wait3A_178 = tpu.memref_slice %arg10[%dma_wait3A_176, %dma_wait3A_177] : memref<10240x128xf32, #tpu.memory_space<vmem_shared>> -> memref<10240x128xf32, #tpu.memory_space<vmem_shared>>
          tpu.wait_indirect_dma semaphore(%run_scoped3A_158 : memref<!tpu.dma_semaphore, #tpu.memory_space<semaphore_mem>>) src(%dma_wait3A_172 : memref<128x128xf32, #tpu.memory_space<vmem>>) dst(%dma_wait3A_178 : memref<10240x128xf32, #tpu.memory_space<vmem_shared>>)
          tpu.yield
        }) : () -> ()
        %add3A_127 = arith.constant 2 : i32
        %add3A_128 = arith.addi %add3A_112, %add3A_127 : i32
        %lt3A = arith.constant 40 : i32
        %lt3A_129 = arith.cmpi slt, %add3A_128, %lt3A : i32
        %convert_element_type3A_130 = arith.extui %lt3A_129 : i1 to i32
        %cond3A_131 = arith.constant 0 : i32
        %cond3A_132 = arith.cmpi ne, %convert_element_type3A_130, %cond3A_131 : i32
        scf.if %cond3A_132 {
          %add3A_158 = arith.constant 2 : i32
          %add3A_159 = arith.addi %add3A_112, %add3A_158 : i32
          %dma_start3A_160 = arith.constant 0 : i32
          %dma_start3A_161 = arith.constant 0 : i32
          %dma_start3A_162 = arith.constant 0 : i32
          %dma_start3A_163 = tpu.memref_slice %arg9[%dma_start3A_160, %dma_start3A_161, %dma_start3A_162] : memref<2x128x128xf32, #tpu.memory_space<vmem>> -> memref<1x128x128xf32, #tpu.memory_space<vmem>>
          %dma_start3A_164 = tpu.memref_squeeze %dma_start3A_163 : memref<1x128x128xf32, #tpu.memory_space<vmem>> -> memref<128x128xf32, #tpu.memory_space<vmem>>
          %dma_start3A_165 = arith.constant 0 : i32
          %dma_start3A_166 = tpu.memref_slice %arg7[%add3A_159, %dma_start3A_165] : memref<40x128xi32, #tpu.memory_space<vmem>> -> memref<1x128xi32, #tpu.memory_space<vmem>>
          %dma_start3A_167 = tpu.memref_squeeze %dma_start3A_166 : memref<1x128xi32, #tpu.memory_space<vmem>> -> memref<128xi32, #tpu.memory_space<vmem>>
          %dma_start3A_168 = arith.constant 0 : i32
          %dma_start3A_169 = arith.constant 0 : i32
          %dma_start3A_170 = tpu.memref_slice %arg2[%dma_start3A_168, %dma_start3A_169] : memref<10240x128xf32, #tpu.memory_space<hbm>> -> memref<10240x128xf32, #tpu.memory_space<hbm>>
          tpu.enqueue_indirect_dma source(%dma_start3A_170 : memref<10240x128xf32, #tpu.memory_space<hbm>>) target(%dma_start3A_164 : memref<128x128xf32, #tpu.memory_space<vmem>>) offsets(%dma_start3A_167 : memref<128xi32, #tpu.memory_space<vmem>>) semaphore(%arg11 : memref<!tpu.dma_semaphore, #tpu.memory_space<semaphore_mem>>)
        } else {
        }
        %add3A_133 = arith.constant 1 : i32
        %add3A_134 = arith.addi %mul3A_110, %add3A_133 : i32
        %dma_wait3A_135 = arith.constant 1 : i32
        %dma_wait3A_136 = arith.constant 0 : i32
        %dma_wait3A_137 = arith.constant 0 : i32
        %dma_wait3A_138 = tpu.memref_slice %arg9[%dma_wait3A_135, %dma_wait3A_136, %dma_wait3A_137] : memref<2x128x128xf32, #tpu.memory_space<vmem>> -> memref<1x128x128xf32, #tpu.memory_space<vmem>>
        %dma_wait3A_139 = tpu.memref_squeeze %dma_wait3A_138 : memref<1x128x128xf32, #tpu.memory_space<vmem>> -> memref<128x128xf32, #tpu.memory_space<vmem>>
        %dma_wait3A_140 = arith.constant 0 : i32
        %dma_wait3A_141 = arith.constant 0 : i32
        %dma_wait3A_142 = tpu.memref_slice %arg2[%dma_wait3A_140, %dma_wait3A_141] : memref<10240x128xf32, #tpu.memory_space<hbm>> -> memref<128x128xf32, #tpu.memory_space<hbm>>
        %dma_wait3A_143 = arith.constant 0 : i32
        %dma_wait3A_144 = arith.constant 0 : i32
        %dma_wait3A_145 = tpu.memref_slice %arg9[%dma_wait3A_135, %dma_wait3A_143, %dma_wait3A_144] : memref<2x128x128xf32, #tpu.memory_space<vmem>> -> memref<1x128x128xf32, #tpu.memory_space<vmem>>
        %dma_wait3A_146 = tpu.memref_squeeze %dma_wait3A_145 : memref<1x128x128xf32, #tpu.memory_space<vmem>> -> memref<128x128xf32, #tpu.memory_space<vmem>>
        %dma_wait3A_147 = arith.constant 0 : i32
        %dma_wait3A_148 = arith.constant 0 : i32
        %dma_wait3A_149 = tpu.memref_slice %arg2[%dma_wait3A_147, %dma_wait3A_148] : memref<10240x128xf32, #tpu.memory_space<hbm>> -> memref<128x128xf32, #tpu.memory_space<hbm>>
        tpu.wait_dma2 semaphore(%arg12 : memref<!tpu.dma_semaphore, #tpu.memory_space<semaphore_mem>>) src(%dma_wait3A_149 : memref<128x128xf32, #tpu.memory_space<hbm>>) dst(%dma_wait3A_146 : memref<128x128xf32, #tpu.memory_space<vmem>>)
        %run_scoped3A_150 = arith.constant 1 : i32
        "tpu.region"() ({
          %run_scoped3A_158 = tpu.sem_alloc : memref<!tpu.dma_semaphore, #tpu.memory_space<semaphore_mem>>
          %dma_start3A_159 = arith.constant 0 : i32
          %dma_start3A_160 = arith.constant 0 : i32
          %dma_start3A_161 = tpu.memref_slice %arg9[%run_scoped3A_150, %dma_start3A_159, %dma_start3A_160] : memref<2x128x128xf32, #tpu.memory_space<vmem>> -> memref<1x128x128xf32, #tpu.memory_space<vmem>>
          %dma_start3A_162 = tpu.memref_squeeze %dma_start3A_161 : memref<1x128x128xf32, #tpu.memory_space<vmem>> -> memref<128x128xf32, #tpu.memory_space<vmem>>
          %dma_start3A_163 = arith.constant 0 : i32
          %dma_start3A_164 = tpu.memref_slice %arg8[%add3A_134, %dma_start3A_163] : memref<40x128xi32, #tpu.memory_space<vmem>> -> memref<1x128xi32, #tpu.memory_space<vmem>>
          %dma_start3A_165 = tpu.memref_squeeze %dma_start3A_164 : memref<1x128xi32, #tpu.memory_space<vmem>> -> memref<128xi32, #tpu.memory_space<vmem>>
          %dma_start3A_166 = arith.constant 0 : i32
          %dma_start3A_167 = arith.constant 0 : i32
          %dma_start3A_168 = tpu.memref_slice %arg10[%dma_start3A_166, %dma_start3A_167] : memref<10240x128xf32, #tpu.memory_space<vmem_shared>> -> memref<10240x128xf32, #tpu.memory_space<vmem_shared>>
          tpu.enqueue_indirect_dma source(%dma_start3A_162 : memref<128x128xf32, #tpu.memory_space<vmem>>) target(%dma_start3A_168 : memref<10240x128xf32, #tpu.memory_space<vmem_shared>>) offsets(%dma_start3A_165 : memref<128xi32, #tpu.memory_space<vmem>>) semaphore(%run_scoped3A_158 : memref<!tpu.dma_semaphore, #tpu.memory_space<semaphore_mem>>) {add = true}
          %dma_wait3A_169 = arith.constant 0 : i32
          %dma_wait3A_170 = arith.constant 0 : i32
          %dma_wait3A_171 = tpu.memref_slice %arg9[%run_scoped3A_150, %dma_wait3A_169, %dma_wait3A_170] : memref<2x128x128xf32, #tpu.memory_space<vmem>> -> memref<1x128x128xf32, #tpu.memory_space<vmem>>
          %dma_wait3A_172 = tpu.memref_squeeze %dma_wait3A_171 : memref<1x128x128xf32, #tpu.memory_space<vmem>> -> memref<128x128xf32, #tpu.memory_space<vmem>>
          %dma_wait3A_173 = arith.constant 0 : i32
          %dma_wait3A_174 = tpu.memref_slice %arg8[%add3A_134, %dma_wait3A_173] : memref<40x128xi32, #tpu.memory_space<vmem>> -> memref<1x128xi32, #tpu.memory_space<vmem>>
          %dma_wait3A_175 = tpu.memref_squeeze %dma_wait3A_174 : memref<1x128xi32, #tpu.memory_space<vmem>> -> memref<128xi32, #tpu.memory_space<vmem>>
          %dma_wait3A_176 = arith.constant 0 : i32
          %dma_wait3A_177 = arith.constant 0 : i32
          %dma_wait3A_178 = tpu.memref_slice %arg10[%dma_wait3A_176, %dma_wait3A_177] : memref<10240x128xf32, #tpu.memory_space<vmem_shared>> -> memref<10240x128xf32, #tpu.memory_space<vmem_shared>>
          tpu.wait_indirect_dma semaphore(%run_scoped3A_158 : memref<!tpu.dma_semaphore, #tpu.memory_space<semaphore_mem>>) src(%dma_wait3A_172 : memref<128x128xf32, #tpu.memory_space<vmem>>) dst(%dma_wait3A_178 : memref<10240x128xf32, #tpu.memory_space<vmem_shared>>)
          tpu.yield
        }) : () -> ()
        %add3A_151 = arith.constant 2 : i32
        %add3A_152 = arith.addi %add3A_134, %add3A_151 : i32
        %lt3A_153 = arith.constant 40 : i32
        %lt3A_154 = arith.cmpi slt, %add3A_152, %lt3A_153 : i32
        %convert_element_type3A_155 = arith.extui %lt3A_154 : i1 to i32
        %cond3A_156 = arith.constant 0 : i32
        %cond3A_157 = arith.cmpi ne, %convert_element_type3A_155, %cond3A_156 : i32
        scf.if %cond3A_157 {
          %add3A_158 = arith.constant 2 : i32
          %add3A_159 = arith.addi %add3A_134, %add3A_158 : i32
          %dma_start3A_160 = arith.constant 1 : i32
          %dma_start3A_161 = arith.constant 0 : i32
          %dma_start3A_162 = arith.constant 0 : i32
          %dma_start3A_163 = tpu.memref_slice %arg9[%dma_start3A_160, %dma_start3A_161, %dma_start3A_162] : memref<2x128x128xf32, #tpu.memory_space<vmem>> -> memref<1x128x128xf32, #tpu.memory_space<vmem>>
          %dma_start3A_164 = tpu.memref_squeeze %dma_start3A_163 : memref<1x128x128xf32, #tpu.memory_space<vmem>> -> memref<128x128xf32, #tpu.memory_space<vmem>>
          %dma_start3A_165 = arith.constant 0 : i32
          %dma_start3A_166 = tpu.memref_slice %arg7[%add3A_159, %dma_start3A_165] : memref<40x128xi32, #tpu.memory_space<vmem>> -> memref<1x128xi32, #tpu.memory_space<vmem>>
          %dma_start3A_167 = tpu.memref_squeeze %dma_start3A_166 : memref<1x128xi32, #tpu.memory_space<vmem>> -> memref<128xi32, #tpu.memory_space<vmem>>
          %dma_start3A_168 = arith.constant 0 : i32
          %dma_start3A_169 = arith.constant 0 : i32
          %dma_start3A_170 = tpu.memref_slice %arg2[%dma_start3A_168, %dma_start3A_169] : memref<10240x128xf32, #tpu.memory_space<hbm>> -> memref<10240x128xf32, #tpu.memory_space<hbm>>
          tpu.enqueue_indirect_dma source(%dma_start3A_170 : memref<10240x128xf32, #tpu.memory_space<hbm>>) target(%dma_start3A_164 : memref<128x128xf32, #tpu.memory_space<vmem>>) offsets(%dma_start3A_167 : memref<128xi32, #tpu.memory_space<vmem>>) semaphore(%arg12 : memref<!tpu.dma_semaphore, #tpu.memory_space<semaphore_mem>>)
        } else {
        }
      }
      %scan3A_73 = arith.constant 20 : i32
      %mul3A_74 = arith.constant 120 : i32
      %mul3A_75 = arith.muli %arg1, %mul3A_74 : i32
      %add3A_76 = arith.constant 80 : i32
      %add3A_77 = arith.addi %mul3A_75, %add3A_76 : i32
      "tpu.region"() ({
        %run_scoped3A = tpu.sem_alloc : memref<!tpu.dma_semaphore, #tpu.memory_space<semaphore_mem>>
        %dma_start3A_108 = arith.constant 0 : i32
        %dma_start3A_109 = tpu.memref_slice %arg3[%add3A_77, %dma_start3A_108] : memref<2560x128xi32, #tpu.memory_space<hbm>> -> memref<40x128xi32, #tpu.memory_space<hbm>>
        %dma_start3A_110 = arith.constant 0 : i32
        %dma_start3A_111 = tpu.memref_slice %arg3[%add3A_77, %dma_start3A_110] : memref<2560x128xi32, #tpu.memory_space<hbm>> -> memref<40x128xi32, #tpu.memory_space<hbm>>
        tpu.enqueue_dma source(%dma_start3A_111 : memref<40x128xi32, #tpu.memory_space<hbm>>) target(%arg7 : memref<40x128xi32, #tpu.memory_space<vmem>>) target_semaphore(%run_scoped3A : memref<!tpu.dma_semaphore, #tpu.memory_space<semaphore_mem>>)
        %dma_wait3A = arith.constant 0 : i32
        %dma_wait3A_112 = tpu.memref_slice %arg3[%add3A_77, %dma_wait3A] : memref<2560x128xi32, #tpu.memory_space<hbm>> -> memref<40x128xi32, #tpu.memory_space<hbm>>
        %dma_wait3A_113 = arith.constant 0 : i32
        %dma_wait3A_114 = tpu.memref_slice %arg3[%add3A_77, %dma_wait3A_113] : memref<2560x128xi32, #tpu.memory_space<hbm>> -> memref<40x128xi32, #tpu.memory_space<hbm>>
        tpu.wait_dma2 semaphore(%run_scoped3A : memref<!tpu.dma_semaphore, #tpu.memory_space<semaphore_mem>>) src(%dma_wait3A_114 : memref<40x128xi32, #tpu.memory_space<hbm>>) dst(%arg7 : memref<40x128xi32, #tpu.memory_space<vmem>>)
        tpu.yield
      }) : () -> ()
      "tpu.region"() ({
        %run_scoped3A = tpu.sem_alloc : memref<!tpu.dma_semaphore, #tpu.memory_space<semaphore_mem>>
        %dma_start3A_108 = arith.constant 0 : i32
        %dma_start3A_109 = tpu.memref_slice %arg4[%add3A_77, %dma_start3A_108] : memref<2560x128xi32, #tpu.memory_space<hbm>> -> memref<40x128xi32, #tpu.memory_space<hbm>>
        %dma_start3A_110 = arith.constant 0 : i32
        %dma_start3A_111 = tpu.memref_slice %arg4[%add3A_77, %dma_start3A_110] : memref<2560x128xi32, #tpu.memory_space<hbm>> -> memref<40x128xi32, #tpu.memory_space<hbm>>
        tpu.enqueue_dma source(%dma_start3A_111 : memref<40x128xi32, #tpu.memory_space<hbm>>) target(%arg8 : memref<40x128xi32, #tpu.memory_space<vmem>>) target_semaphore(%run_scoped3A : memref<!tpu.dma_semaphore, #tpu.memory_space<semaphore_mem>>)
        %dma_wait3A = arith.constant 0 : i32
        %dma_wait3A_112 = tpu.memref_slice %arg4[%add3A_77, %dma_wait3A] : memref<2560x128xi32, #tpu.memory_space<hbm>> -> memref<40x128xi32, #tpu.memory_space<hbm>>
        %dma_wait3A_113 = arith.constant 0 : i32
        %dma_wait3A_114 = tpu.memref_slice %arg4[%add3A_77, %dma_wait3A_113] : memref<2560x128xi32, #tpu.memory_space<hbm>> -> memref<40x128xi32, #tpu.memory_space<hbm>>
        tpu.wait_dma2 semaphore(%run_scoped3A : memref<!tpu.dma_semaphore, #tpu.memory_space<semaphore_mem>>) src(%dma_wait3A_114 : memref<40x128xi32, #tpu.memory_space<hbm>>) dst(%arg8 : memref<40x128xi32, #tpu.memory_space<vmem>>)
        tpu.yield
      }) : () -> ()
      %dma_start3A_78 = arith.constant 0 : i32
      %dma_start3A_79 = arith.constant 0 : i32
      %dma_start3A_80 = arith.constant 0 : i32
      %dma_start3A_81 = arith.constant 0 : i32
      %dma_start3A_82 = tpu.memref_slice %arg9[%dma_start3A_79, %dma_start3A_80, %dma_start3A_81] : memref<2x128x128xf32, #tpu.memory_space<vmem>> -> memref<1x128x128xf32, #tpu.memory_space<vmem>>
      %dma_start3A_83 = tpu.memref_squeeze %dma_start3A_82 : memref<1x128x128xf32, #tpu.memory_space<vmem>> -> memref<128x128xf32, #tpu.memory_space<vmem>>
      %dma_start3A_84 = arith.constant 0 : i32
      %dma_start3A_85 = tpu.memref_slice %arg7[%dma_start3A_78, %dma_start3A_84] : memref<40x128xi32, #tpu.memory_space<vmem>> -> memref<1x128xi32, #tpu.memory_space<vmem>>
      %dma_start3A_86 = tpu.memref_squeeze %dma_start3A_85 : memref<1x128xi32, #tpu.memory_space<vmem>> -> memref<128xi32, #tpu.memory_space<vmem>>
      %dma_start3A_87 = arith.constant 0 : i32
      %dma_start3A_88 = arith.constant 0 : i32
      %dma_start3A_89 = tpu.memref_slice %arg2[%dma_start3A_87, %dma_start3A_88] : memref<10240x128xf32, #tpu.memory_space<hbm>> -> memref<10240x128xf32, #tpu.memory_space<hbm>>
      tpu.enqueue_indirect_dma source(%dma_start3A_89 : memref<10240x128xf32, #tpu.memory_space<hbm>>) target(%dma_start3A_83 : memref<128x128xf32, #tpu.memory_space<vmem>>) offsets(%dma_start3A_86 : memref<128xi32, #tpu.memory_space<vmem>>) semaphore(%arg11 : memref<!tpu.dma_semaphore, #tpu.memory_space<semaphore_mem>>)
      %dma_start3A_90 = arith.constant 1 : i32
      %dma_start3A_91 = arith.constant 1 : i32
      %dma_start3A_92 = arith.constant 0 : i32
      %dma_start3A_93 = arith.constant 0 : i32
      %dma_start3A_94 = tpu.memref_slice %arg9[%dma_start3A_91, %dma_start3A_92, %dma_start3A_93] : memref<2x128x128xf32, #tpu.memory_space<vmem>> -> memref<1x128x128xf32, #tpu.memory_space<vmem>>
      %dma_start3A_95 = tpu.memref_squeeze %dma_start3A_94 : memref<1x128x128xf32, #tpu.memory_space<vmem>> -> memref<128x128xf32, #tpu.memory_space<vmem>>
      %dma_start3A_96 = arith.constant 0 : i32
      %dma_start3A_97 = tpu.memref_slice %arg7[%dma_start3A_90, %dma_start3A_96] : memref<40x128xi32, #tpu.memory_space<vmem>> -> memref<1x128xi32, #tpu.memory_space<vmem>>
      %dma_start3A_98 = tpu.memref_squeeze %dma_start3A_97 : memref<1x128xi32, #tpu.memory_space<vmem>> -> memref<128xi32, #tpu.memory_space<vmem>>
      %dma_start3A_99 = arith.constant 0 : i32
      %dma_start3A_100 = arith.constant 0 : i32
      %dma_start3A_101 = tpu.memref_slice %arg2[%dma_start3A_99, %dma_start3A_100] : memref<10240x128xf32, #tpu.memory_space<hbm>> -> memref<10240x128xf32, #tpu.memory_space<hbm>>
      tpu.enqueue_indirect_dma source(%dma_start3A_101 : memref<10240x128xf32, #tpu.memory_space<hbm>>) target(%dma_start3A_95 : memref<128x128xf32, #tpu.memory_space<vmem>>) offsets(%dma_start3A_98 : memref<128xi32, #tpu.memory_space<vmem>>) semaphore(%arg12 : memref<!tpu.dma_semaphore, #tpu.memory_space<semaphore_mem>>)
      %scan3A_102 = arith.constant 0 : i32
      %scan3A_103 = arith.constant 0 : i32
      %scan3A_104 = arith.constant 20 : i32
      %scan3A_105 = arith.addi %scan3A_103, %scan3A_104 : i32
      %scan3A_106 = arith.constant 1 : i32
      scf.for %scan3A_108 = %scan3A_103 to %scan3A_105 step %scan3A_106  : i32 {
        %mul3A_109 = arith.constant 2 : i32
        %mul3A_110 = arith.muli %scan3A_108, %mul3A_109 : i32
        %add3A_111 = arith.constant 0 : i32
        %add3A_112 = arith.addi %mul3A_110, %add3A_111 : i32
        %dma_wait3A = arith.constant 0 : i32
        %dma_wait3A_113 = arith.constant 0 : i32
        %dma_wait3A_114 = arith.constant 0 : i32
        %dma_wait3A_115 = tpu.memref_slice %arg9[%dma_wait3A, %dma_wait3A_113, %dma_wait3A_114] : memref<2x128x128xf32, #tpu.memory_space<vmem>> -> memref<1x128x128xf32, #tpu.memory_space<vmem>>
        %dma_wait3A_116 = tpu.memref_squeeze %dma_wait3A_115 : memref<1x128x128xf32, #tpu.memory_space<vmem>> -> memref<128x128xf32, #tpu.memory_space<vmem>>
        %dma_wait3A_117 = arith.constant 0 : i32
        %dma_wait3A_118 = arith.constant 0 : i32
        %dma_wait3A_119 = tpu.memref_slice %arg2[%dma_wait3A_117, %dma_wait3A_118] : memref<10240x128xf32, #tpu.memory_space<hbm>> -> memref<128x128xf32, #tpu.memory_space<hbm>>
        %dma_wait3A_120 = arith.constant 0 : i32
        %dma_wait3A_121 = arith.constant 0 : i32
        %dma_wait3A_122 = tpu.memref_slice %arg9[%dma_wait3A, %dma_wait3A_120, %dma_wait3A_121] : memref<2x128x128xf32, #tpu.memory_space<vmem>> -> memref<1x128x128xf32, #tpu.memory_space<vmem>>
        %dma_wait3A_123 = tpu.memref_squeeze %dma_wait3A_122 : memref<1x128x128xf32, #tpu.memory_space<vmem>> -> memref<128x128xf32, #tpu.memory_space<vmem>>
        %dma_wait3A_124 = arith.constant 0 : i32
        %dma_wait3A_125 = arith.constant 0 : i32
        %dma_wait3A_126 = tpu.memref_slice %arg2[%dma_wait3A_124, %dma_wait3A_125] : memref<10240x128xf32, #tpu.memory_space<hbm>> -> memref<128x128xf32, #tpu.memory_space<hbm>>
        tpu.wait_dma2 semaphore(%arg11 : memref<!tpu.dma_semaphore, #tpu.memory_space<semaphore_mem>>) src(%dma_wait3A_126 : memref<128x128xf32, #tpu.memory_space<hbm>>) dst(%dma_wait3A_123 : memref<128x128xf32, #tpu.memory_space<vmem>>)
        %run_scoped3A = arith.constant 0 : i32
        "tpu.region"() ({
          %run_scoped3A_158 = tpu.sem_alloc : memref<!tpu.dma_semaphore, #tpu.memory_space<semaphore_mem>>
          %dma_start3A_159 = arith.constant 0 : i32
          %dma_start3A_160 = arith.constant 0 : i32
          %dma_start3A_161 = tpu.memref_slice %arg9[%run_scoped3A, %dma_start3A_159, %dma_start3A_160] : memref<2x128x128xf32, #tpu.memory_space<vmem>> -> memref<1x128x128xf32, #tpu.memory_space<vmem>>
          %dma_start3A_162 = tpu.memref_squeeze %dma_start3A_161 : memref<1x128x128xf32, #tpu.memory_space<vmem>> -> memref<128x128xf32, #tpu.memory_space<vmem>>
          %dma_start3A_163 = arith.constant 0 : i32
          %dma_start3A_164 = tpu.memref_slice %arg8[%add3A_112, %dma_start3A_163] : memref<40x128xi32, #tpu.memory_space<vmem>> -> memref<1x128xi32, #tpu.memory_space<vmem>>
          %dma_start3A_165 = tpu.memref_squeeze %dma_start3A_164 : memref<1x128xi32, #tpu.memory_space<vmem>> -> memref<128xi32, #tpu.memory_space<vmem>>
          %dma_start3A_166 = arith.constant 0 : i32
          %dma_start3A_167 = arith.constant 0 : i32
          %dma_start3A_168 = tpu.memref_slice %arg10[%dma_start3A_166, %dma_start3A_167] : memref<10240x128xf32, #tpu.memory_space<vmem_shared>> -> memref<10240x128xf32, #tpu.memory_space<vmem_shared>>
          tpu.enqueue_indirect_dma source(%dma_start3A_162 : memref<128x128xf32, #tpu.memory_space<vmem>>) target(%dma_start3A_168 : memref<10240x128xf32, #tpu.memory_space<vmem_shared>>) offsets(%dma_start3A_165 : memref<128xi32, #tpu.memory_space<vmem>>) semaphore(%run_scoped3A_158 : memref<!tpu.dma_semaphore, #tpu.memory_space<semaphore_mem>>) {add = true}
          %dma_wait3A_169 = arith.constant 0 : i32
          %dma_wait3A_170 = arith.constant 0 : i32
          %dma_wait3A_171 = tpu.memref_slice %arg9[%run_scoped3A, %dma_wait3A_169, %dma_wait3A_170] : memref<2x128x128xf32, #tpu.memory_space<vmem>> -> memref<1x128x128xf32, #tpu.memory_space<vmem>>
          %dma_wait3A_172 = tpu.memref_squeeze %dma_wait3A_171 : memref<1x128x128xf32, #tpu.memory_space<vmem>> -> memref<128x128xf32, #tpu.memory_space<vmem>>
          %dma_wait3A_173 = arith.constant 0 : i32
          %dma_wait3A_174 = tpu.memref_slice %arg8[%add3A_112, %dma_wait3A_173] : memref<40x128xi32, #tpu.memory_space<vmem>> -> memref<1x128xi32, #tpu.memory_space<vmem>>
          %dma_wait3A_175 = tpu.memref_squeeze %dma_wait3A_174 : memref<1x128xi32, #tpu.memory_space<vmem>> -> memref<128xi32, #tpu.memory_space<vmem>>
          %dma_wait3A_176 = arith.constant 0 : i32
          %dma_wait3A_177 = arith.constant 0 : i32
          %dma_wait3A_178 = tpu.memref_slice %arg10[%dma_wait3A_176, %dma_wait3A_177] : memref<10240x128xf32, #tpu.memory_space<vmem_shared>> -> memref<10240x128xf32, #tpu.memory_space<vmem_shared>>
          tpu.wait_indirect_dma semaphore(%run_scoped3A_158 : memref<!tpu.dma_semaphore, #tpu.memory_space<semaphore_mem>>) src(%dma_wait3A_172 : memref<128x128xf32, #tpu.memory_space<vmem>>) dst(%dma_wait3A_178 : memref<10240x128xf32, #tpu.memory_space<vmem_shared>>)
          tpu.yield
        }) : () -> ()
        %add3A_127 = arith.constant 2 : i32
        %add3A_128 = arith.addi %add3A_112, %add3A_127 : i32
        %lt3A = arith.constant 40 : i32
        %lt3A_129 = arith.cmpi slt, %add3A_128, %lt3A : i32
        %convert_element_type3A_130 = arith.extui %lt3A_129 : i1 to i32
        %cond3A_131 = arith.constant 0 : i32
        %cond3A_132 = arith.cmpi ne, %convert_element_type3A_130, %cond3A_131 : i32
        scf.if %cond3A_132 {
          %add3A_158 = arith.constant 2 : i32
          %add3A_159 = arith.addi %add3A_112, %add3A_158 : i32
          %dma_start3A_160 = arith.constant 0 : i32
          %dma_start3A_161 = arith.constant 0 : i32
          %dma_start3A_162 = arith.constant 0 : i32
          %dma_start3A_163 = tpu.memref_slice %arg9[%dma_start3A_160, %dma_start3A_161, %dma_start3A_162] : memref<2x128x128xf32, #tpu.memory_space<vmem>> -> memref<1x128x128xf32, #tpu.memory_space<vmem>>
          %dma_start3A_164 = tpu.memref_squeeze %dma_start3A_163 : memref<1x128x128xf32, #tpu.memory_space<vmem>> -> memref<128x128xf32, #tpu.memory_space<vmem>>
          %dma_start3A_165 = arith.constant 0 : i32
          %dma_start3A_166 = tpu.memref_slice %arg7[%add3A_159, %dma_start3A_165] : memref<40x128xi32, #tpu.memory_space<vmem>> -> memref<1x128xi32, #tpu.memory_space<vmem>>
          %dma_start3A_167 = tpu.memref_squeeze %dma_start3A_166 : memref<1x128xi32, #tpu.memory_space<vmem>> -> memref<128xi32, #tpu.memory_space<vmem>>
          %dma_start3A_168 = arith.constant 0 : i32
          %dma_start3A_169 = arith.constant 0 : i32
          %dma_start3A_170 = tpu.memref_slice %arg2[%dma_start3A_168, %dma_start3A_169] : memref<10240x128xf32, #tpu.memory_space<hbm>> -> memref<10240x128xf32, #tpu.memory_space<hbm>>
          tpu.enqueue_indirect_dma source(%dma_start3A_170 : memref<10240x128xf32, #tpu.memory_space<hbm>>) target(%dma_start3A_164 : memref<128x128xf32, #tpu.memory_space<vmem>>) offsets(%dma_start3A_167 : memref<128xi32, #tpu.memory_space<vmem>>) semaphore(%arg11 : memref<!tpu.dma_semaphore, #tpu.memory_space<semaphore_mem>>)
        } else {
        }
        %add3A_133 = arith.constant 1 : i32
        %add3A_134 = arith.addi %mul3A_110, %add3A_133 : i32
        %dma_wait3A_135 = arith.constant 1 : i32
        %dma_wait3A_136 = arith.constant 0 : i32
        %dma_wait3A_137 = arith.constant 0 : i32
        %dma_wait3A_138 = tpu.memref_slice %arg9[%dma_wait3A_135, %dma_wait3A_136, %dma_wait3A_137] : memref<2x128x128xf32, #tpu.memory_space<vmem>> -> memref<1x128x128xf32, #tpu.memory_space<vmem>>
        %dma_wait3A_139 = tpu.memref_squeeze %dma_wait3A_138 : memref<1x128x128xf32, #tpu.memory_space<vmem>> -> memref<128x128xf32, #tpu.memory_space<vmem>>
        %dma_wait3A_140 = arith.constant 0 : i32
        %dma_wait3A_141 = arith.constant 0 : i32
        %dma_wait3A_142 = tpu.memref_slice %arg2[%dma_wait3A_140, %dma_wait3A_141] : memref<10240x128xf32, #tpu.memory_space<hbm>> -> memref<128x128xf32, #tpu.memory_space<hbm>>
        %dma_wait3A_143 = arith.constant 0 : i32
        %dma_wait3A_144 = arith.constant 0 : i32
        %dma_wait3A_145 = tpu.memref_slice %arg9[%dma_wait3A_135, %dma_wait3A_143, %dma_wait3A_144] : memref<2x128x128xf32, #tpu.memory_space<vmem>> -> memref<1x128x128xf32, #tpu.memory_space<vmem>>
        %dma_wait3A_146 = tpu.memref_squeeze %dma_wait3A_145 : memref<1x128x128xf32, #tpu.memory_space<vmem>> -> memref<128x128xf32, #tpu.memory_space<vmem>>
        %dma_wait3A_147 = arith.constant 0 : i32
        %dma_wait3A_148 = arith.constant 0 : i32
        %dma_wait3A_149 = tpu.memref_slice %arg2[%dma_wait3A_147, %dma_wait3A_148] : memref<10240x128xf32, #tpu.memory_space<hbm>> -> memref<128x128xf32, #tpu.memory_space<hbm>>
        tpu.wait_dma2 semaphore(%arg12 : memref<!tpu.dma_semaphore, #tpu.memory_space<semaphore_mem>>) src(%dma_wait3A_149 : memref<128x128xf32, #tpu.memory_space<hbm>>) dst(%dma_wait3A_146 : memref<128x128xf32, #tpu.memory_space<vmem>>)
        %run_scoped3A_150 = arith.constant 1 : i32
        "tpu.region"() ({
          %run_scoped3A_158 = tpu.sem_alloc : memref<!tpu.dma_semaphore, #tpu.memory_space<semaphore_mem>>
          %dma_start3A_159 = arith.constant 0 : i32
          %dma_start3A_160 = arith.constant 0 : i32
          %dma_start3A_161 = tpu.memref_slice %arg9[%run_scoped3A_150, %dma_start3A_159, %dma_start3A_160] : memref<2x128x128xf32, #tpu.memory_space<vmem>> -> memref<1x128x128xf32, #tpu.memory_space<vmem>>
          %dma_start3A_162 = tpu.memref_squeeze %dma_start3A_161 : memref<1x128x128xf32, #tpu.memory_space<vmem>> -> memref<128x128xf32, #tpu.memory_space<vmem>>
          %dma_start3A_163 = arith.constant 0 : i32
          %dma_start3A_164 = tpu.memref_slice %arg8[%add3A_134, %dma_start3A_163] : memref<40x128xi32, #tpu.memory_space<vmem>> -> memref<1x128xi32, #tpu.memory_space<vmem>>
          %dma_start3A_165 = tpu.memref_squeeze %dma_start3A_164 : memref<1x128xi32, #tpu.memory_space<vmem>> -> memref<128xi32, #tpu.memory_space<vmem>>
          %dma_start3A_166 = arith.constant 0 : i32
          %dma_start3A_167 = arith.constant 0 : i32
          %dma_start3A_168 = tpu.memref_slice %arg10[%dma_start3A_166, %dma_start3A_167] : memref<10240x128xf32, #tpu.memory_space<vmem_shared>> -> memref<10240x128xf32, #tpu.memory_space<vmem_shared>>
          tpu.enqueue_indirect_dma source(%dma_start3A_162 : memref<128x128xf32, #tpu.memory_space<vmem>>) target(%dma_start3A_168 : memref<10240x128xf32, #tpu.memory_space<vmem_shared>>) offsets(%dma_start3A_165 : memref<128xi32, #tpu.memory_space<vmem>>) semaphore(%run_scoped3A_158 : memref<!tpu.dma_semaphore, #tpu.memory_space<semaphore_mem>>) {add = true}
          %dma_wait3A_169 = arith.constant 0 : i32
          %dma_wait3A_170 = arith.constant 0 : i32
          %dma_wait3A_171 = tpu.memref_slice %arg9[%run_scoped3A_150, %dma_wait3A_169, %dma_wait3A_170] : memref<2x128x128xf32, #tpu.memory_space<vmem>> -> memref<1x128x128xf32, #tpu.memory_space<vmem>>
          %dma_wait3A_172 = tpu.memref_squeeze %dma_wait3A_171 : memref<1x128x128xf32, #tpu.memory_space<vmem>> -> memref<128x128xf32, #tpu.memory_space<vmem>>
          %dma_wait3A_173 = arith.constant 0 : i32
          %dma_wait3A_174 = tpu.memref_slice %arg8[%add3A_134, %dma_wait3A_173] : memref<40x128xi32, #tpu.memory_space<vmem>> -> memref<1x128xi32, #tpu.memory_space<vmem>>
          %dma_wait3A_175 = tpu.memref_squeeze %dma_wait3A_174 : memref<1x128xi32, #tpu.memory_space<vmem>> -> memref<128xi32, #tpu.memory_space<vmem>>
          %dma_wait3A_176 = arith.constant 0 : i32
          %dma_wait3A_177 = arith.constant 0 : i32
          %dma_wait3A_178 = tpu.memref_slice %arg10[%dma_wait3A_176, %dma_wait3A_177] : memref<10240x128xf32, #tpu.memory_space<vmem_shared>> -> memref<10240x128xf32, #tpu.memory_space<vmem_shared>>
          tpu.wait_indirect_dma semaphore(%run_scoped3A_158 : memref<!tpu.dma_semaphore, #tpu.memory_space<semaphore_mem>>) src(%dma_wait3A_172 : memref<128x128xf32, #tpu.memory_space<vmem>>) dst(%dma_wait3A_178 : memref<10240x128xf32, #tpu.memory_space<vmem_shared>>)
          tpu.yield
        }) : () -> ()
        %add3A_151 = arith.constant 2 : i32
        %add3A_152 = arith.addi %add3A_134, %add3A_151 : i32
        %lt3A_153 = arith.constant 40 : i32
        %lt3A_154 = arith.cmpi slt, %add3A_152, %lt3A_153 : i32
        %convert_element_type3A_155 = arith.extui %lt3A_154 : i1 to i32
        %cond3A_156 = arith.constant 0 : i32
        %cond3A_157 = arith.cmpi ne, %convert_element_type3A_155, %cond3A_156 : i32
        scf.if %cond3A_157 {
          %add3A_158 = arith.constant 2 : i32
          %add3A_159 = arith.addi %add3A_134, %add3A_158 : i32
          %dma_start3A_160 = arith.constant 1 : i32
          %dma_start3A_161 = arith.constant 0 : i32
          %dma_start3A_162 = arith.constant 0 : i32
          %dma_start3A_163 = tpu.memref_slice %arg9[%dma_start3A_160, %dma_start3A_161, %dma_start3A_162] : memref<2x128x128xf32, #tpu.memory_space<vmem>> -> memref<1x128x128xf32, #tpu.memory_space<vmem>>
          %dma_start3A_164 = tpu.memref_squeeze %dma_start3A_163 : memref<1x128x128xf32, #tpu.memory_space<vmem>> -> memref<128x128xf32, #tpu.memory_space<vmem>>
          %dma_start3A_165 = arith.constant 0 : i32
          %dma_start3A_166 = tpu.memref_slice %arg7[%add3A_159, %dma_start3A_165] : memref<40x128xi32, #tpu.memory_space<vmem>> -> memref<1x128xi32, #tpu.memory_space<vmem>>
          %dma_start3A_167 = tpu.memref_squeeze %dma_start3A_166 : memref<1x128xi32, #tpu.memory_space<vmem>> -> memref<128xi32, #tpu.memory_space<vmem>>
          %dma_start3A_168 = arith.constant 0 : i32
          %dma_start3A_169 = arith.constant 0 : i32
          %dma_start3A_170 = tpu.memref_slice %arg2[%dma_start3A_168, %dma_start3A_169] : memref<10240x128xf32, #tpu.memory_space<hbm>> -> memref<10240x128xf32, #tpu.memory_space<hbm>>
          tpu.enqueue_indirect_dma source(%dma_start3A_170 : memref<10240x128xf32, #tpu.memory_space<hbm>>) target(%dma_start3A_164 : memref<128x128xf32, #tpu.memory_space<vmem>>) offsets(%dma_start3A_167 : memref<128xi32, #tpu.memory_space<vmem>>) semaphore(%arg12 : memref<!tpu.dma_semaphore, #tpu.memory_space<semaphore_mem>>)
        } else {
        }
      }
      %scan3A_107 = arith.constant 20 : i32
    } else {
    }
    %eq3A_3 = arith.constant 1 : i32
    %eq3A_4 = arith.cmpi eq, %arg0, %eq3A_3 : i32
    %convert_element_type3A_5 = arith.extui %eq3A_4 : i1 to i32
    %cond3A_6 = arith.constant 0 : i32
    %cond3A_7 = arith.cmpi ne, %convert_element_type3A_5, %cond3A_6 : i32
    scf.if %cond3A_7 {
      %mul3A_9 = arith.constant 40 : i32
      %mul3A_10 = arith.muli %arg1, %mul3A_9 : i32
      %add3A = arith.constant 1920 : i32
      %add3A_11 = arith.addi %add3A, %mul3A_10 : i32
      %add3A_12 = arith.constant 0 : i32
      %add3A_13 = arith.addi %add3A_11, %add3A_12 : i32
      "tpu.region"() ({
        %run_scoped3A = tpu.sem_alloc : memref<!tpu.dma_semaphore, #tpu.memory_space<semaphore_mem>>
        %dma_start3A_42 = arith.constant 0 : i32
        %dma_start3A_43 = tpu.memref_slice %arg3[%add3A_13, %dma_start3A_42] : memref<2560x128xi32, #tpu.memory_space<hbm>> -> memref<40x128xi32, #tpu.memory_space<hbm>>
        %dma_start3A_44 = arith.constant 0 : i32
        %dma_start3A_45 = tpu.memref_slice %arg3[%add3A_13, %dma_start3A_44] : memref<2560x128xi32, #tpu.memory_space<hbm>> -> memref<40x128xi32, #tpu.memory_space<hbm>>
        tpu.enqueue_dma source(%dma_start3A_45 : memref<40x128xi32, #tpu.memory_space<hbm>>) target(%arg7 : memref<40x128xi32, #tpu.memory_space<vmem>>) target_semaphore(%run_scoped3A : memref<!tpu.dma_semaphore, #tpu.memory_space<semaphore_mem>>)
        %dma_wait3A = arith.constant 0 : i32
        %dma_wait3A_46 = tpu.memref_slice %arg3[%add3A_13, %dma_wait3A] : memref<2560x128xi32, #tpu.memory_space<hbm>> -> memref<40x128xi32, #tpu.memory_space<hbm>>
        %dma_wait3A_47 = arith.constant 0 : i32
        %dma_wait3A_48 = tpu.memref_slice %arg3[%add3A_13, %dma_wait3A_47] : memref<2560x128xi32, #tpu.memory_space<hbm>> -> memref<40x128xi32, #tpu.memory_space<hbm>>
        tpu.wait_dma2 semaphore(%run_scoped3A : memref<!tpu.dma_semaphore, #tpu.memory_space<semaphore_mem>>) src(%dma_wait3A_48 : memref<40x128xi32, #tpu.memory_space<hbm>>) dst(%arg7 : memref<40x128xi32, #tpu.memory_space<vmem>>)
        tpu.yield
      }) : () -> ()
      "tpu.region"() ({
        %run_scoped3A = tpu.sem_alloc : memref<!tpu.dma_semaphore, #tpu.memory_space<semaphore_mem>>
        %dma_start3A_42 = arith.constant 0 : i32
        %dma_start3A_43 = tpu.memref_slice %arg4[%add3A_13, %dma_start3A_42] : memref<2560x128xi32, #tpu.memory_space<hbm>> -> memref<40x128xi32, #tpu.memory_space<hbm>>
        %dma_start3A_44 = arith.constant 0 : i32
        %dma_start3A_45 = tpu.memref_slice %arg4[%add3A_13, %dma_start3A_44] : memref<2560x128xi32, #tpu.memory_space<hbm>> -> memref<40x128xi32, #tpu.memory_space<hbm>>
        tpu.enqueue_dma source(%dma_start3A_45 : memref<40x128xi32, #tpu.memory_space<hbm>>) target(%arg8 : memref<40x128xi32, #tpu.memory_space<vmem>>) target_semaphore(%run_scoped3A : memref<!tpu.dma_semaphore, #tpu.memory_space<semaphore_mem>>)
        %dma_wait3A = arith.constant 0 : i32
        %dma_wait3A_46 = tpu.memref_slice %arg4[%add3A_13, %dma_wait3A] : memref<2560x128xi32, #tpu.memory_space<hbm>> -> memref<40x128xi32, #tpu.memory_space<hbm>>
        %dma_wait3A_47 = arith.constant 0 : i32
        %dma_wait3A_48 = tpu.memref_slice %arg4[%add3A_13, %dma_wait3A_47] : memref<2560x128xi32, #tpu.memory_space<hbm>> -> memref<40x128xi32, #tpu.memory_space<hbm>>
        tpu.wait_dma2 semaphore(%run_scoped3A : memref<!tpu.dma_semaphore, #tpu.memory_space<semaphore_mem>>) src(%dma_wait3A_48 : memref<40x128xi32, #tpu.memory_space<hbm>>) dst(%arg8 : memref<40x128xi32, #tpu.memory_space<vmem>>)
        tpu.yield
      }) : () -> ()
      %dma_start3A = arith.constant 0 : i32
      %dma_start3A_14 = arith.constant 0 : i32
      %dma_start3A_15 = arith.constant 0 : i32
      %dma_start3A_16 = arith.constant 0 : i32
      %dma_start3A_17 = tpu.memref_slice %arg9[%dma_start3A_14, %dma_start3A_15, %dma_start3A_16] : memref<2x128x128xf32, #tpu.memory_space<vmem>> -> memref<1x128x128xf32, #tpu.memory_space<vmem>>
      %dma_start3A_18 = tpu.memref_squeeze %dma_start3A_17 : memref<1x128x128xf32, #tpu.memory_space<vmem>> -> memref<128x128xf32, #tpu.memory_space<vmem>>
      %dma_start3A_19 = arith.constant 0 : i32
      %dma_start3A_20 = tpu.memref_slice %arg7[%dma_start3A, %dma_start3A_19] : memref<40x128xi32, #tpu.memory_space<vmem>> -> memref<1x128xi32, #tpu.memory_space<vmem>>
      %dma_start3A_21 = tpu.memref_squeeze %dma_start3A_20 : memref<1x128xi32, #tpu.memory_space<vmem>> -> memref<128xi32, #tpu.memory_space<vmem>>
      %dma_start3A_22 = arith.constant 0 : i32
      %dma_start3A_23 = arith.constant 0 : i32
      %dma_start3A_24 = tpu.memref_slice %arg2[%dma_start3A_22, %dma_start3A_23] : memref<10240x128xf32, #tpu.memory_space<hbm>> -> memref<10240x128xf32, #tpu.memory_space<hbm>>
      tpu.enqueue_indirect_dma source(%dma_start3A_24 : memref<10240x128xf32, #tpu.memory_space<hbm>>) target(%dma_start3A_18 : memref<128x128xf32, #tpu.memory_space<vmem>>) offsets(%dma_start3A_21 : memref<128xi32, #tpu.memory_space<vmem>>) semaphore(%arg11 : memref<!tpu.dma_semaphore, #tpu.memory_space<semaphore_mem>>)
      %dma_start3A_25 = arith.constant 1 : i32
      %dma_start3A_26 = arith.constant 1 : i32
      %dma_start3A_27 = arith.constant 0 : i32
      %dma_start3A_28 = arith.constant 0 : i32
      %dma_start3A_29 = tpu.memref_slice %arg9[%dma_start3A_26, %dma_start3A_27, %dma_start3A_28] : memref<2x128x128xf32, #tpu.memory_space<vmem>> -> memref<1x128x128xf32, #tpu.memory_space<vmem>>
      %dma_start3A_30 = tpu.memref_squeeze %dma_start3A_29 : memref<1x128x128xf32, #tpu.memory_space<vmem>> -> memref<128x128xf32, #tpu.memory_space<vmem>>
      %dma_start3A_31 = arith.constant 0 : i32
      %dma_start3A_32 = tpu.memref_slice %arg7[%dma_start3A_25, %dma_start3A_31] : memref<40x128xi32, #tpu.memory_space<vmem>> -> memref<1x128xi32, #tpu.memory_space<vmem>>
      %dma_start3A_33 = tpu.memref_squeeze %dma_start3A_32 : memref<1x128xi32, #tpu.memory_space<vmem>> -> memref<128xi32, #tpu.memory_space<vmem>>
      %dma_start3A_34 = arith.constant 0 : i32
      %dma_start3A_35 = arith.constant 0 : i32
      %dma_start3A_36 = tpu.memref_slice %arg2[%dma_start3A_34, %dma_start3A_35] : memref<10240x128xf32, #tpu.memory_space<hbm>> -> memref<10240x128xf32, #tpu.memory_space<hbm>>
      tpu.enqueue_indirect_dma source(%dma_start3A_36 : memref<10240x128xf32, #tpu.memory_space<hbm>>) target(%dma_start3A_30 : memref<128x128xf32, #tpu.memory_space<vmem>>) offsets(%dma_start3A_33 : memref<128xi32, #tpu.memory_space<vmem>>) semaphore(%arg12 : memref<!tpu.dma_semaphore, #tpu.memory_space<semaphore_mem>>)
      %scan3A = arith.constant 0 : i32
      %scan3A_37 = arith.constant 0 : i32
      %scan3A_38 = arith.constant 20 : i32
      %scan3A_39 = arith.addi %scan3A_37, %scan3A_38 : i32
      %scan3A_40 = arith.constant 1 : i32
      scf.for %scan3A_42 = %scan3A_37 to %scan3A_39 step %scan3A_40  : i32 {
        %mul3A_43 = arith.constant 2 : i32
        %mul3A_44 = arith.muli %scan3A_42, %mul3A_43 : i32
        %add3A_45 = arith.constant 0 : i32
        %add3A_46 = arith.addi %mul3A_44, %add3A_45 : i32
        %dma_wait3A = arith.constant 0 : i32
        %dma_wait3A_47 = arith.constant 0 : i32
        %dma_wait3A_48 = arith.constant 0 : i32
        %dma_wait3A_49 = tpu.memref_slice %arg9[%dma_wait3A, %dma_wait3A_47, %dma_wait3A_48] : memref<2x128x128xf32, #tpu.memory_space<vmem>> -> memref<1x128x128xf32, #tpu.memory_space<vmem>>
        %dma_wait3A_50 = tpu.memref_squeeze %dma_wait3A_49 : memref<1x128x128xf32, #tpu.memory_space<vmem>> -> memref<128x128xf32, #tpu.memory_space<vmem>>
        %dma_wait3A_51 = arith.constant 0 : i32
        %dma_wait3A_52 = arith.constant 0 : i32
        %dma_wait3A_53 = tpu.memref_slice %arg2[%dma_wait3A_51, %dma_wait3A_52] : memref<10240x128xf32, #tpu.memory_space<hbm>> -> memref<128x128xf32, #tpu.memory_space<hbm>>
        %dma_wait3A_54 = arith.constant 0 : i32
        %dma_wait3A_55 = arith.constant 0 : i32
        %dma_wait3A_56 = tpu.memref_slice %arg9[%dma_wait3A, %dma_wait3A_54, %dma_wait3A_55] : memref<2x128x128xf32, #tpu.memory_space<vmem>> -> memref<1x128x128xf32, #tpu.memory_space<vmem>>
        %dma_wait3A_57 = tpu.memref_squeeze %dma_wait3A_56 : memref<1x128x128xf32, #tpu.memory_space<vmem>> -> memref<128x128xf32, #tpu.memory_space<vmem>>
        %dma_wait3A_58 = arith.constant 0 : i32
        %dma_wait3A_59 = arith.constant 0 : i32
        %dma_wait3A_60 = tpu.memref_slice %arg2[%dma_wait3A_58, %dma_wait3A_59] : memref<10240x128xf32, #tpu.memory_space<hbm>> -> memref<128x128xf32, #tpu.memory_space<hbm>>
        tpu.wait_dma2 semaphore(%arg11 : memref<!tpu.dma_semaphore, #tpu.memory_space<semaphore_mem>>) src(%dma_wait3A_60 : memref<128x128xf32, #tpu.memory_space<hbm>>) dst(%dma_wait3A_57 : memref<128x128xf32, #tpu.memory_space<vmem>>)
        %run_scoped3A = arith.constant 0 : i32
        "tpu.region"() ({
          %run_scoped3A_92 = tpu.sem_alloc : memref<!tpu.dma_semaphore, #tpu.memory_space<semaphore_mem>>
          %dma_start3A_93 = arith.constant 0 : i32
          %dma_start3A_94 = arith.constant 0 : i32
          %dma_start3A_95 = tpu.memref_slice %arg9[%run_scoped3A, %dma_start3A_93, %dma_start3A_94] : memref<2x128x128xf32, #tpu.memory_space<vmem>> -> memref<1x128x128xf32, #tpu.memory_space<vmem>>
          %dma_start3A_96 = tpu.memref_squeeze %dma_start3A_95 : memref<1x128x128xf32, #tpu.memory_space<vmem>> -> memref<128x128xf32, #tpu.memory_space<vmem>>
          %dma_start3A_97 = arith.constant 0 : i32
          %dma_start3A_98 = tpu.memref_slice %arg8[%add3A_46, %dma_start3A_97] : memref<40x128xi32, #tpu.memory_space<vmem>> -> memref<1x128xi32, #tpu.memory_space<vmem>>
          %dma_start3A_99 = tpu.memref_squeeze %dma_start3A_98 : memref<1x128xi32, #tpu.memory_space<vmem>> -> memref<128xi32, #tpu.memory_space<vmem>>
          %dma_start3A_100 = arith.constant 0 : i32
          %dma_start3A_101 = arith.constant 0 : i32
          %dma_start3A_102 = tpu.memref_slice %arg10[%dma_start3A_100, %dma_start3A_101] : memref<10240x128xf32, #tpu.memory_space<vmem_shared>> -> memref<10240x128xf32, #tpu.memory_space<vmem_shared>>
          tpu.enqueue_indirect_dma source(%dma_start3A_96 : memref<128x128xf32, #tpu.memory_space<vmem>>) target(%dma_start3A_102 : memref<10240x128xf32, #tpu.memory_space<vmem_shared>>) offsets(%dma_start3A_99 : memref<128xi32, #tpu.memory_space<vmem>>) semaphore(%run_scoped3A_92 : memref<!tpu.dma_semaphore, #tpu.memory_space<semaphore_mem>>) {add = true}
          %dma_wait3A_103 = arith.constant 0 : i32
          %dma_wait3A_104 = arith.constant 0 : i32
          %dma_wait3A_105 = tpu.memref_slice %arg9[%run_scoped3A, %dma_wait3A_103, %dma_wait3A_104] : memref<2x128x128xf32, #tpu.memory_space<vmem>> -> memref<1x128x128xf32, #tpu.memory_space<vmem>>
          %dma_wait3A_106 = tpu.memref_squeeze %dma_wait3A_105 : memref<1x128x128xf32, #tpu.memory_space<vmem>> -> memref<128x128xf32, #tpu.memory_space<vmem>>
          %dma_wait3A_107 = arith.constant 0 : i32
          %dma_wait3A_108 = tpu.memref_slice %arg8[%add3A_46, %dma_wait3A_107] : memref<40x128xi32, #tpu.memory_space<vmem>> -> memref<1x128xi32, #tpu.memory_space<vmem>>
          %dma_wait3A_109 = tpu.memref_squeeze %dma_wait3A_108 : memref<1x128xi32, #tpu.memory_space<vmem>> -> memref<128xi32, #tpu.memory_space<vmem>>
          %dma_wait3A_110 = arith.constant 0 : i32
          %dma_wait3A_111 = arith.constant 0 : i32
          %dma_wait3A_112 = tpu.memref_slice %arg10[%dma_wait3A_110, %dma_wait3A_111] : memref<10240x128xf32, #tpu.memory_space<vmem_shared>> -> memref<10240x128xf32, #tpu.memory_space<vmem_shared>>
          tpu.wait_indirect_dma semaphore(%run_scoped3A_92 : memref<!tpu.dma_semaphore, #tpu.memory_space<semaphore_mem>>) src(%dma_wait3A_106 : memref<128x128xf32, #tpu.memory_space<vmem>>) dst(%dma_wait3A_112 : memref<10240x128xf32, #tpu.memory_space<vmem_shared>>)
          tpu.yield
        }) : () -> ()
        %add3A_61 = arith.constant 2 : i32
        %add3A_62 = arith.addi %add3A_46, %add3A_61 : i32
        %lt3A = arith.constant 40 : i32
        %lt3A_63 = arith.cmpi slt, %add3A_62, %lt3A : i32
        %convert_element_type3A_64 = arith.extui %lt3A_63 : i1 to i32
        %cond3A_65 = arith.constant 0 : i32
        %cond3A_66 = arith.cmpi ne, %convert_element_type3A_64, %cond3A_65 : i32
        scf.if %cond3A_66 {
          %add3A_92 = arith.constant 2 : i32
          %add3A_93 = arith.addi %add3A_46, %add3A_92 : i32
          %dma_start3A_94 = arith.constant 0 : i32
          %dma_start3A_95 = arith.constant 0 : i32
          %dma_start3A_96 = arith.constant 0 : i32
          %dma_start3A_97 = tpu.memref_slice %arg9[%dma_start3A_94, %dma_start3A_95, %dma_start3A_96] : memref<2x128x128xf32, #tpu.memory_space<vmem>> -> memref<1x128x128xf32, #tpu.memory_space<vmem>>
          %dma_start3A_98 = tpu.memref_squeeze %dma_start3A_97 : memref<1x128x128xf32, #tpu.memory_space<vmem>> -> memref<128x128xf32, #tpu.memory_space<vmem>>
          %dma_start3A_99 = arith.constant 0 : i32
          %dma_start3A_100 = tpu.memref_slice %arg7[%add3A_93, %dma_start3A_99] : memref<40x128xi32, #tpu.memory_space<vmem>> -> memref<1x128xi32, #tpu.memory_space<vmem>>
          %dma_start3A_101 = tpu.memref_squeeze %dma_start3A_100 : memref<1x128xi32, #tpu.memory_space<vmem>> -> memref<128xi32, #tpu.memory_space<vmem>>
          %dma_start3A_102 = arith.constant 0 : i32
          %dma_start3A_103 = arith.constant 0 : i32
          %dma_start3A_104 = tpu.memref_slice %arg2[%dma_start3A_102, %dma_start3A_103] : memref<10240x128xf32, #tpu.memory_space<hbm>> -> memref<10240x128xf32, #tpu.memory_space<hbm>>
          tpu.enqueue_indirect_dma source(%dma_start3A_104 : memref<10240x128xf32, #tpu.memory_space<hbm>>) target(%dma_start3A_98 : memref<128x128xf32, #tpu.memory_space<vmem>>) offsets(%dma_start3A_101 : memref<128xi32, #tpu.memory_space<vmem>>) semaphore(%arg11 : memref<!tpu.dma_semaphore, #tpu.memory_space<semaphore_mem>>)
        } else {
        }
        %add3A_67 = arith.constant 1 : i32
        %add3A_68 = arith.addi %mul3A_44, %add3A_67 : i32
        %dma_wait3A_69 = arith.constant 1 : i32
        %dma_wait3A_70 = arith.constant 0 : i32
        %dma_wait3A_71 = arith.constant 0 : i32
        %dma_wait3A_72 = tpu.memref_slice %arg9[%dma_wait3A_69, %dma_wait3A_70, %dma_wait3A_71] : memref<2x128x128xf32, #tpu.memory_space<vmem>> -> memref<1x128x128xf32, #tpu.memory_space<vmem>>
        %dma_wait3A_73 = tpu.memref_squeeze %dma_wait3A_72 : memref<1x128x128xf32, #tpu.memory_space<vmem>> -> memref<128x128xf32, #tpu.memory_space<vmem>>
        %dma_wait3A_74 = arith.constant 0 : i32
        %dma_wait3A_75 = arith.constant 0 : i32
        %dma_wait3A_76 = tpu.memref_slice %arg2[%dma_wait3A_74, %dma_wait3A_75] : memref<10240x128xf32, #tpu.memory_space<hbm>> -> memref<128x128xf32, #tpu.memory_space<hbm>>
        %dma_wait3A_77 = arith.constant 0 : i32
        %dma_wait3A_78 = arith.constant 0 : i32
        %dma_wait3A_79 = tpu.memref_slice %arg9[%dma_wait3A_69, %dma_wait3A_77, %dma_wait3A_78] : memref<2x128x128xf32, #tpu.memory_space<vmem>> -> memref<1x128x128xf32, #tpu.memory_space<vmem>>
        %dma_wait3A_80 = tpu.memref_squeeze %dma_wait3A_79 : memref<1x128x128xf32, #tpu.memory_space<vmem>> -> memref<128x128xf32, #tpu.memory_space<vmem>>
        %dma_wait3A_81 = arith.constant 0 : i32
        %dma_wait3A_82 = arith.constant 0 : i32
        %dma_wait3A_83 = tpu.memref_slice %arg2[%dma_wait3A_81, %dma_wait3A_82] : memref<10240x128xf32, #tpu.memory_space<hbm>> -> memref<128x128xf32, #tpu.memory_space<hbm>>
        tpu.wait_dma2 semaphore(%arg12 : memref<!tpu.dma_semaphore, #tpu.memory_space<semaphore_mem>>) src(%dma_wait3A_83 : memref<128x128xf32, #tpu.memory_space<hbm>>) dst(%dma_wait3A_80 : memref<128x128xf32, #tpu.memory_space<vmem>>)
        %run_scoped3A_84 = arith.constant 1 : i32
        "tpu.region"() ({
          %run_scoped3A_92 = tpu.sem_alloc : memref<!tpu.dma_semaphore, #tpu.memory_space<semaphore_mem>>
          %dma_start3A_93 = arith.constant 0 : i32
          %dma_start3A_94 = arith.constant 0 : i32
          %dma_start3A_95 = tpu.memref_slice %arg9[%run_scoped3A_84, %dma_start3A_93, %dma_start3A_94] : memref<2x128x128xf32, #tpu.memory_space<vmem>> -> memref<1x128x128xf32, #tpu.memory_space<vmem>>
          %dma_start3A_96 = tpu.memref_squeeze %dma_start3A_95 : memref<1x128x128xf32, #tpu.memory_space<vmem>> -> memref<128x128xf32, #tpu.memory_space<vmem>>
          %dma_start3A_97 = arith.constant 0 : i32
          %dma_start3A_98 = tpu.memref_slice %arg8[%add3A_68, %dma_start3A_97] : memref<40x128xi32, #tpu.memory_space<vmem>> -> memref<1x128xi32, #tpu.memory_space<vmem>>
          %dma_start3A_99 = tpu.memref_squeeze %dma_start3A_98 : memref<1x128xi32, #tpu.memory_space<vmem>> -> memref<128xi32, #tpu.memory_space<vmem>>
          %dma_start3A_100 = arith.constant 0 : i32
          %dma_start3A_101 = arith.constant 0 : i32
          %dma_start3A_102 = tpu.memref_slice %arg10[%dma_start3A_100, %dma_start3A_101] : memref<10240x128xf32, #tpu.memory_space<vmem_shared>> -> memref<10240x128xf32, #tpu.memory_space<vmem_shared>>
          tpu.enqueue_indirect_dma source(%dma_start3A_96 : memref<128x128xf32, #tpu.memory_space<vmem>>) target(%dma_start3A_102 : memref<10240x128xf32, #tpu.memory_space<vmem_shared>>) offsets(%dma_start3A_99 : memref<128xi32, #tpu.memory_space<vmem>>) semaphore(%run_scoped3A_92 : memref<!tpu.dma_semaphore, #tpu.memory_space<semaphore_mem>>) {add = true}
          %dma_wait3A_103 = arith.constant 0 : i32
          %dma_wait3A_104 = arith.constant 0 : i32
          %dma_wait3A_105 = tpu.memref_slice %arg9[%run_scoped3A_84, %dma_wait3A_103, %dma_wait3A_104] : memref<2x128x128xf32, #tpu.memory_space<vmem>> -> memref<1x128x128xf32, #tpu.memory_space<vmem>>
          %dma_wait3A_106 = tpu.memref_squeeze %dma_wait3A_105 : memref<1x128x128xf32, #tpu.memory_space<vmem>> -> memref<128x128xf32, #tpu.memory_space<vmem>>
          %dma_wait3A_107 = arith.constant 0 : i32
          %dma_wait3A_108 = tpu.memref_slice %arg8[%add3A_68, %dma_wait3A_107] : memref<40x128xi32, #tpu.memory_space<vmem>> -> memref<1x128xi32, #tpu.memory_space<vmem>>
          %dma_wait3A_109 = tpu.memref_squeeze %dma_wait3A_108 : memref<1x128xi32, #tpu.memory_space<vmem>> -> memref<128xi32, #tpu.memory_space<vmem>>
          %dma_wait3A_110 = arith.constant 0 : i32
          %dma_wait3A_111 = arith.constant 0 : i32
          %dma_wait3A_112 = tpu.memref_slice %arg10[%dma_wait3A_110, %dma_wait3A_111] : memref<10240x128xf32, #tpu.memory_space<vmem_shared>> -> memref<10240x128xf32, #tpu.memory_space<vmem_shared>>
          tpu.wait_indirect_dma semaphore(%run_scoped3A_92 : memref<!tpu.dma_semaphore, #tpu.memory_space<semaphore_mem>>) src(%dma_wait3A_106 : memref<128x128xf32, #tpu.memory_space<vmem>>) dst(%dma_wait3A_112 : memref<10240x128xf32, #tpu.memory_space<vmem_shared>>)
          tpu.yield
        }) : () -> ()
        %add3A_85 = arith.constant 2 : i32
        %add3A_86 = arith.addi %add3A_68, %add3A_85 : i32
        %lt3A_87 = arith.constant 40 : i32
        %lt3A_88 = arith.cmpi slt, %add3A_86, %lt3A_87 : i32
        %convert_element_type3A_89 = arith.extui %lt3A_88 : i1 to i32
        %cond3A_90 = arith.constant 0 : i32
        %cond3A_91 = arith.cmpi ne, %convert_element_type3A_89, %cond3A_90 : i32
        scf.if %cond3A_91 {
          %add3A_92 = arith.constant 2 : i32
          %add3A_93 = arith.addi %add3A_68, %add3A_92 : i32
          %dma_start3A_94 = arith.constant 1 : i32
          %dma_start3A_95 = arith.constant 0 : i32
          %dma_start3A_96 = arith.constant 0 : i32
          %dma_start3A_97 = tpu.memref_slice %arg9[%dma_start3A_94, %dma_start3A_95, %dma_start3A_96] : memref<2x128x128xf32, #tpu.memory_space<vmem>> -> memref<1x128x128xf32, #tpu.memory_space<vmem>>
          %dma_start3A_98 = tpu.memref_squeeze %dma_start3A_97 : memref<1x128x128xf32, #tpu.memory_space<vmem>> -> memref<128x128xf32, #tpu.memory_space<vmem>>
          %dma_start3A_99 = arith.constant 0 : i32
          %dma_start3A_100 = tpu.memref_slice %arg7[%add3A_93, %dma_start3A_99] : memref<40x128xi32, #tpu.memory_space<vmem>> -> memref<1x128xi32, #tpu.memory_space<vmem>>
          %dma_start3A_101 = tpu.memref_squeeze %dma_start3A_100 : memref<1x128xi32, #tpu.memory_space<vmem>> -> memref<128xi32, #tpu.memory_space<vmem>>
          %dma_start3A_102 = arith.constant 0 : i32
          %dma_start3A_103 = arith.constant 0 : i32
          %dma_start3A_104 = tpu.memref_slice %arg2[%dma_start3A_102, %dma_start3A_103] : memref<10240x128xf32, #tpu.memory_space<hbm>> -> memref<10240x128xf32, #tpu.memory_space<hbm>>
          tpu.enqueue_indirect_dma source(%dma_start3A_104 : memref<10240x128xf32, #tpu.memory_space<hbm>>) target(%dma_start3A_98 : memref<128x128xf32, #tpu.memory_space<vmem>>) offsets(%dma_start3A_101 : memref<128xi32, #tpu.memory_space<vmem>>) semaphore(%arg12 : memref<!tpu.dma_semaphore, #tpu.memory_space<semaphore_mem>>)
        } else {
        }
      }
      %scan3A_41 = arith.constant 20 : i32
    } else {
    }
    %barrier3A_8 = arith.constant 0 : index
    tpu.barrier barrier_id(%barrier3A_8)
    "tpu.region"() ({
      %run_scoped3A = tpu.sem_alloc : memref<!tpu.dma_semaphore, #tpu.memory_space<semaphore_mem>>
      %dma_start3A = arith.constant 0 : i32
      %dma_start3A_9 = tpu.memref_slice %arg6[%arg0, %mul3A_0, %dma_start3A] : memref<2x10240x128xf32, #tpu.memory_space<hbm>> -> memref<1x640x128xf32, #tpu.memory_space<hbm>>
      %dma_start3A_10 = tpu.memref_squeeze %dma_start3A_9 : memref<1x640x128xf32, #tpu.memory_space<hbm>> -> memref<640x128xf32, #tpu.memory_space<hbm>>
      %dma_start3A_11 = arith.constant 0 : i32
      %dma_start3A_12 = tpu.memref_slice %arg10[%mul3A_0, %dma_start3A_11] : memref<10240x128xf32, #tpu.memory_space<vmem_shared>> -> memref<640x128xf32, #tpu.memory_space<vmem_shared>>
      tpu.enqueue_dma source(%dma_start3A_12 : memref<640x128xf32, #tpu.memory_space<vmem_shared>>) target(%dma_start3A_10 : memref<640x128xf32, #tpu.memory_space<hbm>>) target_semaphore(%run_scoped3A : memref<!tpu.dma_semaphore, #tpu.memory_space<semaphore_mem>>)
      %dma_wait3A = arith.constant 0 : i32
      %dma_wait3A_13 = tpu.memref_slice %arg6[%arg0, %mul3A_0, %dma_wait3A] : memref<2x10240x128xf32, #tpu.memory_space<hbm>> -> memref<1x640x128xf32, #tpu.memory_space<hbm>>
      %dma_wait3A_14 = tpu.memref_squeeze %dma_wait3A_13 : memref<1x640x128xf32, #tpu.memory_space<hbm>> -> memref<640x128xf32, #tpu.memory_space<hbm>>
      %dma_wait3A_15 = arith.constant 0 : i32
      %dma_wait3A_16 = tpu.memref_slice %arg10[%mul3A_0, %dma_wait3A_15] : memref<10240x128xf32, #tpu.memory_space<vmem_shared>> -> memref<640x128xf32, #tpu.memory_space<vmem_shared>>
      tpu.wait_dma2 semaphore(%run_scoped3A : memref<!tpu.dma_semaphore, #tpu.memory_space<semaphore_mem>>) src(%dma_wait3A_16 : memref<640x128xf32, #tpu.memory_space<vmem_shared>>) dst(%dma_wait3A_14 : memref<640x128xf32, #tpu.memory_space<hbm>>)
      tpu.yield
    }) : () -> ()
    return
  }
}

module attributes {stable_mosaic.version = 14 : i64} {
  func.func @_tc1_body(%arg0: i32, %arg1: memref<2x512x128xf32, #tpu.memory_space<vmem>>, %arg2: memref<512x128xf32, #tpu.memory_space<vmem>>, %arg3: memref<128x128xf32, #tpu.memory_space<vmem>>, %arg4: memref<512x128xf32, #tpu.memory_space<vmem>>) attributes {dimension_semantics = [#tpu.dimension_semantics<arbitrary>], iteration_bounds = array<i64: 20>, scalar_prefetch = 0 : i64, scratch_operands = 0 : i64, tpu.core_type = #tpu.core_type<tc>, window_params = [{transform_indices = @transform_0, window_bounds = array<i64: 2, 512, 128>}, {transform_indices = @transform_1, window_bounds = array<i64: 512, 128>}, {pipeline_mode = #tpu.pipeline_mode<synchronous>, transform_indices = @transform_2, window_bounds = array<i64: 128, 128>}, {transform_indices = @transform_3, window_bounds = array<i64: 512, 128>}]} {
    %get3A = arith.constant 0 : index
    %get3A_0 = arith.constant 0 : index
    %get3A_1 = arith.constant 0 : index
    %get3A_2 = vector.load %arg1[%get3A, %get3A_0, %get3A_1] : memref<2x512x128xf32, #tpu.memory_space<vmem>>, vector<1x512x1xf32>
    %get3A_3 = vector.shape_cast %get3A_2 : vector<1x512x1xf32> to vector<512x1xf32>
    %get3A_4 = arith.constant 1 : index
    %get3A_5 = arith.constant 0 : index
    %get3A_6 = arith.constant 0 : index
    %get3A_7 = vector.load %arg1[%get3A_4, %get3A_5, %get3A_6] : memref<2x512x128xf32, #tpu.memory_space<vmem>>, vector<1x512x1xf32>
    %get3A_8 = vector.shape_cast %get3A_7 : vector<1x512x1xf32> to vector<512x1xf32>
    %add3A = arith.addf %get3A_3, %get3A_8 : vector<512x1xf32>
    %add3A_9 = arith.constant 1.000000e+00 : f32
    %add3A_10 = vector.broadcast %add3A_9 : f32 to vector<512x1xf32>
    %add3A_11 = arith.addf %add3A, %add3A_10 : vector<512x1xf32>
    %rsqrt3A = math.rsqrt %add3A_11 : vector<512x1xf32>
    %get3A_12 = arith.constant 0 : index
    %get3A_13 = arith.constant 0 : index
    %get3A_14 = vector.load %arg2[%get3A_12, %get3A_13] : memref<512x128xf32, #tpu.memory_space<vmem>>, vector<512x128xf32>
    %get3A_15 = arith.constant 0 : index
    %get3A_16 = arith.constant 0 : index
    %get3A_17 = vector.load %arg3[%get3A_15, %get3A_16] : memref<128x128xf32, #tpu.memory_space<vmem>>, vector<128x128xf32>
    %dot_general3A = arith.constant dense<0.000000e+00> : vector<512x128xf32>
    %dot_general3A_18 = tpu.matmul %get3A_14, %get3A_17, %dot_general3A {dimension_numbers = #tpu.dot_dimension_numbers<[1], [0], [0], [1], [0, 0, 1, 1], [], []>, transpose_lhs_hint = false} : vector<512x128xf32>, vector<128x128xf32>, vector<512x128xf32> -> vector<512x128xf32>
    %mul3A = vector.broadcast %rsqrt3A : vector<512x1xf32> to vector<512x128xf32>
    %mul3A_19 = arith.mulf %dot_general3A_18, %mul3A : vector<512x128xf32>
    %swap3A = arith.constant 0 : index
    %swap3A_20 = arith.constant 0 : index
    %swap3A_21 = vector.load %arg4[%swap3A, %swap3A_20] : memref<512x128xf32, #tpu.memory_space<vmem>>, vector<512x128xf32>
    tpu.vector_store %arg4[%swap3A, %swap3A_20], %mul3A_19 {strides = array<i32>} : memref<512x128xf32, #tpu.memory_space<vmem>>, vector<512x128xf32>,
    return
  }
  func.func @transform_0(%arg0: i32) -> (i32, i32, i32) {
    %c0_i32 = arith.constant 0 : i32
    %c0_i32_0 = arith.constant 0 : i32
    %c0_i32_1 = arith.constant 0 : i32
    return %c0_i32, %arg0, %c0_i32_0 : i32, i32, i32
  }
  func.func @transform_1(%arg0: i32) -> (i32, i32) {
    %c0_i32 = arith.constant 0 : i32
    %c0_i32_0 = arith.constant 0 : i32
    return %arg0, %c0_i32 : i32, i32
  }
  func.func @transform_2(%arg0: i32) -> (i32, i32) {
    %c0_i32 = arith.constant 0 : i32
    %c0_i32_0 = arith.constant 0 : i32
    %c0_i32_1 = arith.constant 0 : i32
    return %c0_i32, %c0_i32_0 : i32, i32
  }
  func.func @transform_3(%arg0: i32) -> (i32, i32) {
    %c0_i32 = arith.constant 0 : i32
    %c0_i32_0 = arith.constant 0 : i32
    return %arg0, %c0_i32 : i32, i32
  }
}

module attributes {stable_mosaic.version = 14 : i64} {
  func.func @_tc2_body(%arg0: i32, %arg1: memref<2x512x128xf32, #tpu.memory_space<vmem>>, %arg2: memref<512x128xf32, #tpu.memory_space<vmem>>, %arg3: memref<2x512x128xf32, #tpu.memory_space<vmem>>, %arg4: memref<1x128xf32, #tpu.memory_space<vmem>>, %arg5: memref<128x128xf32, #tpu.memory_space<vmem>>, %arg6: memref<512x128xf32, #tpu.memory_space<vmem>>, %arg7: memref<512x128xf32, #tpu.memory_space<vmem>>) attributes {dimension_semantics = [#tpu.dimension_semantics<arbitrary>], iteration_bounds = array<i64: 20>, scalar_prefetch = 0 : i64, scratch_operands = 0 : i64, tpu.core_type = #tpu.core_type<tc>, window_params = [{transform_indices = @transform_0, window_bounds = array<i64: 2, 512, 128>}, {transform_indices = @transform_1, window_bounds = array<i64: 512, 128>}, {transform_indices = @transform_2, window_bounds = array<i64: 2, 512, 128>}, {pipeline_mode = #tpu.pipeline_mode<synchronous>, transform_indices = @transform_3, window_bounds = array<i64: 1, 128>}, {pipeline_mode = #tpu.pipeline_mode<synchronous>, transform_indices = @transform_4, window_bounds = array<i64: 128, 128>}, {transform_indices = @transform_5, window_bounds = array<i64: 512, 128>}, {transform_indices = @transform_6, window_bounds = array<i64: 512, 128>}]} {
    %get3A = arith.constant 0 : index
    %get3A_0 = arith.constant 0 : index
    %get3A_1 = arith.constant 0 : index
    %get3A_2 = vector.load %arg3[%get3A, %get3A_0, %get3A_1] : memref<2x512x128xf32, #tpu.memory_space<vmem>>, vector<1x512x1xf32>
    %get3A_3 = vector.shape_cast %get3A_2 : vector<1x512x1xf32> to vector<512x1xf32>
    %get3A_4 = arith.constant 1 : index
    %get3A_5 = arith.constant 0 : index
    %get3A_6 = arith.constant 0 : index
    %get3A_7 = vector.load %arg3[%get3A_4, %get3A_5, %get3A_6] : memref<2x512x128xf32, #tpu.memory_space<vmem>>, vector<1x512x1xf32>
    %get3A_8 = vector.shape_cast %get3A_7 : vector<1x512x1xf32> to vector<512x1xf32>
    %add3A = arith.addf %get3A_3, %get3A_8 : vector<512x1xf32>
    %add3A_9 = arith.constant 1.000000e+00 : f32
    %add3A_10 = vector.broadcast %add3A_9 : f32 to vector<512x1xf32>
    %add3A_11 = arith.addf %add3A, %add3A_10 : vector<512x1xf32>
    %rsqrt3A = math.rsqrt %add3A_11 : vector<512x1xf32>
    %get3A_12 = arith.constant 0 : index
    %get3A_13 = arith.constant 0 : index
    %get3A_14 = arith.constant 0 : index
    %get3A_15 = vector.load %arg1[%get3A_12, %get3A_13, %get3A_14] : memref<2x512x128xf32, #tpu.memory_space<vmem>>, vector<1x512x128xf32>
    %get3A_16 = vector.shape_cast %get3A_15 : vector<1x512x128xf32> to vector<512x128xf32>
    %get3A_17 = arith.constant 1 : index
    %get3A_18 = arith.constant 0 : index
    %get3A_19 = arith.constant 0 : index
    %get3A_20 = vector.load %arg1[%get3A_17, %get3A_18, %get3A_19] : memref<2x512x128xf32, #tpu.memory_space<vmem>>, vector<1x512x128xf32>
    %get3A_21 = vector.shape_cast %get3A_20 : vector<1x512x128xf32> to vector<512x128xf32>
    %add3A_22 = arith.addf %get3A_16, %get3A_21 : vector<512x128xf32>
    %get3A_23 = arith.constant 0 : index
    %get3A_24 = arith.constant 0 : index
    %get3A_25 = vector.load %arg2[%get3A_23, %get3A_24] : memref<512x128xf32, #tpu.memory_space<vmem>>, vector<512x128xf32>
    %add3A_26 = arith.addf %add3A_22, %get3A_25 : vector<512x128xf32>
    %mul3A = vector.broadcast %rsqrt3A : vector<512x1xf32> to vector<512x128xf32>
    %mul3A_27 = arith.mulf %add3A_26, %mul3A : vector<512x128xf32>
    %get3A_28 = arith.constant 0 : index
    %get3A_29 = arith.constant 0 : index
    %get3A_30 = vector.load %arg4[%get3A_28, %get3A_29] : memref<1x128xf32, #tpu.memory_space<vmem>>, vector<1x128xf32>
    %add3A_31 = vector.broadcast %get3A_30 : vector<1x128xf32> to vector<512x128xf32>
    %add3A_32 = arith.addf %mul3A_27, %add3A_31 : vector<512x128xf32>
    %max3A = arith.constant 0.000000e+00 : f32
    %max3A_33 = vector.broadcast %max3A : f32 to vector<512x128xf32>
    %max3A_34 = arith.maximumf %add3A_32, %max3A_33 : vector<512x128xf32>
    %swap3A = arith.constant 0 : index
    %swap3A_35 = arith.constant 0 : index
    %swap3A_36 = vector.load %arg6[%swap3A, %swap3A_35] : memref<512x128xf32, #tpu.memory_space<vmem>>, vector<512x128xf32>
    tpu.vector_store %arg6[%swap3A, %swap3A_35], %max3A_34 {strides = array<i32>} : memref<512x128xf32, #tpu.memory_space<vmem>>, vector<512x128xf32>,
    %get3A_37 = arith.constant 0 : index
    %get3A_38 = arith.constant 0 : index
    %get3A_39 = vector.load %arg5[%get3A_37, %get3A_38] : memref<128x128xf32, #tpu.memory_space<vmem>>, vector<128x128xf32>
    %dot_general3A = arith.constant dense<0.000000e+00> : vector<512x128xf32>
    %dot_general3A_40 = tpu.matmul %max3A_34, %get3A_39, %dot_general3A {dimension_numbers = #tpu.dot_dimension_numbers<[1], [0], [0], [1], [0, 0, 1, 1], [], []>, transpose_lhs_hint = false} : vector<512x128xf32>, vector<128x128xf32>, vector<512x128xf32> -> vector<512x128xf32>
    %mul3A_41 = vector.broadcast %rsqrt3A : vector<512x1xf32> to vector<512x128xf32>
    %mul3A_42 = arith.mulf %dot_general3A_40, %mul3A_41 : vector<512x128xf32>
    %swap3A_43 = arith.constant 0 : index
    %swap3A_44 = arith.constant 0 : index
    %swap3A_45 = vector.load %arg7[%swap3A_43, %swap3A_44] : memref<512x128xf32, #tpu.memory_space<vmem>>, vector<512x128xf32>
    tpu.vector_store %arg7[%swap3A_43, %swap3A_44], %mul3A_42 {strides = array<i32>} : memref<512x128xf32, #tpu.memory_space<vmem>>, vector<512x128xf32>,
    return
  }
  func.func @transform_0(%arg0: i32) -> (i32, i32, i32) {
    %c0_i32 = arith.constant 0 : i32
    %c0_i32_0 = arith.constant 0 : i32
    %c0_i32_1 = arith.constant 0 : i32
    return %c0_i32, %arg0, %c0_i32_0 : i32, i32, i32
  }
  func.func @transform_1(%arg0: i32) -> (i32, i32) {
    %c0_i32 = arith.constant 0 : i32
    %c0_i32_0 = arith.constant 0 : i32
    return %arg0, %c0_i32 : i32, i32
  }
  func.func @transform_2(%arg0: i32) -> (i32, i32, i32) {
    %c0_i32 = arith.constant 0 : i32
    %c0_i32_0 = arith.constant 0 : i32
    %c0_i32_1 = arith.constant 0 : i32
    return %c0_i32, %arg0, %c0_i32_0 : i32, i32, i32
  }
  func.func @transform_3(%arg0: i32) -> (i32, i32) {
    %c0_i32 = arith.constant 0 : i32
    %c0_i32_0 = arith.constant 0 : i32
    %c0_i32_1 = arith.constant 0 : i32
    return %c0_i32, %c0_i32_0 : i32, i32
  }
  func.func @transform_4(%arg0: i32) -> (i32, i32) {
    %c0_i32 = arith.constant 0 : i32
    %c0_i32_0 = arith.constant 0 : i32
    %c0_i32_1 = arith.constant 0 : i32
    return %c0_i32, %c0_i32_0 : i32, i32
  }
  func.func @transform_5(%arg0: i32) -> (i32, i32) {
    %c0_i32 = arith.constant 0 : i32
    %c0_i32_0 = arith.constant 0 : i32
    return %arg0, %c0_i32 : i32, i32
  }
  func.func @transform_6(%arg0: i32) -> (i32, i32) {
    %c0_i32 = arith.constant 0 : i32
    %c0_i32_0 = arith.constant 0 : i32
    return %arg0, %c0_i32 : i32, i32
  }
}

module attributes {stable_mosaic.version = 14 : i64} {
  func.func @_tc3_body(%arg0: i32, %arg1: memref<2x512x128xf32, #tpu.memory_space<vmem>>, %arg2: memref<512x128xf32, #tpu.memory_space<vmem>>, %arg3: memref<2x512x128xf32, #tpu.memory_space<vmem>>, %arg4: memref<1x128xf32, #tpu.memory_space<vmem>>, %arg5: memref<512x128xf32, #tpu.memory_space<vmem>>, %arg6: memref<128x128xf32, #tpu.memory_space<vmem>>, %arg7: memref<1x128xf32, #tpu.memory_space<vmem>>, %arg8: memref<512x128xf32, #tpu.memory_space<vmem>>) attributes {dimension_semantics = [#tpu.dimension_semantics<arbitrary>], iteration_bounds = array<i64: 20>, scalar_prefetch = 0 : i64, scratch_operands = 0 : i64, tpu.core_type = #tpu.core_type<tc>, window_params = [{transform_indices = @transform_0, window_bounds = array<i64: 2, 512, 128>}, {transform_indices = @transform_1, window_bounds = array<i64: 512, 128>}, {transform_indices = @transform_2, window_bounds = array<i64: 2, 512, 128>}, {pipeline_mode = #tpu.pipeline_mode<synchronous>, transform_indices = @transform_3, window_bounds = array<i64: 1, 128>}, {transform_indices = @transform_4, window_bounds = array<i64: 512, 128>}, {pipeline_mode = #tpu.pipeline_mode<synchronous>, transform_indices = @transform_5, window_bounds = array<i64: 128, 128>}, {pipeline_mode = #tpu.pipeline_mode<synchronous>, transform_indices = @transform_6, window_bounds = array<i64: 1, 128>}, {transform_indices = @transform_7, window_bounds = array<i64: 512, 128>}]} {
    %get3A = arith.constant 0 : index
    %get3A_0 = arith.constant 0 : index
    %get3A_1 = arith.constant 0 : index
    %get3A_2 = vector.load %arg3[%get3A, %get3A_0, %get3A_1] : memref<2x512x128xf32, #tpu.memory_space<vmem>>, vector<1x512x1xf32>
    %get3A_3 = vector.shape_cast %get3A_2 : vector<1x512x1xf32> to vector<512x1xf32>
    %get3A_4 = arith.constant 1 : index
    %get3A_5 = arith.constant 0 : index
    %get3A_6 = arith.constant 0 : index
    %get3A_7 = vector.load %arg3[%get3A_4, %get3A_5, %get3A_6] : memref<2x512x128xf32, #tpu.memory_space<vmem>>, vector<1x512x1xf32>
    %get3A_8 = vector.shape_cast %get3A_7 : vector<1x512x1xf32> to vector<512x1xf32>
    %add3A = arith.addf %get3A_3, %get3A_8 : vector<512x1xf32>
    %add3A_9 = arith.constant 1.000000e+00 : f32
    %add3A_10 = vector.broadcast %add3A_9 : f32 to vector<512x1xf32>
    %add3A_11 = arith.addf %add3A, %add3A_10 : vector<512x1xf32>
    %rsqrt3A = math.rsqrt %add3A_11 : vector<512x1xf32>
    %get3A_12 = arith.constant 0 : index
    %get3A_13 = arith.constant 0 : index
    %get3A_14 = arith.constant 0 : index
    %get3A_15 = vector.load %arg1[%get3A_12, %get3A_13, %get3A_14] : memref<2x512x128xf32, #tpu.memory_space<vmem>>, vector<1x512x128xf32>
    %get3A_16 = vector.shape_cast %get3A_15 : vector<1x512x128xf32> to vector<512x128xf32>
    %get3A_17 = arith.constant 1 : index
    %get3A_18 = arith.constant 0 : index
    %get3A_19 = arith.constant 0 : index
    %get3A_20 = vector.load %arg1[%get3A_17, %get3A_18, %get3A_19] : memref<2x512x128xf32, #tpu.memory_space<vmem>>, vector<1x512x128xf32>
    %get3A_21 = vector.shape_cast %get3A_20 : vector<1x512x128xf32> to vector<512x128xf32>
    %add3A_22 = arith.addf %get3A_16, %get3A_21 : vector<512x128xf32>
    %get3A_23 = arith.constant 0 : index
    %get3A_24 = arith.constant 0 : index
    %get3A_25 = vector.load %arg2[%get3A_23, %get3A_24] : memref<512x128xf32, #tpu.memory_space<vmem>>, vector<512x128xf32>
    %add3A_26 = arith.addf %add3A_22, %get3A_25 : vector<512x128xf32>
    %mul3A = vector.broadcast %rsqrt3A : vector<512x1xf32> to vector<512x128xf32>
    %mul3A_27 = arith.mulf %add3A_26, %mul3A : vector<512x128xf32>
    %get3A_28 = arith.constant 0 : index
    %get3A_29 = arith.constant 0 : index
    %get3A_30 = vector.load %arg4[%get3A_28, %get3A_29] : memref<1x128xf32, #tpu.memory_space<vmem>>, vector<1x128xf32>
    %add3A_31 = vector.broadcast %get3A_30 : vector<1x128xf32> to vector<512x128xf32>
    %add3A_32 = arith.addf %mul3A_27, %add3A_31 : vector<512x128xf32>
    %max3A = arith.constant 0.000000e+00 : f32
    %max3A_33 = vector.broadcast %max3A : f32 to vector<512x128xf32>
    %max3A_34 = arith.maximumf %add3A_32, %max3A_33 : vector<512x128xf32>
    %get3A_35 = arith.constant 0 : index
    %get3A_36 = arith.constant 0 : index
    %get3A_37 = vector.load %arg5[%get3A_35, %get3A_36] : memref<512x128xf32, #tpu.memory_space<vmem>>, vector<512x128xf32>
    %max3A_38 = arith.maximumf %get3A_37, %max3A_34 : vector<512x128xf32>
    %get3A_39 = arith.constant 0 : index
    %get3A_40 = arith.constant 0 : index
    %get3A_41 = vector.load %arg6[%get3A_39, %get3A_40] : memref<128x128xf32, #tpu.memory_space<vmem>>, vector<128x128xf32>
    %dot_general3A = arith.constant dense<0.000000e+00> : vector<512x128xf32>
    %dot_general3A_42 = tpu.matmul %max3A_38, %get3A_41, %dot_general3A {dimension_numbers = #tpu.dot_dimension_numbers<[1], [0], [0], [1], [0, 0, 1, 1], [], []>, transpose_lhs_hint = false} : vector<512x128xf32>, vector<128x128xf32>, vector<512x128xf32> -> vector<512x128xf32>
    %get3A_43 = arith.constant 0 : index
    %get3A_44 = arith.constant 0 : index
    %get3A_45 = vector.load %arg7[%get3A_43, %get3A_44] : memref<1x128xf32, #tpu.memory_space<vmem>>, vector<1x128xf32>
    %add3A_46 = vector.broadcast %get3A_45 : vector<1x128xf32> to vector<512x128xf32>
    %add3A_47 = arith.addf %dot_general3A_42, %add3A_46 : vector<512x128xf32>
    %swap3A = arith.constant 0 : index
    %swap3A_48 = arith.constant 0 : index
    %swap3A_49 = vector.load %arg8[%swap3A, %swap3A_48] : memref<512x128xf32, #tpu.memory_space<vmem>>, vector<512x128xf32>
    tpu.vector_store %arg8[%swap3A, %swap3A_48], %add3A_47 {strides = array<i32>} : memref<512x128xf32, #tpu.memory_space<vmem>>, vector<512x128xf32>,
    return
  }
  func.func @transform_0(%arg0: i32) -> (i32, i32, i32) {
    %c0_i32 = arith.constant 0 : i32
    %c0_i32_0 = arith.constant 0 : i32
    %c0_i32_1 = arith.constant 0 : i32
    return %c0_i32, %arg0, %c0_i32_0 : i32, i32, i32
  }
  func.func @transform_1(%arg0: i32) -> (i32, i32) {
    %c0_i32 = arith.constant 0 : i32
    %c0_i32_0 = arith.constant 0 : i32
    return %arg0, %c0_i32 : i32, i32
  }
  func.func @transform_2(%arg0: i32) -> (i32, i32, i32) {
    %c0_i32 = arith.constant 0 : i32
    %c0_i32_0 = arith.constant 0 : i32
    %c0_i32_1 = arith.constant 0 : i32
    return %c0_i32, %arg0, %c0_i32_0 : i32, i32, i32
  }
  func.func @transform_3(%arg0: i32) -> (i32, i32) {
    %c0_i32 = arith.constant 0 : i32
    %c0_i32_0 = arith.constant 0 : i32
    %c0_i32_1 = arith.constant 0 : i32
    return %c0_i32, %c0_i32_0 : i32, i32
  }
  func.func @transform_4(%arg0: i32) -> (i32, i32) {
    %c0_i32 = arith.constant 0 : i32
    %c0_i32_0 = arith.constant 0 : i32
    return %arg0, %c0_i32 : i32, i32
  }
  func.func @transform_5(%arg0: i32) -> (i32, i32) {
    %c0_i32 = arith.constant 0 : i32
    %c0_i32_0 = arith.constant 0 : i32
    %c0_i32_1 = arith.constant 0 : i32
    return %c0_i32, %c0_i32_0 : i32, i32
  }
  func.func @transform_6(%arg0: i32) -> (i32, i32) {
    %c0_i32 = arith.constant 0 : i32
    %c0_i32_0 = arith.constant 0 : i32
    %c0_i32_1 = arith.constant 0 : i32
    return %c0_i32, %c0_i32_0 : i32, i32
  }
  func.func @transform_7(%arg0: i32) -> (i32, i32) {
    %c0_i32 = arith.constant 0 : i32
    %c0_i32_0 = arith.constant 0 : i32
    return %arg0, %c0_i32 : i32, i32
  }
}

</mosaic_0001>

<sc_bundles>
// kernel: kernel.11.cloned.1.call-start
scs
__scs_entry_jumppad:
0x0: {  	(pc) =	sbr.rel $0x88, $3  }
0x1: {  	(tag) =	ssettag $0x0;
	lr =	simm.s32 $0x1  }
0x2: {  	[smem:$0x3F99] =	sst lr;
	_ =	strace $0xD0000000  }
0x3: {  	_ = 	snop  }
0x4: {  	_ = 	snop  }
0x5: {  	_ = 	snop  }
0x6: {  	_ = 	snop  }
0x7: {  	_ = 	snop  }
__scs_overlays_trampoline_lowered:
0x8: {  	[smem:$0x3FA8] =	sst s0  }
0x9: {  	[smem:$0x3FA9] =	sst s1  }
0xa: {  	[smem:$0x3FAA] =	sst s2  }
0xb: {  	[smem:$0x3FAB] =	sst s3  }
0xc: {  	[smem:$0x3FAC] =	sst s4  }
0xd: {  	[smem:$0x3FAD] =	sst s5  }
0xe: {  	[smem:$0x3FAE] =	sst s6  }
0xf: {  	[smem:$0x3FAF] =	sst s7  }
0x10: {  	[smem:$0x3FB0] =	sst s8  }
0x11: {  	[smem:$0x3FB1] =	sst s9;
	s0 =	simm.s32 @!p0 $0x0  }
0x12: {  	s1 =	sld [smem:$0x3F97];
	s0 =	simm.s32 @p0 $0x1  }
0x13: {  	[smem:$0x3FB2] =	sst s0;
	s0 =	simm.s32 @!p1 $0x0  }
0x14: {  	s2 =	sld [smem:$0x3F96];
	s0 =	simm.s32 @p1 $0x1  }
0x15: {  	[smem:$0x3FB3] =	sst s0;
	s0 =	simm.s32 @!p2 $0x0  }
0x16: {  	s3 =	sld [smem:$0x3FDB];
	s0 =	simm.s32 @p2 $0x1  }
0x17: {  	s4 =	simm.s32 $0x1BF5;
	[smem:$0x3FB5] =	sst s0  }
0x18: {  	s0 =	sld [smem:$0x3F98];
	_ =	swait.ge [sflag:s4], $0x0  }
0x19: {  	s7 =	sld [smem:$0x3F99]  }
0x1a: {  	s8 =	sadd.s32 $0xFFFFE003, lr  }
0x1b: {  	s9 =	sadd.s32 $0xFFFFFEF7, lr;
	s5 =	simm.s32 $0xFFFFFFFF;
	p2 =	slt.u32 s8, $0xFFFFF086  }
0x1c: {  	p1 =	slt.u32 s9, $0xF7A;
	s5 =	simm.s32 @!p2 $0x0  }
0x1d: {  	s5 =	simm.s32 @p1 $0x1;
	p0 =	seq.s32 s7, s2  }
0x1e: {  	s7 =	smul.u32 @!p0 $0xF7A, s2;
	p2 =	seq.s32 @!p0 s5, $0x0  }
0x1f: {  	s9 =	smul.u32 $0xF7A, s1;
	s8 =	simm.s32 @!p0 $0x1BF5;
	p2 =	por !p2, p0  }
0x20: {  	[sflag:s8] =	ssyncset.s32 @!p0 $0xFFFFF086;
	s6 =	sadd.s32 @!p0 s3, s7;
	s7 =	simm.s32 @!p0 $0x108  }
0x21: {  	s3 =	sadd.s32 s3, s9;
	s6 =	sadd.s32 @!p0 $0x88, s6;
	s7 =	simm.s32 @p2 $0x1082  }
0x22: {  	[simem:s7], [sflag:s8] =	dma.local @!p0 [hbm:s6], $0xF7A  }
0x23: {  	s9 =	sor.u32 $0xD0000000, s2;
	s6 =	simm.s32 $0x108;
	_ =	swait.ge @!p0 [sflag:s8], $0x0  }
0x24: {  	s3 =	sadd.s32 $0x88, s3;
	s6 =	simm.s32 @!p1 $0x1082;
	[sflag:s4] =	ssyncset.s32 $0xFFFFF086  }
0x25: {  	[simem:s6], [sflag:s4] =	dma.local [hbm:s3], $0xF7A  }
0x26: {  	[smem:$0x3F99] =	sst s1;
	(tag) =	ssettag s2;
	_ =	strace s9  }
0x27: {  	s1 =	sld [smem:$0x3FA9]  }
0x28: {  	s2 =	sld [smem:$0x3FAA]  }
0x29: {  	s4 =	sld [smem:$0x3FAC]  }
0x2a: {  	p0 =	seq.s32 s5, $0x0;
	s5 =	sld [smem:$0x3FAD]  }
0x2b: {  	s6 =	sld [smem:$0x3FAE]  }
0x2c: {  	s7 =	sld [smem:$0x3FAF]  }
0x2d: {  	s3 =	simm.s32 $0x108;
	s8 =	sld [smem:$0x3FB0]  }
0x2e: {  	s3 =	simm.s32 @!p0 $0x1082;
	s9 =	sld [smem:$0x3FB1]  }
0x2f: {  	lr =	sadd.s32 s0, s3;
	s0 =	sld [smem:$0x3FA8]  }
0x30: {  	s3 =	sld [smem:$0x3FAB]  }
0x31: {  	[smem:$0x3FB4] =	sst s10  }
0x32: {  	s10 =	sld [smem:$0x3FB2];
	_ =	sdelay $0x3  }
0x33: {  	p0 =	seq.s32 s10, $0x1;
	s10 =	sld [smem:$0x3FB4];
	_ =	sdelay $0x3  }
0x34: {  	[smem:$0x3FB4] =	sst s10  }
0x35: {  	s10 =	sld [smem:$0x3FB3];
	_ =	sdelay $0x3  }
0x36: {  	p1 =	seq.s32 s10, $0x1;
	s10 =	sld [smem:$0x3FB4];
	_ =	sdelay $0x3  }
0x37: {  	[smem:$0x3FB4] =	sst s10  }
0x38: {  	s10 =	sld [smem:$0x3FB5]  }
0x39: {  	_ = 	snop;
	(pc) =	sbr.ind lr, $3  }
0x3a: {  	_ = 	snop  }
0x3b: {  	_ = 	snop  }
0x3c: {  	p2 =	seq.s32 s10, $0x1;
	s10 =	sld [smem:$0x3FB4]  }
0x3d: {  	_ =	shalt  }
0x3e: {  	_ =	shalt  }
0x3f: {  	_ =	shalt  }
0x40: {  	_ =	shalt  }
0x41: {  	_ =	shalt  }
0x42: {  	_ =	shalt  }
0x43: {  	_ =	shalt  }
0x44: {  	_ =	shalt  }
0x45: {  	_ =	shalt  }
0x46: {  	_ =	shalt  }
0x47: {  	_ =	shalt  }
0x48: {  	_ =	shalt  }
0x49: {  	_ =	shalt  }
0x4a: {  	_ =	shalt  }
0x4b: {  	_ =	shalt  }
0x4c: {  	_ =	shalt  }
0x4d: {  	_ =	shalt  }
0x4e: {  	_ =	shalt  }
0x4f: {  	_ =	shalt  }
0x50: {  	_ =	shalt  }
0x51: {  	_ =	shalt  }
0x52: {  	_ =	shalt  }
0x53: {  	_ =	shalt  }
0x54: {  	_ =	shalt  }
0x55: {  	_ =	shalt  }
0x56: {  	_ =	shalt  }
0x57: {  	_ =	shalt  }
0x58: {  	_ =	shalt  }
0x59: {  	_ =	shalt  }
0x5a: {  	_ =	shalt  }
0x5b: {  	_ =	shalt  }
0x5c: {  	_ =	shalt  }
0x5d: {  	_ =	shalt  }
0x5e: {  	_ =	shalt  }
0x5f: {  	_ =	shalt  }
0x60: {  	_ =	shalt  }
0x61: {  	_ =	shalt  }
0x62: {  	_ =	shalt  }
0x63: {  	_ =	shalt  }
0x64: {  	_ =	shalt  }
0x65: {  	_ =	shalt  }
0x66: {  	_ =	shalt  }
0x67: {  	_ =	shalt  }
0x68: {  	_ =	shalt  }
0x69: {  	_ =	shalt  }
0x6a: {  	_ =	shalt  }
0x6b: {  	_ =	shalt  }
0x6c: {  	_ =	shalt  }
0x6d: {  	_ =	shalt  }
0x6e: {  	_ =	shalt  }
0x6f: {  	_ =	shalt  }
0x70: {  	_ =	shalt  }
0x71: {  	_ =	shalt  }
0x72: {  	_ =	shalt  }
0x73: {  	_ =	shalt  }
0x74: {  	_ =	shalt  }
0x75: {  	_ =	shalt  }
0x76: {  	_ =	shalt  }
0x77: {  	_ =	shalt  }
0x78: {  	_ =	shalt  }
0x79: {  	_ =	shalt  }
0x7a: {  	_ =	shalt  }
0x7b: {  	_ =	shalt  }
0x7c: {  	_ =	shalt  }
0x7d: {  	_ =	shalt  }
0x7e: {  	_ =	shalt  }
0x7f: {  	_ =	shalt  }
0x80: {  	_ =	shalt  }
0x81: {  	_ =	shalt  }
0x82: {  	_ =	shalt  }
0x83: {  	_ =	shalt  }
0x84: {  	_ =	shalt  }
0x85: {  	_ =	shalt  }
0x86: {  	_ =	shalt  }
0x87: {  	_ =	shalt  }
.Lfunc_end0:
.L_simem_size_0:
called_computation.1_lowered:
.L_overlay_start_0:
0x88: {  	s2 =	sld [smem:$0x3FD9]  }
0x89: {  	s3 =	sld [smem:$0x3FFE];
	_ =	sdelay $0x1  }
0x8a: {  	s1 =	srdreg.scid  }
0x8b: {  	s0 =	sand.u32 $0x1, s1  }
0x8c: {  	s17 =	sshll.u32 s0, $0xA;
	s2 =	sadd.s32 s3, s2  }
0x8d: {  	s2 =	sadd.s32 s2, s17  }
0x8e: {  	[smem:$0x3FC0] =	sst s2  }
0x8f: {  	_ = 	snop  }
0x90: {  	s2 =	sld [smem:$0x3FD0];
	(tm) =	ssettm $0x1  }
0x91: {  	s18 =	sld [smem:$0x3FFB];
	_ =	sdelay $0x3  }
0x92: {  	_ =	strace s18  }
0x93: {  	s3 =	sld [smem:$0x3FFC];
	_ =	sdelay $0x3  }
0x94: {  	_ =	strace s3  }
0x95: {  	s3 =	sld [smem:$0x3FFD];
	_ =	sdelay $0x3  }
0x96: {  	_ =	strace s3  }
0x97: {  	_ =	strace $0x8FFFFFFF  }
0x98: {  	s19 =	sld [smem:$0x3FDB];
	_ =	sdelay $0x1  }
0x99: {  	s4 =	simm.s32 $_scs_section_size  }
0x9a: {  	s5 =	simm.s32 $_size__tile_overlayer_lowered;
	s6 =	simm.s32 $_tile_overlayer_lowered  }
0x9b: {  	s22 =	simm.s32 $0x1BFF;
	s21 =	sshll.u32 s6, $0x1;
	s3 =	sadd.s32 s4, s19  }
0x9c: {  	s7 =	simm.s32 $0x0;
	s20 =	sshll.u32 s5, $0x1;
	s5 =	sadd.s32 s21, s3  }
0x9d: {  	[timem:s7], [sflag:s22] =	dma.local [hbm:s5], s20  }
0x9e: {  	_ =	swait.ge [sflag:s22], s20  }
0x9f: {  	s4 =	ssub.s32 $0x0, s20;
	[sflag:s22] =	ssyncset.done $0x0  }
0xa0: {  	[sflag:s22] =	ssyncadd.s32 s4;
	_ =	sdelay $0x1  }
0xa1: {  	s23 =	simm.s32 $0x1B8B  }
0xa2: {  	_ =	swait.ge [sflag:s23], $0x1  }
0xa3: {  	[sflag:s23] =	ssyncset.done $0x0  }
0xa4: {  	s25 =	simm.s32 $0x1B8E;
	s24 =	sld [smem:$0x3FFE];
	[sflag:s23] =	ssyncadd.s32 $0xFFFFFFFF  }
0xa5: {  	s26 =	simm.s32 $execute0_lowered;
	[smem:$0x3FD2] =	sst s25  }
0xa6: {  	s5 =	sshll.u32 s26, $0x1;
	_ =	strace $0x80000049;
	[dreg:$0x1] =	wrdreg $0xFFFFFFFF  }
0xa7: {  	s28 =	simm.s32 $_size_execute0_lowered;
	s3 =	sadd.s32 s3, s5;
	[dreg:$0x0] =	wrdreg $0x0  }
0xa8: {  	s5 =	sshll.u32 s28, $0x1;
	[dreg:$0x2] =	wrdreg s3  }
0xa9: {  	[dreg:$0x3] =	wrdreg s5  }
0xaa: {  	[dreg:$0x4] =	wrdreg $0xC0  }
0xab: {  	_ =	task [dreg:s7], $0x5FFFF  }
0xac: {  	[dreg:$0x1] =	wrdreg $0xFFFFFFFF  }
0xad: {  	[dreg:$0x0] =	wrdreg $0x60  }
0xae: {  	[dreg:$0x2] =	wrdreg s24  }
0xaf: {  	[dreg:$0x3] =	wrdreg s2  }
0xb0: {  	[dreg:$0x4] =	wrdreg $0xA8000  }
0xb1: {  	[dreg:$0x5] =	wrdreg $0x9  }
0xb2: {  	_ =	task.clear_ibuf [dreg:s7], $0x6FFFF;
	_ =	strace $0x90000049  }
0xb3: {  	s29 =	simm.s32 $0x9;
	_ =	strace $0x8000004B  }
0xb4: {  	_ =	swait.ge [sflag:s29], $0x1  }
0xb5: {  	[sflag:s29] =	ssyncadd.s32 $0xFFFFFFFF  }
0xb6: {  	_ =	strace $0x9000004B  }
0xb7: {  	_ =	sfence  }
0xb8: {  	s30 =	sld [smem:$0x0];
	_ =	sdelay $0x2  }
0xb9: {  	s31 =	sshll.u32 s1, $0xD;
	s1 =	sshrl.u32 s1, $0x2  }
0xba: {  	s3 =	sand.u32 $0x4000, s31;
	s1 =	sadd.s32 s1, s30  }
0xbb: {  	s0 =	sor.u32 s3, s0;
	s1 =	sshll.u32 s1, $0x11  }
0xbc: {  	s0 =	sor.u32 s1, s0  }
0xbd: {  	s0 =	sadd.s32 $0x8F2B, s0  }
0xbe: {  	[sflag:s0] =	ssyncadd.remote.s32 $0x1  }
0xbf: {  	_ =	sfence.sel $0xFFFF  }
0xc0: {  	[dreg:$0x0] =	wrdreg $0xFFFFFFFF;
	(pc) =	sbr.abs _section_cstart, $3  }
0xc1: {  	[dreg:$0x1] =	wrdreg $0xFFFFFFFF  }
0xc2: {  	_ =	task.clear_ibuf [dreg:s7], $0x2FFFF;
	_ =	strace $0x9FFFFFFF  }
0xc3: {  	(tm) =	ssettm $0x7FFFFFFF  }
tec
execute0_lowered:
.L_overlay_start_1:
0x0: {  	(tag) =	ssettag $0x1  }
0x1: {  	s6 =	rddreg [dreg:$0x0]  }
0x2: {  	s13 =	rddreg [dreg:$0x1]  }
0x3: {  	s1 =	rddreg [dreg:$0x2]  }
0x4: {  	s2 =	srdreg.scid;
	s0 =	rddreg [dreg:$0x3]  }
0x5: {  	s3 =	simm.s32 $0x0;
	s20 =	simm.s32 $0x80;
	s7 =	sand.u32 $0x1, s2  }
0x6: {  	s21 =	simm.s32 $0x2800;
	s2 =	stileid.u32;
	s5 =	smul.u32 $0x140000, s7  }
0x7: {  	s22 =	simm.s32 $0x6800;
	s23 =	simm.s32 $0x1;
	s8 =	smul.u32 $0x14000, s2  }
0x8: {  	[smem:$0x7FF] =	sst s3;
	s4 =	sadd.s32 $0x60200, s6;
	s11 =	smul.u32 $0x50000, s2  }
0x9: {  	s14 =	sadd.s32 $0x3200, s6;
	_ =	strace $0x8000004A;
	s28 =	smul.u32 $0x3C00, s2  }
0xa: {  	s24 =	ssub.s32 $0x2, s7;
	s26 =	sshll.u32 s2, $0x6;
	s29 =	smul.u32 $0x780, s2  }
0xb: {  	p0 =	seq.s32 s7, $0x1;
	s31 =	smul.u32 $0x1400, s2;
	s10 =	sshrl.u32 s24, $0x1  }
0xc: {  	s5 =	sadd.s32 s8, s5;
	s16 =	ssub.s32 s24, s10;
	s25 =	sshrl.u32 s11, $0x2  }
0xd: {  	s30 =	sshrl.u32 s28, $0x3;
	s7 =	sadd.s32 s13, s29;
	s8 =	sadd.s32 s14, s29  }
0xe: {  	s19 =	sshrl.u32 s31, $0x3;
	s24 =	simm.s32 $0x2;
	s9 =	sshrl.u32 s5, $0x3  }
0xf: {  	s5 =	sadd.s32 $0xD200, s6;
	s17 =	sadd.s32 s25, s1;
	s12 =	sadd.s32 $0x280, s30  }
0x10: {  	s18 =	sadd.s32 $0x500, s30;
	s19 =	sadd.s32 $0x7800, s19;
	s16 =	smax.u32 s16, $0x1  }
.Ltmp0:
0x11: {  	s25 =	simm.s32 $0x2700;
	s15 =	sadd.s32 s9, s6;
	(pc) =	sbr.rel .LBB2_1-.Ltmp0, $4  }
0x12: {  	s6 =	sor.u32 $0x1C03, s26;
	s9 =	sadd.s32 s13, s12;
	s10 =	sadd.s32 s14, s12  }
0x13: {  	s11 =	sadd.s32 s13, s18;
	s12 =	sadd.s32 s14, s18;
	s13 =	sadd.s32 s13, s19  }
0x14: {  	s14 =	sadd.s32 s14, s19;
	s17 =	sshrl.u32 s17, $0x3;
	s18 =	simm.s32 $0x3  }
0x15: {  	s19 =	simm.s32 $0x1400;
	s26 =	simm.s32 $0x2780;
	s15 =	sadd.s32 $0x88200, s15  }
.LBB2_11:
0x16: {  	[tilespmem:s22], [sflag:$0x2] =	stream.indirect.gather [hbm4b:s4+s20], $0x80, s29, s20, $0xb8;
	[tilespmem:$0x1E800] =	vst v63  }
.LBB2_12:
0x17: {  	_ =	swait.ge [sflag:s23], $0x4000  }
0x18: {  	[sflag:s23] =	ssyncset.done $0x0  }
0x19: {  	[sflag:s23] =	ssyncadd.s32 $0xFFFFC000  }
0x1a: {  	[spmem:s1] =	stream.indirect.scatter.add.f32 [tilespmem:s21], [sflag:$0x3], $0x80, s25, s20, $0xb8;
	[tilespmem:$0x1E800] =	vst v63  }
0x1b: {  	_ =	swait.ge [sflag:s18], $0x4000  }
0x1c: {  	[sflag:s18] =	ssyncset.done $0x0  }
0x1d: {  	[sflag:s18] =	ssyncadd.s32 $0xFFFFC000  }
0x1e: {  	_ =	swait.ge [sflag:s24], $0x4000  }
0x1f: {  	[sflag:s24] =	ssyncset.done $0x0  }
0x20: {  	[sflag:s24] =	ssyncadd.s32 $0xFFFFC000  }
0x21: {  	[spmem:s1] =	stream.indirect.scatter.add.f32 [tilespmem:s22], [sflag:$0x3], $0x80, s26, s20, $0xb8;
	[tilespmem:$0x1E800] =	vst v63  }
0x22: {  	_ =	swait.ge [sflag:s18], $0x4000  }
0x23: {  	s3 =	sadd.s32 $0x1, s3;
	[sflag:s18] =	ssyncset.done $0x0  }
0x24: {  	p1 =	sne.s32 s3, s16;
	[sflag:s18] =	ssyncadd.s32 $0xFFFFC000  }
.Ltmp1:
0x25: {  	[bflag:$0x0] =	sbarrier.arrive $0xFFFF;
	(pc) =	sbr.rel @!p1 .LBB2_13-.Ltmp1, $4  }
0x26: {  	[hbm:s15], [sflag:s6] =	dma.local [spmem:s17], $0x2800  }
0x27: {  	_ =	swait.ge [sflag:s18], $0x2800  }
0x28: {  	[sflag:s18] =	ssyncset.done $0x0  }
0x29: {  	[sflag:s18] =	ssyncadd.s32 $0xFFFFD800  }
.LBB2_1:
0x2a: {  	[spmem:s17], [sflag:s6] =	dma.local [hbm:s5], $0x2800  }
.Ltmp2:
0x2b: {  	_ =	swait.ge [sflag:s18], $0x2800;
	(pc) =	sbr.rel @!p0 .LBB2_2-.Ltmp2, $4  }
0x2c: {  	[sflag:s18] =	ssyncset.done $0x0  }
0x2d: {  	[sflag:s18] =	ssyncadd.s32 $0xFFFFD800  }
0x2e: {  	[bflag:$0x0] =	sbarrier.arrive $0xFFFF  }
0x2f: {  	s28 =	simm.s32 $0x0  }
0x30: {  	[tilespmem:s28], [sflag:$0x3] =	stream.linear.gather [hbm4b:s13+s28], $0x1400, $0x38;
	[tilespmem:$0x1E800] =	vst v63  }
0x31: {  	_ =	swait.ge [sflag:s18], $0x1400  }
0x32: {  	[sflag:s18] =	ssyncset.done $0x0  }
0x33: {  	[sflag:s18] =	ssyncadd.s32 $0xFFFFEC00  }
0x34: {  	[tilespmem:s19], [sflag:$0x3] =	stream.linear.gather [hbm4b:s14+s28], $0x1400, $0x38;
	[tilespmem:$0x1E800] =	vst v63  }
0x35: {  	_ =	swait.ge [sflag:s18], $0x1400  }
0x36: {  	[sflag:s18] =	ssyncset.done $0x0  }
0x37: {  	[sflag:s18] =	ssyncadd.s32 $0xFFFFEC00  }
0x38: {  	[tilespmem:s21], [sflag:$0x1] =	stream.indirect.gather [hbm4b:s4+s20], $0x80, s28, s20, $0xb8;
	[tilespmem:$0x1E800] =	vst v63  }
0x39: {  	_ = 	snop  }
0x3a: {  	[tilespmem:s22], [sflag:$0x2] =	stream.indirect.gather [hbm4b:s4+s20], $0x80, s20, s20, $0xb8;
	[tilespmem:$0x1E800] =	vst v63  }
0x3b: {  	_ =	swait.ge [sflag:s23], $0x4000  }
0x3c: {  	[sflag:s23] =	ssyncset.done $0x0  }
0x3d: {  	s28 =	simm.s32 $0x1400;
	[sflag:s23] =	ssyncadd.s32 $0xFFFFC000  }
0x3e: {  	[spmem:s1] =	stream.indirect.scatter.add.f32 [tilespmem:s21], [sflag:$0x3], $0x80, s28, s20, $0xb8;
	[tilespmem:$0x1E800] =	vst v63  }
0x3f: {  	_ =	swait.ge [sflag:s18], $0x4000  }
0x40: {  	[sflag:s18] =	ssyncset.done $0x0  }
0x41: {  	s28 =	simm.s32 $0x100;
	[sflag:s18] =	ssyncadd.s32 $0xFFFFC000  }
0x42: {  	[tilespmem:s21], [sflag:$0x1] =	stream.indirect.gather [hbm4b:s4+s20], $0x80, s28, s20, $0xb8;
	[tilespmem:$0x1E800] =	vst v63  }
0x43: {  	_ =	swait.ge [sflag:s24], $0x4000  }
0x44: {  	[sflag:s24] =	ssyncset.done $0x0  }
0x45: {  	s28 =	simm.s32 $0x1480;
	[sflag:s24] =	ssyncadd.s32 $0xFFFFC000  }
0x46: {  	[spmem:s1] =	stream.indirect.scatter.add.f32 [tilespmem:s22], [sflag:$0x3], $0x80, s28, s20, $0xb8;
	[tilespmem:$0x1E800] =	vst v63  }
0x47: {  	_ =	swait.ge [sflag:s18], $0x4000  }
0x48: {  	[sflag:s18] =	ssyncset.done $0x0  }
0x49: {  	s29 =	simm.s32 $0x180;
	s28 =	simm.s32 $0x400;
	[sflag:s18] =	ssyncadd.s32 $0xFFFFC000  }
.LBB2_10:
0x4a: {  	[tilespmem:s22], [sflag:$0x2] =	stream.indirect.gather [hbm4b:s4+s20], $0x80, s29, s20, $0xb8;
	[tilespmem:$0x1E800] =	vst v63  }
0x4b: {  	s29 =	smov.u32 s28  }
0x4c: {  	p1 =	sne.s32 s28, $0x4800;
	s28 =	sadd.s32 $0x400, s28;
	_ =	swait.ge [sflag:s23], $0x4000  }
0x4d: {  	s29 =	sshra.s32 s29, $0x2;
	[sflag:s23] =	ssyncset.done $0x0  }
0x4e: {  	s30 =	sadd.s32 $0x1400, s29;
	[sflag:s23] =	ssyncadd.s32 $0xFFFFC000  }
0x4f: {  	[spmem:s1] =	stream.indirect.scatter.add.f32 [tilespmem:s21], [sflag:$0x3], $0x80, s30, s20, $0xb8;
	[tilespmem:$0x1E800] =	vst v63  }
0x50: {  	_ =	swait.ge [sflag:s18], $0x4000  }
0x51: {  	[sflag:s18] =	ssyncset.done $0x0  }
0x52: {  	s30 =	sadd.s32 $0x100, s29;
	[sflag:s18] =	ssyncadd.s32 $0xFFFFC000  }
0x53: {  	[tilespmem:s21], [sflag:$0x1] =	stream.indirect.gather [hbm4b:s4+s20], $0x80, s30, s20, $0xb8;
	[tilespmem:$0x1E800] =	vst v63  }
0x54: {  	_ =	swait.ge [sflag:s24], $0x4000  }
0x55: {  	[sflag:s24] =	ssyncset.done $0x0  }
.Ltmp3:
0x56: {  	s30 =	sadd.s32 $0x1480, s29;
	[sflag:s24] =	ssyncadd.s32 $0xFFFFC000;
	(pc) =	sbr.rel @p1 .LBB2_10-.Ltmp3, $4  }
0x57: {  	[spmem:s1] =	stream.indirect.scatter.add.f32 [tilespmem:s22], [sflag:$0x3], $0x80, s30, s20, $0xb8;
	[tilespmem:$0x1E800] =	vst v63  }
0x58: {  	_ =	swait.ge [sflag:s18], $0x4000  }
0x59: {  	[sflag:s18] =	ssyncset.done $0x0  }
0x5a: {  	s29 =	sadd.s32 $0x180, s29;
	[sflag:s18] =	ssyncadd.s32 $0xFFFFC000  }
.Ltmp4:
0x5b: {  	_ = 	snop;
	(pc) =	sbr.rel .LBB2_11-.Ltmp4, $1  }
0x5c: {  	_ =	sdelay $0x3  }
.LBB2_2:
0x5d: {  	[tilespmem:s28], [sflag:$0x3] =	stream.linear.gather [hbm4b:s7+s28], $0x1400, $0x38;
	[tilespmem:$0x1E800] =	vst v63  }
0x5e: {  	_ =	swait.ge [sflag:s18], $0x1400  }
0x5f: {  	[sflag:s18] =	ssyncset.done $0x0  }
0x60: {  	[sflag:s18] =	ssyncadd.s32 $0xFFFFEC00  }
0x61: {  	[tilespmem:s19], [sflag:$0x3] =	stream.linear.gather [hbm4b:s8+s28], $0x1400, $0x38;
	[tilespmem:$0x1E800] =	vst v63  }
0x62: {  	_ =	swait.ge [sflag:s18], $0x1400  }
0x63: {  	[sflag:s18] =	ssyncset.done $0x0  }
0x64: {  	[sflag:s18] =	ssyncadd.s32 $0xFFFFEC00  }
0x65: {  	[tilespmem:s21], [sflag:$0x1] =	stream.indirect.gather [hbm4b:s4+s20], $0x80, s28, s20, $0xb8;
	[tilespmem:$0x1E800] =	vst v63  }
0x66: {  	_ = 	snop  }
0x67: {  	[tilespmem:s22], [sflag:$0x2] =	stream.indirect.gather [hbm4b:s4+s20], $0x80, s20, s20, $0xb8;
	[tilespmem:$0x1E800] =	vst v63  }
0x68: {  	_ =	swait.ge [sflag:s23], $0x4000  }
0x69: {  	[sflag:s23] =	ssyncset.done $0x0  }
0x6a: {  	s28 =	simm.s32 $0x1400;
	[sflag:s23] =	ssyncadd.s32 $0xFFFFC000  }
0x6b: {  	[spmem:s1] =	stream.indirect.scatter.add.f32 [tilespmem:s21], [sflag:$0x3], $0x80, s28, s20, $0xb8;
	[tilespmem:$0x1E800] =	vst v63  }
0x6c: {  	_ =	swait.ge [sflag:s18], $0x4000  }
0x6d: {  	[sflag:s18] =	ssyncset.done $0x0  }
0x6e: {  	s28 =	simm.s32 $0x100;
	[sflag:s18] =	ssyncadd.s32 $0xFFFFC000  }
0x6f: {  	[tilespmem:s21], [sflag:$0x1] =	stream.indirect.gather [hbm4b:s4+s20], $0x80, s28, s20, $0xb8;
	[tilespmem:$0x1E800] =	vst v63  }
0x70: {  	_ =	swait.ge [sflag:s24], $0x4000  }
0x71: {  	[sflag:s24] =	ssyncset.done $0x0  }
0x72: {  	s28 =	simm.s32 $0x1480;
	[sflag:s24] =	ssyncadd.s32 $0xFFFFC000  }
0x73: {  	[spmem:s1] =	stream.indirect.scatter.add.f32 [tilespmem:s22], [sflag:$0x3], $0x80, s28, s20, $0xb8;
	[tilespmem:$0x1E800] =	vst v63  }
0x74: {  	_ =	swait.ge [sflag:s18], $0x4000  }
0x75: {  	[sflag:s18] =	ssyncset.done $0x0  }
0x76: {  	s29 =	simm.s32 $0x180;
	s28 =	simm.s32 $0x400;
	[sflag:s18] =	ssyncadd.s32 $0xFFFFC000  }
.LBB2_3:
0x77: {  	[tilespmem:s22], [sflag:$0x2] =	stream.indirect.gather [hbm4b:s4+s20], $0x80, s29, s20, $0xb8;
	[tilespmem:$0x1E800] =	vst v63  }
0x78: {  	s29 =	smov.u32 s28  }
0x79: {  	p1 =	sne.s32 s28, $0x4800;
	s28 =	sadd.s32 $0x400, s28;
	_ =	swait.ge [sflag:s23], $0x4000  }
0x7a: {  	s29 =	sshra.s32 s29, $0x2;
	[sflag:s23] =	ssyncset.done $0x0  }
0x7b: {  	s30 =	sadd.s32 $0x1400, s29;
	[sflag:s23] =	ssyncadd.s32 $0xFFFFC000  }
0x7c: {  	[spmem:s1] =	stream.indirect.scatter.add.f32 [tilespmem:s21], [sflag:$0x3], $0x80, s30, s20, $0xb8;
	[tilespmem:$0x1E800] =	vst v63  }
0x7d: {  	_ =	swait.ge [sflag:s18], $0x4000  }
0x7e: {  	[sflag:s18] =	ssyncset.done $0x0  }
0x7f: {  	s30 =	sadd.s32 $0x100, s29;
	[sflag:s18] =	ssyncadd.s32 $0xFFFFC000  }
0x80: {  	[tilespmem:s21], [sflag:$0x1] =	stream.indirect.gather [hbm4b:s4+s20], $0x80, s30, s20, $0xb8;
	[tilespmem:$0x1E800] =	vst v63  }
0x81: {  	_ =	swait.ge [sflag:s24], $0x4000  }
0x82: {  	[sflag:s24] =	ssyncset.done $0x0  }
.Ltmp5:
0x83: {  	s30 =	sadd.s32 $0x1480, s29;
	[sflag:s24] =	ssyncadd.s32 $0xFFFFC000;
	(pc) =	sbr.rel @p1 .LBB2_3-.Ltmp5, $4  }
0x84: {  	[spmem:s1] =	stream.indirect.scatter.add.f32 [tilespmem:s22], [sflag:$0x3], $0x80, s30, s20, $0xb8;
	[tilespmem:$0x1E800] =	vst v63  }
0x85: {  	_ =	swait.ge [sflag:s18], $0x4000  }
0x86: {  	[sflag:s18] =	ssyncset.done $0x0  }
0x87: {  	s29 =	sadd.s32 $0x180, s29;
	[sflag:s18] =	ssyncadd.s32 $0xFFFFC000  }
0x88: {  	[tilespmem:s22], [sflag:$0x2] =	stream.indirect.gather [hbm4b:s4+s20], $0x80, s29, s20, $0xb8;
	[tilespmem:$0x1E800] =	vst v63  }
0x89: {  	_ =	swait.ge [sflag:s23], $0x4000  }
0x8a: {  	[sflag:s23] =	ssyncset.done $0x0  }
0x8b: {  	[sflag:s23] =	ssyncadd.s32 $0xFFFFC000  }
0x8c: {  	[spmem:s1] =	stream.indirect.scatter.add.f32 [tilespmem:s21], [sflag:$0x3], $0x80, s25, s20, $0xb8;
	[tilespmem:$0x1E800] =	vst v63  }
0x8d: {  	_ =	swait.ge [sflag:s18], $0x4000  }
0x8e: {  	[sflag:s18] =	ssyncset.done $0x0  }
0x8f: {  	[sflag:s18] =	ssyncadd.s32 $0xFFFFC000  }
0x90: {  	_ =	swait.ge [sflag:s24], $0x4000  }
0x91: {  	[sflag:s24] =	ssyncset.done $0x0  }
0x92: {  	[sflag:s24] =	ssyncadd.s32 $0xFFFFC000  }
0x93: {  	[spmem:s1] =	stream.indirect.scatter.add.f32 [tilespmem:s22], [sflag:$0x3], $0x80, s26, s20, $0xb8;
	[tilespmem:$0x1E800] =	vst v63  }
0x94: {  	_ =	swait.ge [sflag:s18], $0x4000  }
0x95: {  	[sflag:s18] =	ssyncset.done $0x0  }
0x96: {  	s28 =	simm.s32 $0x0;
	[sflag:s18] =	ssyncadd.s32 $0xFFFFC000  }
0x97: {  	[tilespmem:s28], [sflag:$0x3] =	stream.linear.gather [hbm4b:s9+s28], $0x1400, $0x38;
	[tilespmem:$0x1E800] =	vst v63  }
0x98: {  	_ =	swait.ge [sflag:s18], $0x1400  }
0x99: {  	[sflag:s18] =	ssyncset.done $0x0  }
0x9a: {  	[sflag:s18] =	ssyncadd.s32 $0xFFFFEC00  }
0x9b: {  	[tilespmem:s19], [sflag:$0x3] =	stream.linear.gather [hbm4b:s10+s28], $0x1400, $0x38;
	[tilespmem:$0x1E800] =	vst v63  }
0x9c: {  	_ =	swait.ge [sflag:s18], $0x1400  }
0x9d: {  	[sflag:s18] =	ssyncset.done $0x0  }
0x9e: {  	[sflag:s18] =	ssyncadd.s32 $0xFFFFEC00  }
0x9f: {  	[tilespmem:s21], [sflag:$0x1] =	stream.indirect.gather [hbm4b:s4+s20], $0x80, s28, s20, $0xb8;
	[tilespmem:$0x1E800] =	vst v63  }
0xa0: {  	_ = 	snop  }
0xa1: {  	[tilespmem:s22], [sflag:$0x2] =	stream.indirect.gather [hbm4b:s4+s20], $0x80, s20, s20, $0xb8;
	[tilespmem:$0x1E800] =	vst v63  }
0xa2: {  	_ =	swait.ge [sflag:s23], $0x4000  }
0xa3: {  	[sflag:s23] =	ssyncset.done $0x0  }
0xa4: {  	s28 =	simm.s32 $0x1400;
	[sflag:s23] =	ssyncadd.s32 $0xFFFFC000  }
0xa5: {  	[spmem:s1] =	stream.indirect.scatter.add.f32 [tilespmem:s21], [sflag:$0x3], $0x80, s28, s20, $0xb8;
	[tilespmem:$0x1E800] =	vst v63  }
0xa6: {  	_ =	swait.ge [sflag:s18], $0x4000  }
0xa7: {  	[sflag:s18] =	ssyncset.done $0x0  }
0xa8: {  	s28 =	simm.s32 $0x100;
	[sflag:s18] =	ssyncadd.s32 $0xFFFFC000  }
0xa9: {  	[tilespmem:s21], [sflag:$0x1] =	stream.indirect.gather [hbm4b:s4+s20], $0x80, s28, s20, $0xb8;
	[tilespmem:$0x1E800] =	vst v63  }
0xaa: {  	_ =	swait.ge [sflag:s24], $0x4000  }
0xab: {  	[sflag:s24] =	ssyncset.done $0x0  }
0xac: {  	s28 =	simm.s32 $0x1480;
	[sflag:s24] =	ssyncadd.s32 $0xFFFFC000  }
0xad: {  	[spmem:s1] =	stream.indirect.scatter.add.f32 [tilespmem:s22], [sflag:$0x3], $0x80, s28, s20, $0xb8;
	[tilespmem:$0x1E800] =	vst v63  }
0xae: {  	_ =	swait.ge [sflag:s18], $0x4000  }
0xaf: {  	[sflag:s18] =	ssyncset.done $0x0  }
0xb0: {  	s29 =	simm.s32 $0x180;
	s28 =	simm.s32 $0x400;
	[sflag:s18] =	ssyncadd.s32 $0xFFFFC000  }
.LBB2_5:
0xb1: {  	[tilespmem:s22], [sflag:$0x2] =	stream.indirect.gather [hbm4b:s4+s20], $0x80, s29, s20, $0xb8;
	[tilespmem:$0x1E800] =	vst v63  }
0xb2: {  	s29 =	smov.u32 s28  }
0xb3: {  	p1 =	sne.s32 s28, $0x4800;
	s28 =	sadd.s32 $0x400, s28;
	_ =	swait.ge [sflag:s23], $0x4000  }
0xb4: {  	s29 =	sshra.s32 s29, $0x2;
	[sflag:s23] =	ssyncset.done $0x0  }
0xb5: {  	s30 =	sadd.s32 $0x1400, s29;
	[sflag:s23] =	ssyncadd.s32 $0xFFFFC000  }
0xb6: {  	[spmem:s1] =	stream.indirect.scatter.add.f32 [tilespmem:s21], [sflag:$0x3], $0x80, s30, s20, $0xb8;
	[tilespmem:$0x1E800] =	vst v63  }
0xb7: {  	_ =	swait.ge [sflag:s18], $0x4000  }
0xb8: {  	[sflag:s18] =	ssyncset.done $0x0  }
0xb9: {  	s30 =	sadd.s32 $0x100, s29;
	[sflag:s18] =	ssyncadd.s32 $0xFFFFC000  }
0xba: {  	[tilespmem:s21], [sflag:$0x1] =	stream.indirect.gather [hbm4b:s4+s20], $0x80, s30, s20, $0xb8;
	[tilespmem:$0x1E800] =	vst v63  }
0xbb: {  	_ =	swait.ge [sflag:s24], $0x4000  }
0xbc: {  	[sflag:s24] =	ssyncset.done $0x0  }
.Ltmp6:
0xbd: {  	s30 =	sadd.s32 $0x1480, s29;
	[sflag:s24] =	ssyncadd.s32 $0xFFFFC000;
	(pc) =	sbr.rel @p1 .LBB2_5-.Ltmp6, $4  }
0xbe: {  	[spmem:s1] =	stream.indirect.scatter.add.f32 [tilespmem:s22], [sflag:$0x3], $0x80, s30, s20, $0xb8;
	[tilespmem:$0x1E800] =	vst v63  }
0xbf: {  	_ =	swait.ge [sflag:s18], $0x4000  }
0xc0: {  	[sflag:s18] =	ssyncset.done $0x0  }
0xc1: {  	s29 =	sadd.s32 $0x180, s29;
	[sflag:s18] =	ssyncadd.s32 $0xFFFFC000  }
0xc2: {  	[tilespmem:s22], [sflag:$0x2] =	stream.indirect.gather [hbm4b:s4+s20], $0x80, s29, s20, $0xb8;
	[tilespmem:$0x1E800] =	vst v63  }
0xc3: {  	_ =	swait.ge [sflag:s23], $0x4000  }
0xc4: {  	[sflag:s23] =	ssyncset.done $0x0  }
0xc5: {  	[sflag:s23] =	ssyncadd.s32 $0xFFFFC000  }
0xc6: {  	[spmem:s1] =	stream.indirect.scatter.add.f32 [tilespmem:s21], [sflag:$0x3], $0x80, s25, s20, $0xb8;
	[tilespmem:$0x1E800] =	vst v63  }
0xc7: {  	_ =	swait.ge [sflag:s18], $0x4000  }
0xc8: {  	[sflag:s18] =	ssyncset.done $0x0  }
0xc9: {  	[sflag:s18] =	ssyncadd.s32 $0xFFFFC000  }
0xca: {  	_ =	swait.ge [sflag:s24], $0x4000  }
0xcb: {  	[sflag:s24] =	ssyncset.done $0x0  }
0xcc: {  	[sflag:s24] =	ssyncadd.s32 $0xFFFFC000  }
0xcd: {  	[spmem:s1] =	stream.indirect.scatter.add.f32 [tilespmem:s22], [sflag:$0x3], $0x80, s26, s20, $0xb8;
	[tilespmem:$0x1E800] =	vst v63  }
0xce: {  	_ =	swait.ge [sflag:s18], $0x4000  }
0xcf: {  	[sflag:s18] =	ssyncset.done $0x0  }
0xd0: {  	s28 =	simm.s32 $0x0;
	[sflag:s18] =	ssyncadd.s32 $0xFFFFC000  }
0xd1: {  	[tilespmem:s28], [sflag:$0x3] =	stream.linear.gather [hbm4b:s11+s28], $0x1400, $0x38;
	[tilespmem:$0x1E800] =	vst v63  }
0xd2: {  	_ =	swait.ge [sflag:s18], $0x1400  }
0xd3: {  	[sflag:s18] =	ssyncset.done $0x0  }
0xd4: {  	[sflag:s18] =	ssyncadd.s32 $0xFFFFEC00  }
0xd5: {  	[tilespmem:s19], [sflag:$0x3] =	stream.linear.gather [hbm4b:s12+s28], $0x1400, $0x38;
	[tilespmem:$0x1E800] =	vst v63  }
0xd6: {  	_ =	swait.ge [sflag:s18], $0x1400  }
0xd7: {  	[sflag:s18] =	ssyncset.done $0x0  }
0xd8: {  	[sflag:s18] =	ssyncadd.s32 $0xFFFFEC00  }
0xd9: {  	[tilespmem:s21], [sflag:$0x1] =	stream.indirect.gather [hbm4b:s4+s20], $0x80, s28, s20, $0xb8;
	[tilespmem:$0x1E800] =	vst v63  }
0xda: {  	_ = 	snop  }
0xdb: {  	[tilespmem:s22], [sflag:$0x2] =	stream.indirect.gather [hbm4b:s4+s20], $0x80, s20, s20, $0xb8;
	[tilespmem:$0x1E800] =	vst v63  }
0xdc: {  	_ =	swait.ge [sflag:s23], $0x4000  }
0xdd: {  	[sflag:s23] =	ssyncset.done $0x0  }
0xde: {  	s28 =	simm.s32 $0x1400;
	[sflag:s23] =	ssyncadd.s32 $0xFFFFC000  }
0xdf: {  	[spmem:s1] =	stream.indirect.scatter.add.f32 [tilespmem:s21], [sflag:$0x3], $0x80, s28, s20, $0xb8;
	[tilespmem:$0x1E800] =	vst v63  }
0xe0: {  	_ =	swait.ge [sflag:s18], $0x4000  }
0xe1: {  	[sflag:s18] =	ssyncset.done $0x0  }
0xe2: {  	s28 =	simm.s32 $0x100;
	[sflag:s18] =	ssyncadd.s32 $0xFFFFC000  }
0xe3: {  	[tilespmem:s21], [sflag:$0x1] =	stream.indirect.gather [hbm4b:s4+s20], $0x80, s28, s20, $0xb8;
	[tilespmem:$0x1E800] =	vst v63  }
0xe4: {  	_ =	swait.ge [sflag:s24], $0x4000  }
0xe5: {  	[sflag:s24] =	ssyncset.done $0x0  }
0xe6: {  	s28 =	simm.s32 $0x1480;
	[sflag:s24] =	ssyncadd.s32 $0xFFFFC000  }
0xe7: {  	[spmem:s1] =	stream.indirect.scatter.add.f32 [tilespmem:s22], [sflag:$0x3], $0x80, s28, s20, $0xb8;
	[tilespmem:$0x1E800] =	vst v63  }
0xe8: {  	_ =	swait.ge [sflag:s18], $0x4000  }
0xe9: {  	[sflag:s18] =	ssyncset.done $0x0  }
0xea: {  	s29 =	simm.s32 $0x180;
	s28 =	simm.s32 $0x400;
	[sflag:s18] =	ssyncadd.s32 $0xFFFFC000  }
.LBB2_7:
0xeb: {  	[tilespmem:s22], [sflag:$0x2] =	stream.indirect.gather [hbm4b:s4+s20], $0x80, s29, s20, $0xb8;
	[tilespmem:$0x1E800] =	vst v63  }
0xec: {  	s29 =	smov.u32 s28  }
0xed: {  	p1 =	seq.s32 s28, $0x4800;
	s28 =	sadd.s32 $0x400, s28;
	_ =	swait.ge [sflag:s23], $0x4000  }
0xee: {  	s29 =	sshra.s32 s29, $0x2;
	[sflag:s23] =	ssyncset.done $0x0  }
0xef: {  	s30 =	sadd.s32 $0x1400, s29;
	[sflag:s23] =	ssyncadd.s32 $0xFFFFC000  }
0xf0: {  	[spmem:s1] =	stream.indirect.scatter.add.f32 [tilespmem:s21], [sflag:$0x3], $0x80, s30, s20, $0xb8;
	[tilespmem:$0x1E800] =	vst v63  }
0xf1: {  	_ =	swait.ge [sflag:s18], $0x4000  }
0xf2: {  	[sflag:s18] =	ssyncset.done $0x0  }
0xf3: {  	s30 =	sadd.s32 $0x100, s29;
	[sflag:s18] =	ssyncadd.s32 $0xFFFFC000  }
0xf4: {  	[tilespmem:s21], [sflag:$0x1] =	stream.indirect.gather [hbm4b:s4+s20], $0x80, s30, s20, $0xb8;
	[tilespmem:$0x1E800] =	vst v63  }
0xf5: {  	_ =	swait.ge [sflag:s24], $0x4000  }
0xf6: {  	[sflag:s24] =	ssyncset.done $0x0  }
.Ltmp7:
0xf7: {  	s30 =	sadd.s32 $0x1480, s29;
	[sflag:s24] =	ssyncadd.s32 $0xFFFFC000;
	(pc) =	sbr.rel @!p1 .LBB2_7-.Ltmp7, $4  }
0xf8: {  	[spmem:s1] =	stream.indirect.scatter.add.f32 [tilespmem:s22], [sflag:$0x3], $0x80, s30, s20, $0xb8;
	[tilespmem:$0x1E800] =	vst v63  }
0xf9: {  	_ =	swait.ge [sflag:s18], $0x4000  }
0xfa: {  	[sflag:s18] =	ssyncset.done $0x0  }
0xfb: {  	s29 =	sadd.s32 $0x180, s29;
	[sflag:s18] =	ssyncadd.s32 $0xFFFFC000  }
.Ltmp8:
0xfc: {  	(pc) =	sbr.rel .LBB2_12-.Ltmp8, $2  }
0xfd: {  	_ =	sdelay $0x2  }
0xfe: {  	[tilespmem:s22], [sflag:$0x2] =	stream.indirect.gather [hbm4b:s4+s20], $0x80, s29, s20, $0xb8;
	[tilespmem:$0x1E800] =	vst v63  }
.LBB2_13:
0xff: {  	_ =	sfence.sel $0x180000  }
0x100: {  	[bflag:$0x0] =	sbarrier.arrive $0xFFFF  }
0x101: {  	p0 =	sne.s32 s2, $0x0;
	_ =	strace $0x9000004A  }
0x102: {  	s0 =	sadd.s32 @!p0 $0x100000, s0;
	[bflag:$0x2] =	sbarrier.arrive $0xFFFF  }
0x103: {  	[sflag:s0] =	ssyncadd.tile.s32 @!p0 $0x1;
	_ =	shalt  }
.Lfunc_end2:
_tile_overlayer_lowered:
.L_overlay_start_2:
0x104: {  	(tag) =	ssettag $0x2  }
0x105: {  	s0 =	rddreg [dreg:$0x0];
	s2 =	stileid.u32  }
0x106: {  	s1 =	rddreg [dreg:$0x1];
	p0 =	sne.s32 s2, $0x0  }
0x107: {  	s3 =	rddreg [dreg:$0x2];
	[bflag:$0x3] =	sbarrier.arrive $0xFFFF;
	s2 =	simm.s32 @!p0 $0x1C03  }
0x108: {  	[timem:s3], [sflag:s2] =	dma.local @!p0 [hbm:s0], s1  }
0x109: {  	s0 =	simm.s32 @!p0 $0x3  }
0x10a: {  	_ =	swait.ge @!p0 [sflag:s0], s1  }
0x10b: {  	s1 =	ssub.s32 @!p0 $0x0, s1;
	[sflag:s0] =	ssyncset.done @!p0 $0x0  }
0x10c: {  	[sflag:s0] =	ssyncadd.s32 @!p0 s1  }
0x10d: {  	[bflag:$0x3] =	sbarrier.arrive $0xFFFF  }
0x10e: {  	_ =	shalt  }

// kernel: kernel.14.cloned.1.call-start
scs
__scs_entry_jumppad:
0x0: {  	(pc) =	sbr.rel $0x88, $3  }
0x1: {  	(tag) =	ssettag $0x0;
	lr =	simm.s32 $0x1  }
0x2: {  	[smem:$0x3F99] =	sst lr;
	_ =	strace $0xD0000000  }
0x3: {  	_ = 	snop  }
0x4: {  	_ = 	snop  }
0x5: {  	_ = 	snop  }
0x6: {  	_ = 	snop  }
0x7: {  	_ = 	snop  }
__scs_overlays_trampoline_lowered:
0x8: {  	[smem:$0x3FA8] =	sst s0  }
0x9: {  	[smem:$0x3FA9] =	sst s1  }
0xa: {  	[smem:$0x3FAA] =	sst s2  }
0xb: {  	[smem:$0x3FAB] =	sst s3  }
0xc: {  	[smem:$0x3FAC] =	sst s4  }
0xd: {  	[smem:$0x3FAD] =	sst s5  }
0xe: {  	[smem:$0x3FAE] =	sst s6  }
0xf: {  	[smem:$0x3FAF] =	sst s7  }
0x10: {  	[smem:$0x3FB0] =	sst s8  }
0x11: {  	[smem:$0x3FB1] =	sst s9;
	s0 =	simm.s32 @!p0 $0x0  }
0x12: {  	s1 =	sld [smem:$0x3F97];
	s0 =	simm.s32 @p0 $0x1  }
0x13: {  	[smem:$0x3FB2] =	sst s0;
	s0 =	simm.s32 @!p1 $0x0  }
0x14: {  	s2 =	sld [smem:$0x3F96];
	s0 =	simm.s32 @p1 $0x1  }
0x15: {  	[smem:$0x3FB3] =	sst s0;
	s0 =	simm.s32 @!p2 $0x0  }
0x16: {  	s3 =	sld [smem:$0x3FDB];
	s0 =	simm.s32 @p2 $0x1  }
0x17: {  	s4 =	simm.s32 $0x1BF5;
	[smem:$0x3FB5] =	sst s0  }
0x18: {  	s0 =	sld [smem:$0x3F98];
	_ =	swait.ge [sflag:s4], $0x0  }
0x19: {  	s7 =	sld [smem:$0x3F99]  }
0x1a: {  	s8 =	sadd.s32 $0xFFFFE003, lr  }
0x1b: {  	s9 =	sadd.s32 $0xFFFFFEF7, lr;
	s5 =	simm.s32 $0xFFFFFFFF;
	p2 =	slt.u32 s8, $0xFFFFF086  }
0x1c: {  	p1 =	slt.u32 s9, $0xF7A;
	s5 =	simm.s32 @!p2 $0x0  }
0x1d: {  	s5 =	simm.s32 @p1 $0x1;
	p0 =	seq.s32 s7, s2  }
0x1e: {  	s7 =	smul.u32 @!p0 $0xF7A, s2;
	p2 =	seq.s32 @!p0 s5, $0x0  }
0x1f: {  	s9 =	smul.u32 $0xF7A, s1;
	s8 =	simm.s32 @!p0 $0x1BF5;
	p2 =	por !p2, p0  }
0x20: {  	[sflag:s8] =	ssyncset.s32 @!p0 $0xFFFFF086;
	s6 =	sadd.s32 @!p0 s3, s7;
	s7 =	simm.s32 @!p0 $0x108  }
0x21: {  	s3 =	sadd.s32 s3, s9;
	s6 =	sadd.s32 @!p0 $0x88, s6;
	s7 =	simm.s32 @p2 $0x1082  }
0x22: {  	[simem:s7], [sflag:s8] =	dma.local @!p0 [hbm:s6], $0xF7A  }
0x23: {  	s9 =	sor.u32 $0xD0000000, s2;
	s6 =	simm.s32 $0x108;
	_ =	swait.ge @!p0 [sflag:s8], $0x0  }
0x24: {  	s3 =	sadd.s32 $0x88, s3;
	s6 =	simm.s32 @!p1 $0x1082;
	[sflag:s4] =	ssyncset.s32 $0xFFFFF086  }
0x25: {  	[simem:s6], [sflag:s4] =	dma.local [hbm:s3], $0xF7A  }
0x26: {  	[smem:$0x3F99] =	sst s1;
	(tag) =	ssettag s2;
	_ =	strace s9  }
0x27: {  	s1 =	sld [smem:$0x3FA9]  }
0x28: {  	s2 =	sld [smem:$0x3FAA]  }
0x29: {  	s4 =	sld [smem:$0x3FAC]  }
0x2a: {  	p0 =	seq.s32 s5, $0x0;
	s5 =	sld [smem:$0x3FAD]  }
0x2b: {  	s6 =	sld [smem:$0x3FAE]  }
0x2c: {  	s7 =	sld [smem:$0x3FAF]  }
0x2d: {  	s3 =	simm.s32 $0x108;
	s8 =	sld [smem:$0x3FB0]  }
0x2e: {  	s3 =	simm.s32 @!p0 $0x1082;
	s9 =	sld [smem:$0x3FB1]  }
0x2f: {  	lr =	sadd.s32 s0, s3;
	s0 =	sld [smem:$0x3FA8]  }
0x30: {  	s3 =	sld [smem:$0x3FAB]  }
0x31: {  	[smem:$0x3FB4] =	sst s10  }
0x32: {  	s10 =	sld [smem:$0x3FB2];
	_ =	sdelay $0x3  }
0x33: {  	p0 =	seq.s32 s10, $0x1;
	s10 =	sld [smem:$0x3FB4];
	_ =	sdelay $0x3  }
0x34: {  	[smem:$0x3FB4] =	sst s10  }
0x35: {  	s10 =	sld [smem:$0x3FB3];
	_ =	sdelay $0x3  }
0x36: {  	p1 =	seq.s32 s10, $0x1;
	s10 =	sld [smem:$0x3FB4];
	_ =	sdelay $0x3  }
0x37: {  	[smem:$0x3FB4] =	sst s10  }
0x38: {  	s10 =	sld [smem:$0x3FB5]  }
0x39: {  	_ = 	snop;
	(pc) =	sbr.ind lr, $3  }
0x3a: {  	_ = 	snop  }
0x3b: {  	_ = 	snop  }
0x3c: {  	p2 =	seq.s32 s10, $0x1;
	s10 =	sld [smem:$0x3FB4]  }
0x3d: {  	_ =	shalt  }
0x3e: {  	_ =	shalt  }
0x3f: {  	_ =	shalt  }
0x40: {  	_ =	shalt  }
0x41: {  	_ =	shalt  }
0x42: {  	_ =	shalt  }
0x43: {  	_ =	shalt  }
0x44: {  	_ =	shalt  }
0x45: {  	_ =	shalt  }
0x46: {  	_ =	shalt  }
0x47: {  	_ =	shalt  }
0x48: {  	_ =	shalt  }
0x49: {  	_ =	shalt  }
0x4a: {  	_ =	shalt  }
0x4b: {  	_ =	shalt  }
0x4c: {  	_ =	shalt  }
0x4d: {  	_ =	shalt  }
0x4e: {  	_ =	shalt  }
0x4f: {  	_ =	shalt  }
0x50: {  	_ =	shalt  }
0x51: {  	_ =	shalt  }
0x52: {  	_ =	shalt  }
0x53: {  	_ =	shalt  }
0x54: {  	_ =	shalt  }
0x55: {  	_ =	shalt  }
0x56: {  	_ =	shalt  }
0x57: {  	_ =	shalt  }
0x58: {  	_ =	shalt  }
0x59: {  	_ =	shalt  }
0x5a: {  	_ =	shalt  }
0x5b: {  	_ =	shalt  }
0x5c: {  	_ =	shalt  }
0x5d: {  	_ =	shalt  }
0x5e: {  	_ =	shalt  }
0x5f: {  	_ =	shalt  }
0x60: {  	_ =	shalt  }
0x61: {  	_ =	shalt  }
0x62: {  	_ =	shalt  }
0x63: {  	_ =	shalt  }
0x64: {  	_ =	shalt  }
0x65: {  	_ =	shalt  }
0x66: {  	_ =	shalt  }
0x67: {  	_ =	shalt  }
0x68: {  	_ =	shalt  }
0x69: {  	_ =	shalt  }
0x6a: {  	_ =	shalt  }
0x6b: {  	_ =	shalt  }
0x6c: {  	_ =	shalt  }
0x6d: {  	_ =	shalt  }
0x6e: {  	_ =	shalt  }
0x6f: {  	_ =	shalt  }
0x70: {  	_ =	shalt  }
0x71: {  	_ =	shalt  }
0x72: {  	_ =	shalt  }
0x73: {  	_ =	shalt  }
0x74: {  	_ =	shalt  }
0x75: {  	_ =	shalt  }
0x76: {  	_ =	shalt  }
0x77: {  	_ =	shalt  }
0x78: {  	_ =	shalt  }
0x79: {  	_ =	shalt  }
0x7a: {  	_ =	shalt  }
0x7b: {  	_ =	shalt  }
0x7c: {  	_ =	shalt  }
0x7d: {  	_ =	shalt  }
0x7e: {  	_ =	shalt  }
0x7f: {  	_ =	shalt  }
0x80: {  	_ =	shalt  }
0x81: {  	_ =	shalt  }
0x82: {  	_ =	shalt  }
0x83: {  	_ =	shalt  }
0x84: {  	_ =	shalt  }
0x85: {  	_ =	shalt  }
0x86: {  	_ =	shalt  }
0x87: {  	_ =	shalt  }
.Lfunc_end0:
.L_simem_size_0:
called_computation.2_lowered:
.L_overlay_start_0:
0x88: {  	s2 =	sld [smem:$0x3FD9]  }
0x89: {  	s3 =	sld [smem:$0x3FFE];
	_ =	sdelay $0x1  }
0x8a: {  	s1 =	srdreg.scid  }
0x8b: {  	s0 =	sand.u32 $0x1, s1  }
0x8c: {  	s17 =	sshll.u32 s0, $0xA;
	s2 =	sadd.s32 s3, s2  }
0x8d: {  	s2 =	sadd.s32 s2, s17  }
0x8e: {  	[smem:$0x3FC0] =	sst s2  }
0x8f: {  	_ = 	snop  }
0x90: {  	s2 =	sld [smem:$0x3FD0];
	(tm) =	ssettm $0x1  }
0x91: {  	s18 =	sld [smem:$0x3FFB];
	_ =	sdelay $0x3  }
0x92: {  	_ =	strace s18  }
0x93: {  	s3 =	sld [smem:$0x3FFC];
	_ =	sdelay $0x3  }
0x94: {  	_ =	strace s3  }
0x95: {  	s3 =	sld [smem:$0x3FFD];
	_ =	sdelay $0x3  }
0x96: {  	_ =	strace s3  }
0x97: {  	_ =	strace $0x8FFFFFFF  }
0x98: {  	s19 =	sld [smem:$0x3FDB];
	_ =	sdelay $0x1  }
0x99: {  	s4 =	simm.s32 $_scs_section_size  }
0x9a: {  	s5 =	simm.s32 $_size__tile_overlayer_lowered;
	s6 =	simm.s32 $_tile_overlayer_lowered  }
0x9b: {  	s22 =	simm.s32 $0x1BFF;
	s21 =	sshll.u32 s6, $0x1;
	s3 =	sadd.s32 s4, s19  }
0x9c: {  	s7 =	simm.s32 $0x0;
	s20 =	sshll.u32 s5, $0x1;
	s5 =	sadd.s32 s21, s3  }
0x9d: {  	[timem:s7], [sflag:s22] =	dma.local [hbm:s5], s20  }
0x9e: {  	_ =	swait.ge [sflag:s22], s20  }
0x9f: {  	s4 =	ssub.s32 $0x0, s20;
	[sflag:s22] =	ssyncset.done $0x0  }
0xa0: {  	[sflag:s22] =	ssyncadd.s32 s4;
	_ =	sdelay $0x1  }
0xa1: {  	s23 =	simm.s32 $0x1B8B  }
0xa2: {  	_ =	swait.ge [sflag:s23], $0x1  }
0xa3: {  	[sflag:s23] =	ssyncset.done $0x0  }
0xa4: {  	s25 =	simm.s32 $0x1B8E;
	s24 =	sld [smem:$0x3FFE];
	[sflag:s23] =	ssyncadd.s32 $0xFFFFFFFF  }
0xa5: {  	s26 =	simm.s32 $execute0_lowered;
	[smem:$0x3FD2] =	sst s25  }
0xa6: {  	s5 =	sshll.u32 s26, $0x1;
	_ =	strace $0x8000004C;
	[dreg:$0x1] =	wrdreg $0xFFFFFFFF  }
0xa7: {  	s28 =	simm.s32 $_size_execute0_lowered;
	s3 =	sadd.s32 s3, s5;
	[dreg:$0x0] =	wrdreg $0x0  }
0xa8: {  	s5 =	sshll.u32 s28, $0x1;
	[dreg:$0x2] =	wrdreg s3  }
0xa9: {  	[dreg:$0x3] =	wrdreg s5  }
0xaa: {  	[dreg:$0x4] =	wrdreg $0xC0  }
0xab: {  	_ =	task [dreg:s7], $0x5FFFF  }
0xac: {  	[dreg:$0x1] =	wrdreg $0xFFFFFFFF  }
0xad: {  	[dreg:$0x0] =	wrdreg $0x60  }
0xae: {  	[dreg:$0x2] =	wrdreg s24  }
0xaf: {  	[dreg:$0x3] =	wrdreg s2  }
0xb0: {  	[dreg:$0x4] =	wrdreg $0xA8000  }
0xb1: {  	[dreg:$0x5] =	wrdreg $0x9  }
0xb2: {  	_ =	task.clear_ibuf [dreg:s7], $0x6FFFF;
	_ =	strace $0x9000004C  }
0xb3: {  	s29 =	simm.s32 $0x9;
	_ =	strace $0x8000004E  }
0xb4: {  	_ =	swait.ge [sflag:s29], $0x1  }
0xb5: {  	[sflag:s29] =	ssyncadd.s32 $0xFFFFFFFF  }
0xb6: {  	_ =	strace $0x9000004E  }
0xb7: {  	_ =	sfence  }
0xb8: {  	s30 =	sld [smem:$0x0];
	_ =	sdelay $0x2  }
0xb9: {  	s31 =	sshll.u32 s1, $0xD;
	s1 =	sshrl.u32 s1, $0x2  }
0xba: {  	s3 =	sand.u32 $0x4000, s31;
	s1 =	sadd.s32 s1, s30  }
0xbb: {  	s0 =	sor.u32 s3, s0;
	s1 =	sshll.u32 s1, $0x11  }
0xbc: {  	s0 =	sor.u32 s1, s0  }
0xbd: {  	s0 =	sadd.s32 $0x8F2B, s0  }
0xbe: {  	[sflag:s0] =	ssyncadd.remote.s32 $0x1  }
0xbf: {  	_ =	sfence.sel $0xFFFF  }
0xc0: {  	[dreg:$0x0] =	wrdreg $0xFFFFFFFF;
	(pc) =	sbr.abs _section_cstart, $3  }
0xc1: {  	[dreg:$0x1] =	wrdreg $0xFFFFFFFF  }
0xc2: {  	_ =	task.clear_ibuf [dreg:s7], $0x2FFFF;
	_ =	strace $0x9FFFFFFF  }
0xc3: {  	(tm) =	ssettm $0x7FFFFFFF  }
tec
execute0_lowered:
.L_overlay_start_1:
0x0: {  	(tag) =	ssettag $0x1  }
0x1: {  	s6 =	rddreg [dreg:$0x0]  }
0x2: {  	s13 =	rddreg [dreg:$0x1]  }
0x3: {  	s1 =	rddreg [dreg:$0x2]  }
0x4: {  	s2 =	srdreg.scid;
	s0 =	rddreg [dreg:$0x3]  }
0x5: {  	s3 =	simm.s32 $0x0;
	s20 =	simm.s32 $0x80;
	s7 =	sand.u32 $0x1, s2  }
0x6: {  	s21 =	simm.s32 $0x2800;
	s2 =	stileid.u32;
	s5 =	smul.u32 $0x140000, s7  }
0x7: {  	s22 =	simm.s32 $0x6800;
	s23 =	simm.s32 $0x1;
	s8 =	smul.u32 $0x14000, s2  }
0x8: {  	[smem:$0x7FF] =	sst s3;
	s4 =	sadd.s32 $0x60200, s6;
	s11 =	smul.u32 $0x50000, s2  }
0x9: {  	s14 =	sadd.s32 $0x3200, s6;
	_ =	strace $0x8000004D;
	s28 =	smul.u32 $0x3C00, s2  }
0xa: {  	s24 =	ssub.s32 $0x2, s7;
	s26 =	sshll.u32 s2, $0x6;
	s29 =	smul.u32 $0x780, s2  }
0xb: {  	p0 =	seq.s32 s7, $0x1;
	s31 =	smul.u32 $0x1400, s2;
	s10 =	sshrl.u32 s24, $0x1  }
0xc: {  	s5 =	sadd.s32 s8, s5;
	s16 =	ssub.s32 s24, s10;
	s25 =	sshrl.u32 s11, $0x2  }
0xd: {  	s30 =	sshrl.u32 s28, $0x3;
	s7 =	sadd.s32 s13, s29;
	s8 =	sadd.s32 s14, s29  }
0xe: {  	s19 =	sshrl.u32 s31, $0x3;
	s24 =	simm.s32 $0x2;
	s9 =	sshrl.u32 s5, $0x3  }
0xf: {  	s5 =	sadd.s32 $0xD200, s6;
	s17 =	sadd.s32 s25, s1;
	s12 =	sadd.s32 $0x280, s30  }
0x10: {  	s18 =	sadd.s32 $0x500, s30;
	s19 =	sadd.s32 $0x7800, s19;
	s16 =	smax.u32 s16, $0x1  }
.Ltmp0:
0x11: {  	s25 =	simm.s32 $0x2700;
	s15 =	sadd.s32 s9, s6;
	(pc) =	sbr.rel .LBB2_1-.Ltmp0, $4  }
0x12: {  	s6 =	sor.u32 $0x1C03, s26;
	s9 =	sadd.s32 s13, s12;
	s10 =	sadd.s32 s14, s12  }
0x13: {  	s11 =	sadd.s32 s13, s18;
	s12 =	sadd.s32 s14, s18;
	s13 =	sadd.s32 s13, s19  }
0x14: {  	s14 =	sadd.s32 s14, s19;
	s17 =	sshrl.u32 s17, $0x3;
	s18 =	simm.s32 $0x3  }
0x15: {  	s19 =	simm.s32 $0x1400;
	s26 =	simm.s32 $0x2780;
	s15 =	sadd.s32 $0x88200, s15  }
.LBB2_11:
0x16: {  	[tilespmem:s22], [sflag:$0x2] =	stream.indirect.gather [hbm4b:s4+s20], $0x80, s29, s20, $0xb8;
	[tilespmem:$0x1E800] =	vst v63  }
.LBB2_12:
0x17: {  	_ =	swait.ge [sflag:s23], $0x4000  }
0x18: {  	[sflag:s23] =	ssyncset.done $0x0  }
0x19: {  	[sflag:s23] =	ssyncadd.s32 $0xFFFFC000  }
0x1a: {  	[spmem:s1] =	stream.indirect.scatter.add.f32 [tilespmem:s21], [sflag:$0x3], $0x80, s25, s20, $0xb8;
	[tilespmem:$0x1E800] =	vst v63  }
0x1b: {  	_ =	swait.ge [sflag:s18], $0x4000  }
0x1c: {  	[sflag:s18] =	ssyncset.done $0x0  }
0x1d: {  	[sflag:s18] =	ssyncadd.s32 $0xFFFFC000  }
0x1e: {  	_ =	swait.ge [sflag:s24], $0x4000  }
0x1f: {  	[sflag:s24] =	ssyncset.done $0x0  }
0x20: {  	[sflag:s24] =	ssyncadd.s32 $0xFFFFC000  }
0x21: {  	[spmem:s1] =	stream.indirect.scatter.add.f32 [tilespmem:s22], [sflag:$0x3], $0x80, s26, s20, $0xb8;
	[tilespmem:$0x1E800] =	vst v63  }
0x22: {  	_ =	swait.ge [sflag:s18], $0x4000  }
0x23: {  	s3 =	sadd.s32 $0x1, s3;
	[sflag:s18] =	ssyncset.done $0x0  }
0x24: {  	p1 =	sne.s32 s3, s16;
	[sflag:s18] =	ssyncadd.s32 $0xFFFFC000  }
.Ltmp1:
0x25: {  	[bflag:$0x0] =	sbarrier.arrive $0xFFFF;
	(pc) =	sbr.rel @!p1 .LBB2_13-.Ltmp1, $4  }
0x26: {  	[hbm:s15], [sflag:s6] =	dma.local [spmem:s17], $0x2800  }
0x27: {  	_ =	swait.ge [sflag:s18], $0x2800  }
0x28: {  	[sflag:s18] =	ssyncset.done $0x0  }
0x29: {  	[sflag:s18] =	ssyncadd.s32 $0xFFFFD800  }
.LBB2_1:
0x2a: {  	[spmem:s17], [sflag:s6] =	dma.local [hbm:s5], $0x2800  }
.Ltmp2:
0x2b: {  	_ =	swait.ge [sflag:s18], $0x2800;
	(pc) =	sbr.rel @!p0 .LBB2_2-.Ltmp2, $4  }
0x2c: {  	[sflag:s18] =	ssyncset.done $0x0  }
0x2d: {  	[sflag:s18] =	ssyncadd.s32 $0xFFFFD800  }
0x2e: {  	[bflag:$0x0] =	sbarrier.arrive $0xFFFF  }
0x2f: {  	s28 =	simm.s32 $0x0  }
0x30: {  	[tilespmem:s28], [sflag:$0x3] =	stream.linear.gather [hbm4b:s13+s28], $0x1400, $0x38;
	[tilespmem:$0x1E800] =	vst v63  }
0x31: {  	_ =	swait.ge [sflag:s18], $0x1400  }
0x32: {  	[sflag:s18] =	ssyncset.done $0x0  }
0x33: {  	[sflag:s18] =	ssyncadd.s32 $0xFFFFEC00  }
0x34: {  	[tilespmem:s19], [sflag:$0x3] =	stream.linear.gather [hbm4b:s14+s28], $0x1400, $0x38;
	[tilespmem:$0x1E800] =	vst v63  }
0x35: {  	_ =	swait.ge [sflag:s18], $0x1400  }
0x36: {  	[sflag:s18] =	ssyncset.done $0x0  }
0x37: {  	[sflag:s18] =	ssyncadd.s32 $0xFFFFEC00  }
0x38: {  	[tilespmem:s21], [sflag:$0x1] =	stream.indirect.gather [hbm4b:s4+s20], $0x80, s28, s20, $0xb8;
	[tilespmem:$0x1E800] =	vst v63  }
0x39: {  	_ = 	snop  }
0x3a: {  	[tilespmem:s22], [sflag:$0x2] =	stream.indirect.gather [hbm4b:s4+s20], $0x80, s20, s20, $0xb8;
	[tilespmem:$0x1E800] =	vst v63  }
0x3b: {  	_ =	swait.ge [sflag:s23], $0x4000  }
0x3c: {  	[sflag:s23] =	ssyncset.done $0x0  }
0x3d: {  	s28 =	simm.s32 $0x1400;
	[sflag:s23] =	ssyncadd.s32 $0xFFFFC000  }
0x3e: {  	[spmem:s1] =	stream.indirect.scatter.add.f32 [tilespmem:s21], [sflag:$0x3], $0x80, s28, s20, $0xb8;
	[tilespmem:$0x1E800] =	vst v63  }
0x3f: {  	_ =	swait.ge [sflag:s18], $0x4000  }
0x40: {  	[sflag:s18] =	ssyncset.done $0x0  }
0x41: {  	s28 =	simm.s32 $0x100;
	[sflag:s18] =	ssyncadd.s32 $0xFFFFC000  }
0x42: {  	[tilespmem:s21], [sflag:$0x1] =	stream.indirect.gather [hbm4b:s4+s20], $0x80, s28, s20, $0xb8;
	[tilespmem:$0x1E800] =	vst v63  }
0x43: {  	_ =	swait.ge [sflag:s24], $0x4000  }
0x44: {  	[sflag:s24] =	ssyncset.done $0x0  }
0x45: {  	s28 =	simm.s32 $0x1480;
	[sflag:s24] =	ssyncadd.s32 $0xFFFFC000  }
0x46: {  	[spmem:s1] =	stream.indirect.scatter.add.f32 [tilespmem:s22], [sflag:$0x3], $0x80, s28, s20, $0xb8;
	[tilespmem:$0x1E800] =	vst v63  }
0x47: {  	_ =	swait.ge [sflag:s18], $0x4000  }
0x48: {  	[sflag:s18] =	ssyncset.done $0x0  }
0x49: {  	s29 =	simm.s32 $0x180;
	s28 =	simm.s32 $0x400;
	[sflag:s18] =	ssyncadd.s32 $0xFFFFC000  }
.LBB2_10:
0x4a: {  	[tilespmem:s22], [sflag:$0x2] =	stream.indirect.gather [hbm4b:s4+s20], $0x80, s29, s20, $0xb8;
	[tilespmem:$0x1E800] =	vst v63  }
0x4b: {  	s29 =	smov.u32 s28  }
0x4c: {  	p1 =	sne.s32 s28, $0x4800;
	s28 =	sadd.s32 $0x400, s28;
	_ =	swait.ge [sflag:s23], $0x4000  }
0x4d: {  	s29 =	sshra.s32 s29, $0x2;
	[sflag:s23] =	ssyncset.done $0x0  }
0x4e: {  	s30 =	sadd.s32 $0x1400, s29;
	[sflag:s23] =	ssyncadd.s32 $0xFFFFC000  }
0x4f: {  	[spmem:s1] =	stream.indirect.scatter.add.f32 [tilespmem:s21], [sflag:$0x3], $0x80, s30, s20, $0xb8;
	[tilespmem:$0x1E800] =	vst v63  }
0x50: {  	_ =	swait.ge [sflag:s18], $0x4000  }
0x51: {  	[sflag:s18] =	ssyncset.done $0x0  }
0x52: {  	s30 =	sadd.s32 $0x100, s29;
	[sflag:s18] =	ssyncadd.s32 $0xFFFFC000  }
0x53: {  	[tilespmem:s21], [sflag:$0x1] =	stream.indirect.gather [hbm4b:s4+s20], $0x80, s30, s20, $0xb8;
	[tilespmem:$0x1E800] =	vst v63  }
0x54: {  	_ =	swait.ge [sflag:s24], $0x4000  }
0x55: {  	[sflag:s24] =	ssyncset.done $0x0  }
.Ltmp3:
0x56: {  	s30 =	sadd.s32 $0x1480, s29;
	[sflag:s24] =	ssyncadd.s32 $0xFFFFC000;
	(pc) =	sbr.rel @p1 .LBB2_10-.Ltmp3, $4  }
0x57: {  	[spmem:s1] =	stream.indirect.scatter.add.f32 [tilespmem:s22], [sflag:$0x3], $0x80, s30, s20, $0xb8;
	[tilespmem:$0x1E800] =	vst v63  }
0x58: {  	_ =	swait.ge [sflag:s18], $0x4000  }
0x59: {  	[sflag:s18] =	ssyncset.done $0x0  }
0x5a: {  	s29 =	sadd.s32 $0x180, s29;
	[sflag:s18] =	ssyncadd.s32 $0xFFFFC000  }
.Ltmp4:
0x5b: {  	_ = 	snop;
	(pc) =	sbr.rel .LBB2_11-.Ltmp4, $1  }
0x5c: {  	_ =	sdelay $0x3  }
.LBB2_2:
0x5d: {  	[tilespmem:s28], [sflag:$0x3] =	stream.linear.gather [hbm4b:s7+s28], $0x1400, $0x38;
	[tilespmem:$0x1E800] =	vst v63  }
0x5e: {  	_ =	swait.ge [sflag:s18], $0x1400  }
0x5f: {  	[sflag:s18] =	ssyncset.done $0x0  }
0x60: {  	[sflag:s18] =	ssyncadd.s32 $0xFFFFEC00  }
0x61: {  	[tilespmem:s19], [sflag:$0x3] =	stream.linear.gather [hbm4b:s8+s28], $0x1400, $0x38;
	[tilespmem:$0x1E800] =	vst v63  }
0x62: {  	_ =	swait.ge [sflag:s18], $0x1400  }
0x63: {  	[sflag:s18] =	ssyncset.done $0x0  }
0x64: {  	[sflag:s18] =	ssyncadd.s32 $0xFFFFEC00  }
0x65: {  	[tilespmem:s21], [sflag:$0x1] =	stream.indirect.gather [hbm4b:s4+s20], $0x80, s28, s20, $0xb8;
	[tilespmem:$0x1E800] =	vst v63  }
0x66: {  	_ = 	snop  }
0x67: {  	[tilespmem:s22], [sflag:$0x2] =	stream.indirect.gather [hbm4b:s4+s20], $0x80, s20, s20, $0xb8;
	[tilespmem:$0x1E800] =	vst v63  }
0x68: {  	_ =	swait.ge [sflag:s23], $0x4000  }
0x69: {  	[sflag:s23] =	ssyncset.done $0x0  }
0x6a: {  	s28 =	simm.s32 $0x1400;
	[sflag:s23] =	ssyncadd.s32 $0xFFFFC000  }
0x6b: {  	[spmem:s1] =	stream.indirect.scatter.add.f32 [tilespmem:s21], [sflag:$0x3], $0x80, s28, s20, $0xb8;
	[tilespmem:$0x1E800] =	vst v63  }
0x6c: {  	_ =	swait.ge [sflag:s18], $0x4000  }
0x6d: {  	[sflag:s18] =	ssyncset.done $0x0  }
0x6e: {  	s28 =	simm.s32 $0x100;
	[sflag:s18] =	ssyncadd.s32 $0xFFFFC000  }
0x6f: {  	[tilespmem:s21], [sflag:$0x1] =	stream.indirect.gather [hbm4b:s4+s20], $0x80, s28, s20, $0xb8;
	[tilespmem:$0x1E800] =	vst v63  }
0x70: {  	_ =	swait.ge [sflag:s24], $0x4000  }
0x71: {  	[sflag:s24] =	ssyncset.done $0x0  }
0x72: {  	s28 =	simm.s32 $0x1480;
	[sflag:s24] =	ssyncadd.s32 $0xFFFFC000  }
0x73: {  	[spmem:s1] =	stream.indirect.scatter.add.f32 [tilespmem:s22], [sflag:$0x3], $0x80, s28, s20, $0xb8;
	[tilespmem:$0x1E800] =	vst v63  }
0x74: {  	_ =	swait.ge [sflag:s18], $0x4000  }
0x75: {  	[sflag:s18] =	ssyncset.done $0x0  }
0x76: {  	s29 =	simm.s32 $0x180;
	s28 =	simm.s32 $0x400;
	[sflag:s18] =	ssyncadd.s32 $0xFFFFC000  }
.LBB2_3:
0x77: {  	[tilespmem:s22], [sflag:$0x2] =	stream.indirect.gather [hbm4b:s4+s20], $0x80, s29, s20, $0xb8;
	[tilespmem:$0x1E800] =	vst v63  }
0x78: {  	s29 =	smov.u32 s28  }
0x79: {  	p1 =	sne.s32 s28, $0x4800;
	s28 =	sadd.s32 $0x400, s28;
	_ =	swait.ge [sflag:s23], $0x4000  }
0x7a: {  	s29 =	sshra.s32 s29, $0x2;
	[sflag:s23] =	ssyncset.done $0x0  }
0x7b: {  	s30 =	sadd.s32 $0x1400, s29;
	[sflag:s23] =	ssyncadd.s32 $0xFFFFC000  }
0x7c: {  	[spmem:s1] =	stream.indirect.scatter.add.f32 [tilespmem:s21], [sflag:$0x3], $0x80, s30, s20, $0xb8;
	[tilespmem:$0x1E800] =	vst v63  }
0x7d: {  	_ =	swait.ge [sflag:s18], $0x4000  }
0x7e: {  	[sflag:s18] =	ssyncset.done $0x0  }
0x7f: {  	s30 =	sadd.s32 $0x100, s29;
	[sflag:s18] =	ssyncadd.s32 $0xFFFFC000  }
0x80: {  	[tilespmem:s21], [sflag:$0x1] =	stream.indirect.gather [hbm4b:s4+s20], $0x80, s30, s20, $0xb8;
	[tilespmem:$0x1E800] =	vst v63  }
0x81: {  	_ =	swait.ge [sflag:s24], $0x4000  }
0x82: {  	[sflag:s24] =	ssyncset.done $0x0  }
.Ltmp5:
0x83: {  	s30 =	sadd.s32 $0x1480, s29;
	[sflag:s24] =	ssyncadd.s32 $0xFFFFC000;
	(pc) =	sbr.rel @p1 .LBB2_3-.Ltmp5, $4  }
0x84: {  	[spmem:s1] =	stream.indirect.scatter.add.f32 [tilespmem:s22], [sflag:$0x3], $0x80, s30, s20, $0xb8;
	[tilespmem:$0x1E800] =	vst v63  }
0x85: {  	_ =	swait.ge [sflag:s18], $0x4000  }
0x86: {  	[sflag:s18] =	ssyncset.done $0x0  }
0x87: {  	s29 =	sadd.s32 $0x180, s29;
	[sflag:s18] =	ssyncadd.s32 $0xFFFFC000  }
0x88: {  	[tilespmem:s22], [sflag:$0x2] =	stream.indirect.gather [hbm4b:s4+s20], $0x80, s29, s20, $0xb8;
	[tilespmem:$0x1E800] =	vst v63  }
0x89: {  	_ =	swait.ge [sflag:s23], $0x4000  }
0x8a: {  	[sflag:s23] =	ssyncset.done $0x0  }
0x8b: {  	[sflag:s23] =	ssyncadd.s32 $0xFFFFC000  }
0x8c: {  	[spmem:s1] =	stream.indirect.scatter.add.f32 [tilespmem:s21], [sflag:$0x3], $0x80, s25, s20, $0xb8;
	[tilespmem:$0x1E800] =	vst v63  }
0x8d: {  	_ =	swait.ge [sflag:s18], $0x4000  }
0x8e: {  	[sflag:s18] =	ssyncset.done $0x0  }
0x8f: {  	[sflag:s18] =	ssyncadd.s32 $0xFFFFC000  }
0x90: {  	_ =	swait.ge [sflag:s24], $0x4000  }
0x91: {  	[sflag:s24] =	ssyncset.done $0x0  }
0x92: {  	[sflag:s24] =	ssyncadd.s32 $0xFFFFC000  }
0x93: {  	[spmem:s1] =	stream.indirect.scatter.add.f32 [tilespmem:s22], [sflag:$0x3], $0x80, s26, s20, $0xb8;
	[tilespmem:$0x1E800] =	vst v63  }
0x94: {  	_ =	swait.ge [sflag:s18], $0x4000  }
0x95: {  	[sflag:s18] =	ssyncset.done $0x0  }
0x96: {  	s28 =	simm.s32 $0x0;
	[sflag:s18] =	ssyncadd.s32 $0xFFFFC000  }
0x97: {  	[tilespmem:s28], [sflag:$0x3] =	stream.linear.gather [hbm4b:s9+s28], $0x1400, $0x38;
	[tilespmem:$0x1E800] =	vst v63  }
0x98: {  	_ =	swait.ge [sflag:s18], $0x1400  }
0x99: {  	[sflag:s18] =	ssyncset.done $0x0  }
0x9a: {  	[sflag:s18] =	ssyncadd.s32 $0xFFFFEC00  }
0x9b: {  	[tilespmem:s19], [sflag:$0x3] =	stream.linear.gather [hbm4b:s10+s28], $0x1400, $0x38;
	[tilespmem:$0x1E800] =	vst v63  }
0x9c: {  	_ =	swait.ge [sflag:s18], $0x1400  }
0x9d: {  	[sflag:s18] =	ssyncset.done $0x0  }
0x9e: {  	[sflag:s18] =	ssyncadd.s32 $0xFFFFEC00  }
0x9f: {  	[tilespmem:s21], [sflag:$0x1] =	stream.indirect.gather [hbm4b:s4+s20], $0x80, s28, s20, $0xb8;
	[tilespmem:$0x1E800] =	vst v63  }
0xa0: {  	_ = 	snop  }
0xa1: {  	[tilespmem:s22], [sflag:$0x2] =	stream.indirect.gather [hbm4b:s4+s20], $0x80, s20, s20, $0xb8;
	[tilespmem:$0x1E800] =	vst v63  }
0xa2: {  	_ =	swait.ge [sflag:s23], $0x4000  }
0xa3: {  	[sflag:s23] =	ssyncset.done $0x0  }
0xa4: {  	s28 =	simm.s32 $0x1400;
	[sflag:s23] =	ssyncadd.s32 $0xFFFFC000  }
0xa5: {  	[spmem:s1] =	stream.indirect.scatter.add.f32 [tilespmem:s21], [sflag:$0x3], $0x80, s28, s20, $0xb8;
	[tilespmem:$0x1E800] =	vst v63  }
0xa6: {  	_ =	swait.ge [sflag:s18], $0x4000  }
0xa7: {  	[sflag:s18] =	ssyncset.done $0x0  }
0xa8: {  	s28 =	simm.s32 $0x100;
	[sflag:s18] =	ssyncadd.s32 $0xFFFFC000  }
0xa9: {  	[tilespmem:s21], [sflag:$0x1] =	stream.indirect.gather [hbm4b:s4+s20], $0x80, s28, s20, $0xb8;
	[tilespmem:$0x1E800] =	vst v63  }
0xaa: {  	_ =	swait.ge [sflag:s24], $0x4000  }
0xab: {  	[sflag:s24] =	ssyncset.done $0x0  }
0xac: {  	s28 =	simm.s32 $0x1480;
	[sflag:s24] =	ssyncadd.s32 $0xFFFFC000  }
0xad: {  	[spmem:s1] =	stream.indirect.scatter.add.f32 [tilespmem:s22], [sflag:$0x3], $0x80, s28, s20, $0xb8;
	[tilespmem:$0x1E800] =	vst v63  }
0xae: {  	_ =	swait.ge [sflag:s18], $0x4000  }
0xaf: {  	[sflag:s18] =	ssyncset.done $0x0  }
0xb0: {  	s29 =	simm.s32 $0x180;
	s28 =	simm.s32 $0x400;
	[sflag:s18] =	ssyncadd.s32 $0xFFFFC000  }
.LBB2_5:
0xb1: {  	[tilespmem:s22], [sflag:$0x2] =	stream.indirect.gather [hbm4b:s4+s20], $0x80, s29, s20, $0xb8;
	[tilespmem:$0x1E800] =	vst v63  }
0xb2: {  	s29 =	smov.u32 s28  }
0xb3: {  	p1 =	sne.s32 s28, $0x4800;
	s28 =	sadd.s32 $0x400, s28;
	_ =	swait.ge [sflag:s23], $0x4000  }
0xb4: {  	s29 =	sshra.s32 s29, $0x2;
	[sflag:s23] =	ssyncset.done $0x0  }
0xb5: {  	s30 =	sadd.s32 $0x1400, s29;
	[sflag:s23] =	ssyncadd.s32 $0xFFFFC000  }
0xb6: {  	[spmem:s1] =	stream.indirect.scatter.add.f32 [tilespmem:s21], [sflag:$0x3], $0x80, s30, s20, $0xb8;
	[tilespmem:$0x1E800] =	vst v63  }
0xb7: {  	_ =	swait.ge [sflag:s18], $0x4000  }
0xb8: {  	[sflag:s18] =	ssyncset.done $0x0  }
0xb9: {  	s30 =	sadd.s32 $0x100, s29;
	[sflag:s18] =	ssyncadd.s32 $0xFFFFC000  }
0xba: {  	[tilespmem:s21], [sflag:$0x1] =	stream.indirect.gather [hbm4b:s4+s20], $0x80, s30, s20, $0xb8;
	[tilespmem:$0x1E800] =	vst v63  }
0xbb: {  	_ =	swait.ge [sflag:s24], $0x4000  }
0xbc: {  	[sflag:s24] =	ssyncset.done $0x0  }
.Ltmp6:
0xbd: {  	s30 =	sadd.s32 $0x1480, s29;
	[sflag:s24] =	ssyncadd.s32 $0xFFFFC000;
	(pc) =	sbr.rel @p1 .LBB2_5-.Ltmp6, $4  }
0xbe: {  	[spmem:s1] =	stream.indirect.scatter.add.f32 [tilespmem:s22], [sflag:$0x3], $0x80, s30, s20, $0xb8;
	[tilespmem:$0x1E800] =	vst v63  }
0xbf: {  	_ =	swait.ge [sflag:s18], $0x4000  }
0xc0: {  	[sflag:s18] =	ssyncset.done $0x0  }
0xc1: {  	s29 =	sadd.s32 $0x180, s29;
	[sflag:s18] =	ssyncadd.s32 $0xFFFFC000  }
0xc2: {  	[tilespmem:s22], [sflag:$0x2] =	stream.indirect.gather [hbm4b:s4+s20], $0x80, s29, s20, $0xb8;
	[tilespmem:$0x1E800] =	vst v63  }
0xc3: {  	_ =	swait.ge [sflag:s23], $0x4000  }
0xc4: {  	[sflag:s23] =	ssyncset.done $0x0  }
0xc5: {  	[sflag:s23] =	ssyncadd.s32 $0xFFFFC000  }
0xc6: {  	[spmem:s1] =	stream.indirect.scatter.add.f32 [tilespmem:s21], [sflag:$0x3], $0x80, s25, s20, $0xb8;
	[tilespmem:$0x1E800] =	vst v63  }
0xc7: {  	_ =	swait.ge [sflag:s18], $0x4000  }
0xc8: {  	[sflag:s18] =	ssyncset.done $0x0  }
0xc9: {  	[sflag:s18] =	ssyncadd.s32 $0xFFFFC000  }
0xca: {  	_ =	swait.ge [sflag:s24], $0x4000  }
0xcb: {  	[sflag:s24] =	ssyncset.done $0x0  }
0xcc: {  	[sflag:s24] =	ssyncadd.s32 $0xFFFFC000  }
0xcd: {  	[spmem:s1] =	stream.indirect.scatter.add.f32 [tilespmem:s22], [sflag:$0x3], $0x80, s26, s20, $0xb8;
	[tilespmem:$0x1E800] =	vst v63  }
0xce: {  	_ =	swait.ge [sflag:s18], $0x4000  }
0xcf: {  	[sflag:s18] =	ssyncset.done $0x0  }
0xd0: {  	s28 =	simm.s32 $0x0;
	[sflag:s18] =	ssyncadd.s32 $0xFFFFC000  }
0xd1: {  	[tilespmem:s28], [sflag:$0x3] =	stream.linear.gather [hbm4b:s11+s28], $0x1400, $0x38;
	[tilespmem:$0x1E800] =	vst v63  }
0xd2: {  	_ =	swait.ge [sflag:s18], $0x1400  }
0xd3: {  	[sflag:s18] =	ssyncset.done $0x0  }
0xd4: {  	[sflag:s18] =	ssyncadd.s32 $0xFFFFEC00  }
0xd5: {  	[tilespmem:s19], [sflag:$0x3] =	stream.linear.gather [hbm4b:s12+s28], $0x1400, $0x38;
	[tilespmem:$0x1E800] =	vst v63  }
0xd6: {  	_ =	swait.ge [sflag:s18], $0x1400  }
0xd7: {  	[sflag:s18] =	ssyncset.done $0x0  }
0xd8: {  	[sflag:s18] =	ssyncadd.s32 $0xFFFFEC00  }
0xd9: {  	[tilespmem:s21], [sflag:$0x1] =	stream.indirect.gather [hbm4b:s4+s20], $0x80, s28, s20, $0xb8;
	[tilespmem:$0x1E800] =	vst v63  }
0xda: {  	_ = 	snop  }
0xdb: {  	[tilespmem:s22], [sflag:$0x2] =	stream.indirect.gather [hbm4b:s4+s20], $0x80, s20, s20, $0xb8;
	[tilespmem:$0x1E800] =	vst v63  }
0xdc: {  	_ =	swait.ge [sflag:s23], $0x4000  }
0xdd: {  	[sflag:s23] =	ssyncset.done $0x0  }
0xde: {  	s28 =	simm.s32 $0x1400;
	[sflag:s23] =	ssyncadd.s32 $0xFFFFC000  }
0xdf: {  	[spmem:s1] =	stream.indirect.scatter.add.f32 [tilespmem:s21], [sflag:$0x3], $0x80, s28, s20, $0xb8;
	[tilespmem:$0x1E800] =	vst v63  }
0xe0: {  	_ =	swait.ge [sflag:s18], $0x4000  }
0xe1: {  	[sflag:s18] =	ssyncset.done $0x0  }
0xe2: {  	s28 =	simm.s32 $0x100;
	[sflag:s18] =	ssyncadd.s32 $0xFFFFC000  }
0xe3: {  	[tilespmem:s21], [sflag:$0x1] =	stream.indirect.gather [hbm4b:s4+s20], $0x80, s28, s20, $0xb8;
	[tilespmem:$0x1E800] =	vst v63  }
0xe4: {  	_ =	swait.ge [sflag:s24], $0x4000  }
0xe5: {  	[sflag:s24] =	ssyncset.done $0x0  }
0xe6: {  	s28 =	simm.s32 $0x1480;
	[sflag:s24] =	ssyncadd.s32 $0xFFFFC000  }
0xe7: {  	[spmem:s1] =	stream.indirect.scatter.add.f32 [tilespmem:s22], [sflag:$0x3], $0x80, s28, s20, $0xb8;
	[tilespmem:$0x1E800] =	vst v63  }
0xe8: {  	_ =	swait.ge [sflag:s18], $0x4000  }
0xe9: {  	[sflag:s18] =	ssyncset.done $0x0  }
0xea: {  	s29 =	simm.s32 $0x180;
	s28 =	simm.s32 $0x400;
	[sflag:s18] =	ssyncadd.s32 $0xFFFFC000  }
.LBB2_7:
0xeb: {  	[tilespmem:s22], [sflag:$0x2] =	stream.indirect.gather [hbm4b:s4+s20], $0x80, s29, s20, $0xb8;
	[tilespmem:$0x1E800] =	vst v63  }
0xec: {  	s29 =	smov.u32 s28  }
0xed: {  	p1 =	seq.s32 s28, $0x4800;
	s28 =	sadd.s32 $0x400, s28;
	_ =	swait.ge [sflag:s23], $0x4000  }
0xee: {  	s29 =	sshra.s32 s29, $0x2;
	[sflag:s23] =	ssyncset.done $0x0  }
0xef: {  	s30 =	sadd.s32 $0x1400, s29;
	[sflag:s23] =	ssyncadd.s32 $0xFFFFC000  }
0xf0: {  	[spmem:s1] =	stream.indirect.scatter.add.f32 [tilespmem:s21], [sflag:$0x3], $0x80, s30, s20, $0xb8;
	[tilespmem:$0x1E800] =	vst v63  }
0xf1: {  	_ =	swait.ge [sflag:s18], $0x4000  }
0xf2: {  	[sflag:s18] =	ssyncset.done $0x0  }
0xf3: {  	s30 =	sadd.s32 $0x100, s29;
	[sflag:s18] =	ssyncadd.s32 $0xFFFFC000  }
0xf4: {  	[tilespmem:s21], [sflag:$0x1] =	stream.indirect.gather [hbm4b:s4+s20], $0x80, s30, s20, $0xb8;
	[tilespmem:$0x1E800] =	vst v63  }
0xf5: {  	_ =	swait.ge [sflag:s24], $0x4000  }
0xf6: {  	[sflag:s24] =	ssyncset.done $0x0  }
.Ltmp7:
0xf7: {  	s30 =	sadd.s32 $0x1480, s29;
	[sflag:s24] =	ssyncadd.s32 $0xFFFFC000;
	(pc) =	sbr.rel @!p1 .LBB2_7-.Ltmp7, $4  }
0xf8: {  	[spmem:s1] =	stream.indirect.scatter.add.f32 [tilespmem:s22], [sflag:$0x3], $0x80, s30, s20, $0xb8;
	[tilespmem:$0x1E800] =	vst v63  }
0xf9: {  	_ =	swait.ge [sflag:s18], $0x4000  }
0xfa: {  	[sflag:s18] =	ssyncset.done $0x0  }
0xfb: {  	s29 =	sadd.s32 $0x180, s29;
	[sflag:s18] =	ssyncadd.s32 $0xFFFFC000  }
.Ltmp8:
0xfc: {  	(pc) =	sbr.rel .LBB2_12-.Ltmp8, $2  }
0xfd: {  	_ =	sdelay $0x2  }
0xfe: {  	[tilespmem:s22], [sflag:$0x2] =	stream.indirect.gather [hbm4b:s4+s20], $0x80, s29, s20, $0xb8;
	[tilespmem:$0x1E800] =	vst v63  }
.LBB2_13:
0xff: {  	_ =	sfence.sel $0x180000  }
0x100: {  	[bflag:$0x0] =	sbarrier.arrive $0xFFFF  }
0x101: {  	p0 =	sne.s32 s2, $0x0;
	_ =	strace $0x9000004D  }
0x102: {  	s0 =	sadd.s32 @!p0 $0x100000, s0;
	[bflag:$0x2] =	sbarrier.arrive $0xFFFF  }
0x103: {  	[sflag:s0] =	ssyncadd.tile.s32 @!p0 $0x1;
	_ =	shalt  }
.Lfunc_end2:
_tile_overlayer_lowered:
.L_overlay_start_2:
0x104: {  	(tag) =	ssettag $0x2  }
0x105: {  	s0 =	rddreg [dreg:$0x0];
	s2 =	stileid.u32  }
0x106: {  	s1 =	rddreg [dreg:$0x1];
	p0 =	sne.s32 s2, $0x0  }
0x107: {  	s3 =	rddreg [dreg:$0x2];
	[bflag:$0x3] =	sbarrier.arrive $0xFFFF;
	s2 =	simm.s32 @!p0 $0x1C03  }
0x108: {  	[timem:s3], [sflag:s2] =	dma.local @!p0 [hbm:s0], s1  }
0x109: {  	s0 =	simm.s32 @!p0 $0x3  }
0x10a: {  	_ =	swait.ge @!p0 [sflag:s0], s1  }
0x10b: {  	s1 =	ssub.s32 @!p0 $0x0, s1;
	[sflag:s0] =	ssyncset.done @!p0 $0x0  }
0x10c: {  	[sflag:s0] =	ssyncadd.s32 @!p0 s1  }
0x10d: {  	[bflag:$0x3] =	sbarrier.arrive $0xFFFF  }
0x10e: {  	_ =	shalt  }

// kernel: kernel.8.cloned.1.call-start
scs
__scs_entry_jumppad:
0x0: {  	(pc) =	sbr.rel $0x88, $3  }
0x1: {  	(tag) =	ssettag $0x0;
	lr =	simm.s32 $0x1  }
0x2: {  	[smem:$0x3F99] =	sst lr;
	_ =	strace $0xD0000000  }
0x3: {  	_ = 	snop  }
0x4: {  	_ = 	snop  }
0x5: {  	_ = 	snop  }
0x6: {  	_ = 	snop  }
0x7: {  	_ = 	snop  }
__scs_overlays_trampoline_lowered:
0x8: {  	[smem:$0x3FA8] =	sst s0  }
0x9: {  	[smem:$0x3FA9] =	sst s1  }
0xa: {  	[smem:$0x3FAA] =	sst s2  }
0xb: {  	[smem:$0x3FAB] =	sst s3  }
0xc: {  	[smem:$0x3FAC] =	sst s4  }
0xd: {  	[smem:$0x3FAD] =	sst s5  }
0xe: {  	[smem:$0x3FAE] =	sst s6  }
0xf: {  	[smem:$0x3FAF] =	sst s7  }
0x10: {  	[smem:$0x3FB0] =	sst s8  }
0x11: {  	[smem:$0x3FB1] =	sst s9;
	s0 =	simm.s32 @!p0 $0x0  }
0x12: {  	s1 =	sld [smem:$0x3F97];
	s0 =	simm.s32 @p0 $0x1  }
0x13: {  	[smem:$0x3FB2] =	sst s0;
	s0 =	simm.s32 @!p1 $0x0  }
0x14: {  	s2 =	sld [smem:$0x3F96];
	s0 =	simm.s32 @p1 $0x1  }
0x15: {  	[smem:$0x3FB3] =	sst s0;
	s0 =	simm.s32 @!p2 $0x0  }
0x16: {  	s3 =	sld [smem:$0x3FDB];
	s0 =	simm.s32 @p2 $0x1  }
0x17: {  	s4 =	simm.s32 $0x1BF5;
	[smem:$0x3FB5] =	sst s0  }
0x18: {  	s0 =	sld [smem:$0x3F98];
	_ =	swait.ge [sflag:s4], $0x0  }
0x19: {  	s7 =	sld [smem:$0x3F99]  }
0x1a: {  	s8 =	sadd.s32 $0xFFFFE003, lr  }
0x1b: {  	s9 =	sadd.s32 $0xFFFFFEF7, lr;
	s5 =	simm.s32 $0xFFFFFFFF;
	p2 =	slt.u32 s8, $0xFFFFF086  }
0x1c: {  	p1 =	slt.u32 s9, $0xF7A;
	s5 =	simm.s32 @!p2 $0x0  }
0x1d: {  	s5 =	simm.s32 @p1 $0x1;
	p0 =	seq.s32 s7, s2  }
0x1e: {  	s7 =	smul.u32 @!p0 $0xF7A, s2;
	p2 =	seq.s32 @!p0 s5, $0x0  }
0x1f: {  	s9 =	smul.u32 $0xF7A, s1;
	s8 =	simm.s32 @!p0 $0x1BF5;
	p2 =	por !p2, p0  }
0x20: {  	[sflag:s8] =	ssyncset.s32 @!p0 $0xFFFFF086;
	s6 =	sadd.s32 @!p0 s3, s7;
	s7 =	simm.s32 @!p0 $0x108  }
0x21: {  	s3 =	sadd.s32 s3, s9;
	s6 =	sadd.s32 @!p0 $0x88, s6;
	s7 =	simm.s32 @p2 $0x1082  }
0x22: {  	[simem:s7], [sflag:s8] =	dma.local @!p0 [hbm:s6], $0xF7A  }
0x23: {  	s9 =	sor.u32 $0xD0000000, s2;
	s6 =	simm.s32 $0x108;
	_ =	swait.ge @!p0 [sflag:s8], $0x0  }
0x24: {  	s3 =	sadd.s32 $0x88, s3;
	s6 =	simm.s32 @!p1 $0x1082;
	[sflag:s4] =	ssyncset.s32 $0xFFFFF086  }
0x25: {  	[simem:s6], [sflag:s4] =	dma.local [hbm:s3], $0xF7A  }
0x26: {  	[smem:$0x3F99] =	sst s1;
	(tag) =	ssettag s2;
	_ =	strace s9  }
0x27: {  	s1 =	sld [smem:$0x3FA9]  }
0x28: {  	s2 =	sld [smem:$0x3FAA]  }
0x29: {  	s4 =	sld [smem:$0x3FAC]  }
0x2a: {  	p0 =	seq.s32 s5, $0x0;
	s5 =	sld [smem:$0x3FAD]  }
0x2b: {  	s6 =	sld [smem:$0x3FAE]  }
0x2c: {  	s7 =	sld [smem:$0x3FAF]  }
0x2d: {  	s3 =	simm.s32 $0x108;
	s8 =	sld [smem:$0x3FB0]  }
0x2e: {  	s3 =	simm.s32 @!p0 $0x1082;
	s9 =	sld [smem:$0x3FB1]  }
0x2f: {  	lr =	sadd.s32 s0, s3;
	s0 =	sld [smem:$0x3FA8]  }
0x30: {  	s3 =	sld [smem:$0x3FAB]  }
0x31: {  	[smem:$0x3FB4] =	sst s10  }
0x32: {  	s10 =	sld [smem:$0x3FB2];
	_ =	sdelay $0x3  }
0x33: {  	p0 =	seq.s32 s10, $0x1;
	s10 =	sld [smem:$0x3FB4];
	_ =	sdelay $0x3  }
0x34: {  	[smem:$0x3FB4] =	sst s10  }
0x35: {  	s10 =	sld [smem:$0x3FB3];
	_ =	sdelay $0x3  }
0x36: {  	p1 =	seq.s32 s10, $0x1;
	s10 =	sld [smem:$0x3FB4];
	_ =	sdelay $0x3  }
0x37: {  	[smem:$0x3FB4] =	sst s10  }
0x38: {  	s10 =	sld [smem:$0x3FB5]  }
0x39: {  	_ = 	snop;
	(pc) =	sbr.ind lr, $3  }
0x3a: {  	_ = 	snop  }
0x3b: {  	_ = 	snop  }
0x3c: {  	p2 =	seq.s32 s10, $0x1;
	s10 =	sld [smem:$0x3FB4]  }
0x3d: {  	_ =	shalt  }
0x3e: {  	_ =	shalt  }
0x3f: {  	_ =	shalt  }
0x40: {  	_ =	shalt  }
0x41: {  	_ =	shalt  }
0x42: {  	_ =	shalt  }
0x43: {  	_ =	shalt  }
0x44: {  	_ =	shalt  }
0x45: {  	_ =	shalt  }
0x46: {  	_ =	shalt  }
0x47: {  	_ =	shalt  }
0x48: {  	_ =	shalt  }
0x49: {  	_ =	shalt  }
0x4a: {  	_ =	shalt  }
0x4b: {  	_ =	shalt  }
0x4c: {  	_ =	shalt  }
0x4d: {  	_ =	shalt  }
0x4e: {  	_ =	shalt  }
0x4f: {  	_ =	shalt  }
0x50: {  	_ =	shalt  }
0x51: {  	_ =	shalt  }
0x52: {  	_ =	shalt  }
0x53: {  	_ =	shalt  }
0x54: {  	_ =	shalt  }
0x55: {  	_ =	shalt  }
0x56: {  	_ =	shalt  }
0x57: {  	_ =	shalt  }
0x58: {  	_ =	shalt  }
0x59: {  	_ =	shalt  }
0x5a: {  	_ =	shalt  }
0x5b: {  	_ =	shalt  }
0x5c: {  	_ =	shalt  }
0x5d: {  	_ =	shalt  }
0x5e: {  	_ =	shalt  }
0x5f: {  	_ =	shalt  }
0x60: {  	_ =	shalt  }
0x61: {  	_ =	shalt  }
0x62: {  	_ =	shalt  }
0x63: {  	_ =	shalt  }
0x64: {  	_ =	shalt  }
0x65: {  	_ =	shalt  }
0x66: {  	_ =	shalt  }
0x67: {  	_ =	shalt  }
0x68: {  	_ =	shalt  }
0x69: {  	_ =	shalt  }
0x6a: {  	_ =	shalt  }
0x6b: {  	_ =	shalt  }
0x6c: {  	_ =	shalt  }
0x6d: {  	_ =	shalt  }
0x6e: {  	_ =	shalt  }
0x6f: {  	_ =	shalt  }
0x70: {  	_ =	shalt  }
0x71: {  	_ =	shalt  }
0x72: {  	_ =	shalt  }
0x73: {  	_ =	shalt  }
0x74: {  	_ =	shalt  }
0x75: {  	_ =	shalt  }
0x76: {  	_ =	shalt  }
0x77: {  	_ =	shalt  }
0x78: {  	_ =	shalt  }
0x79: {  	_ =	shalt  }
0x7a: {  	_ =	shalt  }
0x7b: {  	_ =	shalt  }
0x7c: {  	_ =	shalt  }
0x7d: {  	_ =	shalt  }
0x7e: {  	_ =	shalt  }
0x7f: {  	_ =	shalt  }
0x80: {  	_ =	shalt  }
0x81: {  	_ =	shalt  }
0x82: {  	_ =	shalt  }
0x83: {  	_ =	shalt  }
0x84: {  	_ =	shalt  }
0x85: {  	_ =	shalt  }
0x86: {  	_ =	shalt  }
0x87: {  	_ =	shalt  }
.Lfunc_end0:
.L_simem_size_0:
called_computation_lowered:
.L_overlay_start_0:
0x88: {  	s2 =	sld [smem:$0x3FD9]  }
0x89: {  	s3 =	sld [smem:$0x3FFE];
	_ =	sdelay $0x1  }
0x8a: {  	s1 =	srdreg.scid  }
0x8b: {  	s0 =	sand.u32 $0x1, s1  }
0x8c: {  	s16 =	sshll.u32 s0, $0xA;
	s2 =	sadd.s32 s3, s2  }
0x8d: {  	s2 =	sadd.s32 s2, s16  }
0x8e: {  	[smem:$0x3FC0] =	sst s2  }
0x8f: {  	_ = 	snop  }
0x90: {  	(tm) =	ssettm $0x1  }
0x91: {  	s17 =	sld [smem:$0x3FFB];
	_ =	sdelay $0x3  }
0x92: {  	_ =	strace s17  }
0x93: {  	s2 =	sld [smem:$0x3FFC];
	_ =	sdelay $0x3  }
0x94: {  	_ =	strace s2  }
0x95: {  	s2 =	sld [smem:$0x3FFD];
	_ =	sdelay $0x3  }
0x96: {  	_ =	strace s2  }
0x97: {  	_ =	strace $0x8FFFFFFF  }
0x98: {  	s18 =	sld [smem:$0x3FDB];
	_ =	sdelay $0x1  }
0x99: {  	s19 =	simm.s32 $_scs_section_size  }
0x9a: {  	s4 =	simm.s32 $_size__tile_overlayer_lowered;
	s5 =	simm.s32 $_tile_overlayer_lowered  }
0x9b: {  	s22 =	simm.s32 $0x1BFF;
	s21 =	sshll.u32 s5, $0x1;
	s2 =	sadd.s32 s19, s18  }
0x9c: {  	s6 =	simm.s32 $0x0;
	s20 =	sshll.u32 s4, $0x1;
	s4 =	sadd.s32 s21, s2  }
0x9d: {  	[timem:s6], [sflag:s22] =	dma.local [hbm:s4], s20  }
0x9e: {  	_ =	swait.ge [sflag:s22], s20  }
0x9f: {  	s3 =	ssub.s32 $0x0, s20;
	[sflag:s22] =	ssyncset.done $0x0  }
0xa0: {  	[sflag:s22] =	ssyncadd.s32 s3;
	_ =	sdelay $0x1  }
0xa1: {  	s23 =	simm.s32 $0x1B8B  }
0xa2: {  	_ =	swait.ge [sflag:s23], $0x1  }
0xa3: {  	[sflag:s23] =	ssyncset.done $0x0  }
0xa4: {  	s25 =	simm.s32 $0x1B8E;
	s24 =	sld [smem:$0x3FFE];
	[sflag:s23] =	ssyncadd.s32 $0xFFFFFFFF  }
0xa5: {  	s26 =	simm.s32 $execute0_lowered;
	[smem:$0x3FD2] =	sst s25  }
0xa6: {  	s4 =	sshll.u32 s26, $0x1;
	_ =	strace $0x80000046;
	[dreg:$0x1] =	wrdreg $0xFFFFFFFF  }
0xa7: {  	s28 =	simm.s32 $_size_execute0_lowered;
	s2 =	sadd.s32 s2, s4;
	[dreg:$0x0] =	wrdreg $0x0  }
0xa8: {  	s4 =	sshll.u32 s28, $0x1;
	[dreg:$0x2] =	wrdreg s2  }
0xa9: {  	[dreg:$0x3] =	wrdreg s4  }
0xaa: {  	[dreg:$0x4] =	wrdreg $0xC0  }
0xab: {  	_ =	task [dreg:s6], $0x5FFFF  }
0xac: {  	[dreg:$0x1] =	wrdreg $0xFFFFFFFF  }
0xad: {  	[dreg:$0x0] =	wrdreg $0x60  }
0xae: {  	[dreg:$0x2] =	wrdreg s24  }
0xaf: {  	[dreg:$0x3] =	wrdreg $0x68000  }
0xb0: {  	[dreg:$0x4] =	wrdreg $0x9  }
0xb1: {  	_ =	task.clear_ibuf [dreg:s6], $0x5FFFF;
	_ =	strace $0x90000046  }
0xb2: {  	s29 =	simm.s32 $0x9;
	_ =	strace $0x80000048  }
0xb3: {  	_ =	swait.ge [sflag:s29], $0x1  }
0xb4: {  	[sflag:s29] =	ssyncadd.s32 $0xFFFFFFFF  }
0xb5: {  	_ =	strace $0x90000048  }
0xb6: {  	_ =	sfence  }
0xb7: {  	s30 =	sld [smem:$0x0];
	_ =	sdelay $0x2  }
0xb8: {  	s31 =	sshll.u32 s1, $0xD;
	s1 =	sshrl.u32 s1, $0x2  }
0xb9: {  	s3 =	sand.u32 $0x4000, s31;
	s1 =	sadd.s32 s1, s30  }
0xba: {  	s0 =	sor.u32 s3, s0;
	s1 =	sshll.u32 s1, $0x11  }
0xbb: {  	s0 =	sor.u32 s1, s0  }
0xbc: {  	s0 =	sadd.s32 $0x8F2B, s0  }
0xbd: {  	[sflag:s0] =	ssyncadd.remote.s32 $0x1  }
0xbe: {  	_ =	sfence.sel $0xFFFF  }
0xbf: {  	[dreg:$0x0] =	wrdreg $0xFFFFFFFF;
	(pc) =	sbr.abs _section_cstart, $3  }
0xc0: {  	[dreg:$0x1] =	wrdreg $0xFFFFFFFF  }
0xc1: {  	_ =	task.clear_ibuf [dreg:s6], $0x2FFFF;
	_ =	strace $0x9FFFFFFF  }
0xc2: {  	(tm) =	ssettm $0x7FFFFFFF  }
0xc3: {  	_ =	shalt  }
tec
execute0_lowered:
.L_overlay_start_1:
0x0: {  	(tag) =	ssettag $0x1  }
0x1: {  	s7 =	rddreg [dreg:$0x0]  }
0x2: {  	s0 =	srdreg.scid;
	s2 =	rddreg [dreg:$0x1]  }
0x3: {  	s3 =	simm.s32 $0x0;
	s12 =	simm.s32 $0x2800;
	s6 =	sand.u32 $0x1, s0  }
0x4: {  	s13 =	simm.s32 $0x80;
	s0 =	stileid.u32;
	s5 =	smul.u32 $0x140000, s6  }
0x5: {  	s14 =	simm.s32 $0x0;
	[smem:$0x7FF] =	sst s3;
	s8 =	smul.u32 $0x14000, s0  }
0x6: {  	s1 =	sshll.u32 s6, $0x4;
	s10 =	smul.u32 $0x50000, s0;
	s6 =	ssub.s32 $0x2, s6  }
0x7: {  	s31 =	sshll.u32 s0, $0x6;
	s1 =	sor.u32 s0, s1;
	s30 =	sshrl.u32 s6, $0x1  }
0x8: {  	s4 =	smul.u32 $0x500, s1;
	s1 =	rddreg [dreg:$0x2];
	_ =	strace $0x80000047  }
0x9: {  	s8 =	sadd.s32 s8, s5;
	s5 =	sadd.s32 $0xD200, s7;
	s10 =	sshrl.u32 s10, $0x2  }
0xa: {  	s11 =	ssub.s32 s6, s30;
	s6 =	sor.u32 $0x1C01, s31;
	s8 =	sshrl.u32 s8, $0x3  }
0xb: {  	s10 =	sadd.s32 s10, s2;
	s9 =	sadd.s32 s4, s7;
	s4 =	sadd.s32 $0xFA00, s7  }
0xc: {  	s8 =	sadd.s32 s8, s7;
	s10 =	sshrl.u32 s10, $0x3;
	s7 =	sadd.s32 $0x3200, s9  }
0xd: {  	s8 =	sadd.s32 $0x10200, s8;
	s9 =	smax.u32 s11, $0x1;
	s11 =	simm.s32 $0x1  }
.LBB2_1:
0xe: {  	[spmem:s10], [sflag:s6] =	dma.local [hbm:s5], $0x2800  }
0xf: {  	_ =	swait.ge [sflag:s11], $0x2800  }
0x10: {  	[sflag:s11] =	ssyncset.done $0x0  }
0x11: {  	[sflag:s11] =	ssyncadd.s32 $0xFFFFD800  }
0x12: {  	[tilespmem:s12], [sflag:$0x1] =	stream.linear.gather [hbm4b:s4+s3], $0x4000, $0x38;
	[tilespmem:$0x1A800] =	vst v63  }
0x13: {  	_ =	swait.ge [sflag:s11], $0x4000  }
0x14: {  	[sflag:s11] =	ssyncset.done $0x0  }
0x15: {  	[sflag:s11] =	ssyncadd.s32 $0xFFFFC000  }
0x16: {  	[tilespmem:s3], [sflag:$0x1] =	stream.linear.gather [hbm4b:s7+s3], $0x2800, $0x38;
	[tilespmem:$0x1A800] =	vst v63  }
0x17: {  	_ =	swait.ge [sflag:s11], $0x2800  }
0x18: {  	[sflag:s11] =	ssyncset.done $0x0  }
0x19: {  	[sflag:s11] =	ssyncadd.s32 $0xFFFFD800  }
0x1a: {  	s15 =	simm.s32 $0x0;
	[bflag:$0x0] =	sbarrier.arrive $0xFFFF  }
0x1b: {  	[spmem:s2] =	stream.indirect.scatter.add.f32 [tilespmem:s12], [sflag:$0x1], $0x80, s15, s13, $0xb8;
	[tilespmem:$0x1A800] =	vst v63  }
0x1c: {  	_ =	swait.ge [sflag:s11], $0x4000  }
0x1d: {  	s15 =	simm.s32 $0x200;
	[sflag:s11] =	ssyncset.done $0x0  }
.LBB2_2:
0x1e: {  	s16 =	sshra.s32 s15, $0x2;
	[sflag:s11] =	ssyncadd.s32 $0xFFFFC000;
	p0 =	sne.s32 s15, $0x9E00  }
0x1f: {  	[spmem:s2] =	stream.indirect.scatter.add.f32 [tilespmem:s12], [sflag:$0x1], $0x80, s16, s13, $0xb8;
	[tilespmem:$0x1A800] =	vst v63  }
.Ltmp0:
0x20: {  	_ = 	snop;
	(pc) =	sbr.rel @p0 .LBB2_2-.Ltmp0, $4  }
0x21: {  	_ = 	snop  }
0x22: {  	s15 =	sadd.s32 $0x200, s15  }
0x23: {  	_ =	swait.ge [sflag:s11], $0x4000  }
0x24: {  	[sflag:s11] =	ssyncset.done $0x0  }
0x25: {  	s14 =	sadd.s32 $0x1, s14  }
0x26: {  	[sflag:s11] =	ssyncadd.s32 $0xFFFFC000;
	p0 =	sne.s32 s14, s9  }
.Ltmp1:
0x27: {  	[bflag:$0x0] =	sbarrier.arrive $0xFFFF;
	(pc) =	sbr.rel @p0 .LBB2_1-.Ltmp1, $4  }
0x28: {  	[hbm:s8], [sflag:s6] =	dma.local [spmem:s10], $0x2800  }
0x29: {  	_ =	swait.ge [sflag:s11], $0x2800  }
0x2a: {  	[sflag:s11] =	ssyncset.done $0x0  }
0x2b: {  	[sflag:s11] =	ssyncadd.s32 $0xFFFFD800  }
0x2c: {  	_ =	sfence.sel $0x180000  }
0x2d: {  	[bflag:$0x0] =	sbarrier.arrive $0xFFFF  }
0x2e: {  	p0 =	sne.s32 s0, $0x0;
	_ =	strace $0x90000047  }
0x2f: {  	s0 =	sadd.s32 @!p0 $0x100000, s1;
	[bflag:$0x2] =	sbarrier.arrive $0xFFFF  }
0x30: {  	[sflag:s0] =	ssyncadd.tile.s32 @!p0 $0x1;
	_ =	shalt  }
.Lfunc_end2:
_tile_overlayer_lowered:
.L_overlay_start_2:
0x31: {  	(tag) =	ssettag $0x2  }
0x32: {  	s0 =	rddreg [dreg:$0x0];
	s2 =	stileid.u32  }
0x33: {  	s1 =	rddreg [dreg:$0x1];
	p0 =	sne.s32 s2, $0x0  }
0x34: {  	s3 =	rddreg [dreg:$0x2];
	[bflag:$0x3] =	sbarrier.arrive $0xFFFF;
	s2 =	simm.s32 @!p0 $0x1C01  }
0x35: {  	[timem:s3], [sflag:s2] =	dma.local @!p0 [hbm:s0], s1  }
0x36: {  	s0 =	simm.s32 @!p0 $0x1  }
0x37: {  	_ =	swait.ge @!p0 [sflag:s0], s1  }
0x38: {  	s1 =	ssub.s32 @!p0 $0x0, s1;
	[sflag:s0] =	ssyncset.done @!p0 $0x0  }
0x39: {  	[sflag:s0] =	ssyncadd.s32 @!p0 s1  }
0x3a: {  	[bflag:$0x3] =	sbarrier.arrive $0xFFFF  }
0x3b: {  	_ =	shalt  }

</sc_bundles>
